<compile_context>
chip_gen: v7x
topology: tpu7x:2x2x1
jax: 0.10.2.dev20260603
libtpu: 0.0.44.dev20260713+nightly
codegen_flags: <defaults>
</compile_context>

<pallas_src>
import functools

import jax
import jax.numpy as jnp
from jax import lax
from jax.experimental import pallas as pl
from jax.experimental.pallas import tpu as pltpu
from jax.experimental.pallas import tpu_sc as plsc

EPS = 1e-12
H = 128
LANES = 16
NJ = H // LANES
CHUNK = 128


def _make_sc_call(n_rows, seq_len):
  nc, ns = 2, 16
  nw = nc * ns
  assert n_rows % (nw * CHUNK) == 0
  rows_per_w = n_rows // nw
  assert rows_per_w % seq_len == 0
  n_chunks = rows_per_w // CHUNK
  assert n_chunks >= 2 and n_chunks % 2 == 0

  mesh = plsc.VectorSubcoreMesh(
      core_axis_name="c", subcore_axis_name="s", num_cores=nc, num_subcores=ns)

  @functools.partial(
      pl.kernel,
      out_type=jax.ShapeDtypeStruct((n_rows, H), jnp.float32),
      mesh=mesh,
      compiler_params=pltpu.CompilerParams(needs_layout_passes=False),
      scratch_types=[
          pltpu.VMEM((CHUNK,), jnp.int32),
          pltpu.VMEM((CHUNK,), jnp.int32),
          pltpu.VMEM((CHUNK, H), jnp.float32),
          pltpu.VMEM((CHUNK, H), jnp.float32),
          pltpu.VMEM((CHUNK, H), jnp.float32),
          pltpu.VMEM((CHUNK, H), jnp.float32),
          pltpu.VMEM((seq_len, H), jnp.float32),
          pltpu.VMEM((1, H), jnp.float32),
          pltpu.VMEM((H,), jnp.float32),
          pltpu.VMEM((H,), jnp.float32),
          pltpu.SemaphoreType.DMA,
          pltpu.SemaphoreType.DMA,
          pltpu.SemaphoreType.DMA,
          pltpu.SemaphoreType.DMA,
          pltpu.SemaphoreType.DMA,
          pltpu.SemaphoreType.DMA,
      ],
  )
  def call(ids_hbm, word_hbm, pos_hbm, tok_hbm, gam_hbm, bet_hbm, out_hbm,
           idx0, idx1, buf0, buf1, obuf0, obuf1, addv, tokv, gamv, betv,
           sem0, sem1, osem0, osem1, isem0, isem1):
    wid = lax.axis_index("s") * nc + lax.axis_index("c")
    base = wid * rows_per_w

    pltpu.sync_copy(pos_hbm.at[pl.ds(0, seq_len)], addv)
    pltpu.sync_copy(tok_hbm.at[pl.ds(0, 1)], tokv)
    pltpu.sync_copy(gam_hbm, gamv)
    pltpu.sync_copy(bet_hbm, betv)

    def add_tok(i, _):
      for j in range(NJ):
        sl = pl.ds(j * LANES, LANES)
        addv[i, sl] = addv[i, sl] + tokv[0, sl]
      return 0
    lax.fori_loop(0, seq_len, add_tok, 0)

    g_regs = [gamv[pl.ds(j * LANES, LANES)] for j in range(NJ)]
    b_regs = [betv[pl.ds(j * LANES, LANES)] for j in range(NJ)]

    def compute_ln(buf, obuf, chunk_id):
      row0 = chunk_id * CHUNK

      @plsc.parallel_loop(0, CHUNK, unroll=4)
      def row(r):
        p = lax.rem(row0 + r, seq_len)
        t = []
        for j in range(NJ):
          sl = pl.ds(j * LANES, LANES)
          t.append(buf[r, sl] + addv[p, sl])
        s = t[0] + t[1]
        q = t[0] * t[0] + t[1] * t[1]
        for j in range(2, NJ):
          s = s + t[j]
          q = q + t[j] * t[j]
        mean = jnp.sum(s) * jnp.float32(1.0 / H)
        msq = jnp.sum(q) * jnp.float32(1.0 / H)
        var = msq - mean * mean
        x = var + jnp.float32(EPS)
        i32 = lax.bitcast_convert_type(x, jnp.int32)
        i32 = jnp.int32(0x5F3759DF) - lax.shift_right_logical(i32, 1)
        y = lax.bitcast_convert_type(i32, jnp.float32)
        for _ in range(2):
          y = y * (jnp.float32(1.5) - jnp.float32(0.5) * x * y * y)
        c = mean * y
        for j in range(NJ):
          obuf[r, pl.ds(j * LANES, LANES)] = (
              (t[j] * y - c) * g_regs[j] + b_regs[j])

    def idx_src(g):
      return ids_hbm.at[pl.ds(base + g * CHUNK, CHUNK)]

    def out_dst(g):
      return out_hbm.at[pl.ds(base + g * CHUNK, CHUNK)]

    pltpu.async_copy(idx_src(0), idx0, isem0)
    pltpu.async_copy(idx_src(1), idx1, isem1)
    pltpu.make_async_copy(idx_src(0), idx0, isem0).wait()
    pltpu.async_copy(word_hbm.at[idx0], buf0, sem0)

    def body(t, _):
      g0 = 2 * t
      g1 = g0 + 1
      not_last = t < n_chunks // 2 - 1
      not_first = t > 0

      pltpu.make_async_copy(word_hbm.at[idx0], buf0, sem0).wait()

      @pl.when(not_last)
      def _():
        pltpu.async_copy(idx_src(g0 + 2), idx0, isem0)

      pltpu.make_async_copy(idx_src(g1), idx1, isem1).wait()
      pltpu.async_copy(word_hbm.at[idx1], buf1, sem1)

      @pl.when(not_first)
      def _():
        pltpu.make_async_copy(obuf0, out_dst(g0 - 2), osem0).wait()

      compute_ln(buf0, obuf0, g0)
      pltpu.async_copy(obuf0, out_dst(g0), osem0)

      pltpu.make_async_copy(word_hbm.at[idx1], buf1, sem1).wait()

      @pl.when(not_last)
      def _():
        pltpu.async_copy(idx_src(g1 + 2), idx1, isem1)
        pltpu.make_async_copy(idx_src(g0 + 2), idx0, isem0).wait()
        pltpu.async_copy(word_hbm.at[idx0], buf0, sem0)

      @pl.when(not_first)
      def _():
        pltpu.make_async_copy(obuf1, out_dst(g1 - 2), osem1).wait()

      compute_ln(buf1, obuf1, g1)
      pltpu.async_copy(obuf1, out_dst(g1), osem1)
      return 0

    lax.fori_loop(0, n_chunks // 2, body, 0)

    pltpu.make_async_copy(obuf0, out_dst(n_chunks - 2), osem0).wait()
    pltpu.make_async_copy(obuf1, out_dst(n_chunks - 1), osem1).wait()

  return call


def kernel(input_ids, entity_ids, word_emb, pos_emb, tok_emb, ent_emb,
           ln_gamma, ln_beta):
  del entity_ids, ent_emb
  bsz, seq_len = input_ids.shape
  n_rows = bsz * seq_len
  ids = input_ids.reshape(n_rows).astype(jnp.int32)
  call = _make_sc_call(n_rows, seq_len)
  out = call(ids, word_emb, pos_emb, tok_emb, ln_gamma, ln_beta)
  return out.reshape(bsz, seq_len, H)

# --- scband reference (transcript-rebuilt; emitter-appended) ---
"""Pipeline reference for scband-entity-embeddings-41455024341584 (READ-ONLY COPY).

The authoritative reference and input builder live on the scoring server;
editing this copy changes nothing except your own understanding.
"""

import jax, jax.numpy as jnp
import numpy as np

VOCAB = 100000
HIDDEN = 128
MAX_POS = 512
TYPE_VOCAB = 2
EPS = 1e-12
B, S = 1024, 200


def setup_inputs(seed: int = 0) -> dict:
    key = jax.random.key(seed)
    k1, k2, k3, k4, k5, k6 = jax.random.split(key, 6)
    input_ids = jax.random.randint(k1, (B, S), 0, VOCAB, dtype=jnp.int64 if jax.config.jax_enable_x64 else jnp.int32)
    entity_ids = jax.random.randint(k2, (B, S), 0, 2, dtype=jnp.int64 if jax.config.jax_enable_x64 else jnp.int32)
    word_emb = jax.random.normal(k3, (VOCAB, HIDDEN), dtype=jnp.float32) * 0.02
    word_emb = word_emb.at[0].set(0.0)  # padding_idx=0
    pos_emb = jax.random.normal(k4, (MAX_POS, HIDDEN), dtype=jnp.float32) * 0.02
    tok_emb = jax.random.normal(k5, (TYPE_VOCAB, HIDDEN), dtype=jnp.float32) * 0.02
    ent_emb = jax.random.normal(k6, (2, HIDDEN), dtype=jnp.float32) * 0.02
    ln_gamma = jnp.ones((HIDDEN,), dtype=jnp.float32)
    ln_beta = jnp.zeros((HIDDEN,), dtype=jnp.float32)
    return {
        "input_ids": input_ids,
        "entity_ids": entity_ids,
        "word_emb": word_emb,
        "pos_emb": pos_emb,
        "tok_emb": tok_emb,
        "ent_emb": ent_emb,
        "ln_gamma": ln_gamma,
        "ln_beta": ln_beta,
    }


def _layer_norm(x, gamma, beta, eps):
    mean = jnp.mean(x, axis=-1, keepdims=True)
    var = jnp.mean(jnp.square(x - mean), axis=-1, keepdims=True)
    xhat = (x - mean) / jnp.sqrt(var + eps)
    return xhat * gamma + beta


def reference(input_ids, entity_ids, word_emb, pos_emb, tok_emb, ent_emb, ln_gamma, ln_beta):
    bsz, seq_length = input_ids.shape
    # position_ids default: arange broadcast over batch
    position_ids = jnp.broadcast_to(jnp.arange(seq_length, dtype=input_ids.dtype)[None, :], (bsz, seq_length))
    # token_type_ids default: zeros
    token_type_ids = jnp.zeros((bsz, seq_length), dtype=input_ids.dtype)
    inputs_embeds = jnp.take(word_emb, input_ids, axis=0)
    position_embeddings = jnp.take(pos_emb, position_ids, axis=0)
    token_type_embeddings = jnp.take(tok_emb, token_type_ids, axis=0)
    entity_embeddings = jnp.take(ent_emb, entity_ids, axis=0)  # computed but unused, faithful to source
    del entity_embeddings
    embeddings = inputs_embeds + position_embeddings + token_type_embeddings
    embeddings = _layer_norm(embeddings, ln_gamma, ln_beta, EPS)
    # dropout p=0.0 -> identity
    return embeddings

if __name__ == "__main__":
    import jax
    _d = setup_inputs()
    print(jax.jit(kernel)(*tuple(_d.values())))

</pallas_src>

<mosaic_0001>
#map = affine_map<(d0, d1) -> (0)>
#map1 = affine_map<(d0, d1) -> (0, 0)>
module attributes {stable_mosaic.version = 14 : i64} {
  func.func @call(%arg0: i32, %arg1: i32, %arg2: memref<204800xi32, #tpu.memory_space<hbm>>, %arg3: memref<100000x128xf32, #tpu.memory_space<hbm>>, %arg4: memref<512x128xf32, #tpu.memory_space<hbm>>, %arg5: memref<2x128xf32, #tpu.memory_space<hbm>>, %arg6: memref<128xf32, #tpu.memory_space<hbm>>, %arg7: memref<128xf32, #tpu.memory_space<hbm>>, %arg8: memref<204800x128xf32, #tpu.memory_space<hbm>>, %arg9: memref<128xi32, #tpu.memory_space<vmem>>, %arg10: memref<128xi32, #tpu.memory_space<vmem>>, %arg11: memref<128x128xf32, #tpu.memory_space<vmem>>, %arg12: memref<128x128xf32, #tpu.memory_space<vmem>>, %arg13: memref<128x128xf32, #tpu.memory_space<vmem>>, %arg14: memref<128x128xf32, #tpu.memory_space<vmem>>, %arg15: memref<200x128xf32, #tpu.memory_space<vmem>>, %arg16: memref<1x128xf32, #tpu.memory_space<vmem>>, %arg17: memref<128xf32, #tpu.memory_space<vmem>>, %arg18: memref<128xf32, #tpu.memory_space<vmem>>, %arg19: memref<!tpu.dma_semaphore, #tpu.memory_space<semaphore_mem>>, %arg20: memref<!tpu.dma_semaphore, #tpu.memory_space<semaphore_mem>>, %arg21: memref<!tpu.dma_semaphore, #tpu.memory_space<semaphore_mem>>, %arg22: memref<!tpu.dma_semaphore, #tpu.memory_space<semaphore_mem>>, %arg23: memref<!tpu.dma_semaphore, #tpu.memory_space<semaphore_mem>>, %arg24: memref<!tpu.dma_semaphore, #tpu.memory_space<semaphore_mem>>) attributes {dimension_semantics = [#tpu.dimension_semantics<core_parallel>, #tpu.dimension_semantics<subcore_parallel>], iteration_bounds = array<i64: 2, 16>, scalar_prefetch = 0 : i64, scratch_operands = 16 : i64, tpu.core_type = #tpu.core_type<sc_vector_subcore>, window_params = [{transform_indices = #map}, {transform_indices = #map1}, {transform_indices = #map1}, {transform_indices = #map1}, {transform_indices = #map}, {transform_indices = #map}, {transform_indices = #map1}]} {
    %mul3A = arith.constant 2 : i32
    %mul3A_0 = arith.muli %arg1, %mul3A : i32
    %add3A = arith.addi %mul3A_0, %arg0 : i32
    %mul3A_1 = arith.constant 6400 : i32
    %mul3A_2 = arith.muli %add3A, %mul3A_1 : i32
    "tpu.region"() ({
      %run_scoped3A = tpu.sem_alloc : memref<!tpu.dma_semaphore, #tpu.memory_space<semaphore_mem>>
      %dma_start3A_72 = arith.constant 0 : i32
      %dma_start3A_73 = arith.constant 0 : i32
      %dma_start3A_74 = tpu.memref_slice %arg4[%dma_start3A_72, %dma_start3A_73] : memref<512x128xf32, #tpu.memory_space<hbm>> -> memref<200x128xf32, #tpu.memory_space<hbm>>
      %dma_start3A_75 = arith.constant 0 : i32
      %dma_start3A_76 = arith.constant 0 : i32
      %dma_start3A_77 = tpu.memref_slice %arg4[%dma_start3A_75, %dma_start3A_76] : memref<512x128xf32, #tpu.memory_space<hbm>> -> memref<200x128xf32, #tpu.memory_space<hbm>>
      tpu.enqueue_dma source(%dma_start3A_77 : memref<200x128xf32, #tpu.memory_space<hbm>>) target(%arg15 : memref<200x128xf32, #tpu.memory_space<vmem>>) target_semaphore(%run_scoped3A : memref<!tpu.dma_semaphore, #tpu.memory_space<semaphore_mem>>)
      %dma_wait3A_78 = arith.constant 0 : i32
      %dma_wait3A_79 = arith.constant 0 : i32
      %dma_wait3A_80 = tpu.memref_slice %arg4[%dma_wait3A_78, %dma_wait3A_79] : memref<512x128xf32, #tpu.memory_space<hbm>> -> memref<200x128xf32, #tpu.memory_space<hbm>>
      %dma_wait3A_81 = arith.constant 0 : i32
      %dma_wait3A_82 = arith.constant 0 : i32
      %dma_wait3A_83 = tpu.memref_slice %arg4[%dma_wait3A_81, %dma_wait3A_82] : memref<512x128xf32, #tpu.memory_space<hbm>> -> memref<200x128xf32, #tpu.memory_space<hbm>>
      tpu.wait_dma2 semaphore(%run_scoped3A : memref<!tpu.dma_semaphore, #tpu.memory_space<semaphore_mem>>) src(%dma_wait3A_83 : memref<200x128xf32, #tpu.memory_space<hbm>>) dst(%arg15 : memref<200x128xf32, #tpu.memory_space<vmem>>)
      tpu.yield
    }) : () -> ()
    "tpu.region"() ({
      %run_scoped3A = tpu.sem_alloc : memref<!tpu.dma_semaphore, #tpu.memory_space<semaphore_mem>>
      %dma_start3A_72 = arith.constant 0 : i32
      %dma_start3A_73 = arith.constant 0 : i32
      %dma_start3A_74 = tpu.memref_slice %arg5[%dma_start3A_72, %dma_start3A_73] : memref<2x128xf32, #tpu.memory_space<hbm>> -> memref<1x128xf32, #tpu.memory_space<hbm>>
      %dma_start3A_75 = arith.constant 0 : i32
      %dma_start3A_76 = arith.constant 0 : i32
      %dma_start3A_77 = tpu.memref_slice %arg5[%dma_start3A_75, %dma_start3A_76] : memref<2x128xf32, #tpu.memory_space<hbm>> -> memref<1x128xf32, #tpu.memory_space<hbm>>
      tpu.enqueue_dma source(%dma_start3A_77 : memref<1x128xf32, #tpu.memory_space<hbm>>) target(%arg16 : memref<1x128xf32, #tpu.memory_space<vmem>>) target_semaphore(%run_scoped3A : memref<!tpu.dma_semaphore, #tpu.memory_space<semaphore_mem>>)
      %dma_wait3A_78 = arith.constant 0 : i32
      %dma_wait3A_79 = arith.constant 0 : i32
      %dma_wait3A_80 = tpu.memref_slice %arg5[%dma_wait3A_78, %dma_wait3A_79] : memref<2x128xf32, #tpu.memory_space<hbm>> -> memref<1x128xf32, #tpu.memory_space<hbm>>
      %dma_wait3A_81 = arith.constant 0 : i32
      %dma_wait3A_82 = arith.constant 0 : i32
      %dma_wait3A_83 = tpu.memref_slice %arg5[%dma_wait3A_81, %dma_wait3A_82] : memref<2x128xf32, #tpu.memory_space<hbm>> -> memref<1x128xf32, #tpu.memory_space<hbm>>
      tpu.wait_dma2 semaphore(%run_scoped3A : memref<!tpu.dma_semaphore, #tpu.memory_space<semaphore_mem>>) src(%dma_wait3A_83 : memref<1x128xf32, #tpu.memory_space<hbm>>) dst(%arg16 : memref<1x128xf32, #tpu.memory_space<vmem>>)
      tpu.yield
    }) : () -> ()
    "tpu.region"() ({
      %run_scoped3A = tpu.sem_alloc : memref<!tpu.dma_semaphore, #tpu.memory_space<semaphore_mem>>
      tpu.enqueue_dma source(%arg6 : memref<128xf32, #tpu.memory_space<hbm>>) target(%arg17 : memref<128xf32, #tpu.memory_space<vmem>>) target_semaphore(%run_scoped3A : memref<!tpu.dma_semaphore, #tpu.memory_space<semaphore_mem>>)
      tpu.wait_dma2 semaphore(%run_scoped3A : memref<!tpu.dma_semaphore, #tpu.memory_space<semaphore_mem>>) src(%arg6 : memref<128xf32, #tpu.memory_space<hbm>>) dst(%arg17 : memref<128xf32, #tpu.memory_space<vmem>>)
      tpu.yield
    }) : () -> ()
    "tpu.region"() ({
      %run_scoped3A = tpu.sem_alloc : memref<!tpu.dma_semaphore, #tpu.memory_space<semaphore_mem>>
      tpu.enqueue_dma source(%arg7 : memref<128xf32, #tpu.memory_space<hbm>>) target(%arg18 : memref<128xf32, #tpu.memory_space<vmem>>) target_semaphore(%run_scoped3A : memref<!tpu.dma_semaphore, #tpu.memory_space<semaphore_mem>>)
      tpu.wait_dma2 semaphore(%run_scoped3A : memref<!tpu.dma_semaphore, #tpu.memory_space<semaphore_mem>>) src(%arg7 : memref<128xf32, #tpu.memory_space<hbm>>) dst(%arg18 : memref<128xf32, #tpu.memory_space<vmem>>)
      tpu.yield
    }) : () -> ()
    %scan3A = arith.constant 0 : i32
    %scan3A_3 = arith.constant 0 : i32
    %scan3A_4 = arith.constant 200 : i32
    %scan3A_5 = arith.addi %scan3A_3, %scan3A_4 : i32
    %scan3A_6 = arith.constant 1 : i32
    %scan3A_7 = scf.for %scan3A_72 = %scan3A_3 to %scan3A_5 step %scan3A_6 iter_args(%scan3A_73 = %scan3A) -> (i32)  : i32 {
      %get3A_74 = arith.index_cast %scan3A_72 : i32 to index
      %get3A_75 = arith.constant 0 : index
      %get3A_76 = tpu.vector_load %arg15[%get3A_74, %get3A_75] {strides = array<i32>} : memref<200x128xf32, #tpu.memory_space<vmem>>, vector<16xf32>,
      %get3A_77 = arith.constant 0 : i32
      %get3A_78 = arith.index_cast %get3A_77 : i32 to index
      %get3A_79 = arith.constant 0 : index
      %get3A_80 = tpu.vector_load %arg16[%get3A_78, %get3A_79] {strides = array<i32>} : memref<1x128xf32, #tpu.memory_space<vmem>>, vector<16xf32>,
      %add3A_81 = arith.addf %get3A_76, %get3A_80 : vector<16xf32>
      %swap3A = arith.index_cast %scan3A_72 : i32 to index
      %swap3A_82 = arith.constant 0 : index
      %swap3A_83 = tpu.vector_load %arg15[%swap3A, %swap3A_82] {strides = array<i32>} : memref<200x128xf32, #tpu.memory_space<vmem>>, vector<16xf32>,
      tpu.vector_store %arg15[%swap3A, %swap3A_82], %add3A_81 {strides = array<i32>} : memref<200x128xf32, #tpu.memory_space<vmem>>, vector<16xf32>,
      %get3A_84 = arith.index_cast %scan3A_72 : i32 to index
      %get3A_85 = arith.constant 16 : index
      %get3A_86 = tpu.vector_load %arg15[%get3A_84, %get3A_85] {strides = array<i32>} : memref<200x128xf32, #tpu.memory_space<vmem>>, vector<16xf32>,
      %get3A_87 = arith.constant 0 : i32
      %get3A_88 = arith.index_cast %get3A_87 : i32 to index
      %get3A_89 = arith.constant 16 : index
      %get3A_90 = tpu.vector_load %arg16[%get3A_88, %get3A_89] {strides = array<i32>} : memref<1x128xf32, #tpu.memory_space<vmem>>, vector<16xf32>,
      %add3A_91 = arith.addf %get3A_86, %get3A_90 : vector<16xf32>
      %swap3A_92 = arith.index_cast %scan3A_72 : i32 to index
      %swap3A_93 = arith.constant 16 : index
      %swap3A_94 = tpu.vector_load %arg15[%swap3A_92, %swap3A_93] {strides = array<i32>} : memref<200x128xf32, #tpu.memory_space<vmem>>, vector<16xf32>,
      tpu.vector_store %arg15[%swap3A_92, %swap3A_93], %add3A_91 {strides = array<i32>} : memref<200x128xf32, #tpu.memory_space<vmem>>, vector<16xf32>,
      %get3A_95 = arith.index_cast %scan3A_72 : i32 to index
      %get3A_96 = arith.constant 32 : index
      %get3A_97 = tpu.vector_load %arg15[%get3A_95, %get3A_96] {strides = array<i32>} : memref<200x128xf32, #tpu.memory_space<vmem>>, vector<16xf32>,
      %get3A_98 = arith.constant 0 : i32
      %get3A_99 = arith.index_cast %get3A_98 : i32 to index
      %get3A_100 = arith.constant 32 : index
      %get3A_101 = tpu.vector_load %arg16[%get3A_99, %get3A_100] {strides = array<i32>} : memref<1x128xf32, #tpu.memory_space<vmem>>, vector<16xf32>,
      %add3A_102 = arith.addf %get3A_97, %get3A_101 : vector<16xf32>
      %swap3A_103 = arith.index_cast %scan3A_72 : i32 to index
      %swap3A_104 = arith.constant 32 : index
      %swap3A_105 = tpu.vector_load %arg15[%swap3A_103, %swap3A_104] {strides = array<i32>} : memref<200x128xf32, #tpu.memory_space<vmem>>, vector<16xf32>,
      tpu.vector_store %arg15[%swap3A_103, %swap3A_104], %add3A_102 {strides = array<i32>} : memref<200x128xf32, #tpu.memory_space<vmem>>, vector<16xf32>,
      %get3A_106 = arith.index_cast %scan3A_72 : i32 to index
      %get3A_107 = arith.constant 48 : index
      %get3A_108 = tpu.vector_load %arg15[%get3A_106, %get3A_107] {strides = array<i32>} : memref<200x128xf32, #tpu.memory_space<vmem>>, vector<16xf32>,
      %get3A_109 = arith.constant 0 : i32
      %get3A_110 = arith.index_cast %get3A_109 : i32 to index
      %get3A_111 = arith.constant 48 : index
      %get3A_112 = tpu.vector_load %arg16[%get3A_110, %get3A_111] {strides = array<i32>} : memref<1x128xf32, #tpu.memory_space<vmem>>, vector<16xf32>,
      %add3A_113 = arith.addf %get3A_108, %get3A_112 : vector<16xf32>
      %swap3A_114 = arith.index_cast %scan3A_72 : i32 to index
      %swap3A_115 = arith.constant 48 : index
      %swap3A_116 = tpu.vector_load %arg15[%swap3A_114, %swap3A_115] {strides = array<i32>} : memref<200x128xf32, #tpu.memory_space<vmem>>, vector<16xf32>,
      tpu.vector_store %arg15[%swap3A_114, %swap3A_115], %add3A_113 {strides = array<i32>} : memref<200x128xf32, #tpu.memory_space<vmem>>, vector<16xf32>,
      %get3A_117 = arith.index_cast %scan3A_72 : i32 to index
      %get3A_118 = arith.constant 64 : index
      %get3A_119 = tpu.vector_load %arg15[%get3A_117, %get3A_118] {strides = array<i32>} : memref<200x128xf32, #tpu.memory_space<vmem>>, vector<16xf32>,
      %get3A_120 = arith.constant 0 : i32
      %get3A_121 = arith.index_cast %get3A_120 : i32 to index
      %get3A_122 = arith.constant 64 : index
      %get3A_123 = tpu.vector_load %arg16[%get3A_121, %get3A_122] {strides = array<i32>} : memref<1x128xf32, #tpu.memory_space<vmem>>, vector<16xf32>,
      %add3A_124 = arith.addf %get3A_119, %get3A_123 : vector<16xf32>
      %swap3A_125 = arith.index_cast %scan3A_72 : i32 to index
      %swap3A_126 = arith.constant 64 : index
      %swap3A_127 = tpu.vector_load %arg15[%swap3A_125, %swap3A_126] {strides = array<i32>} : memref<200x128xf32, #tpu.memory_space<vmem>>, vector<16xf32>,
      tpu.vector_store %arg15[%swap3A_125, %swap3A_126], %add3A_124 {strides = array<i32>} : memref<200x128xf32, #tpu.memory_space<vmem>>, vector<16xf32>,
      %get3A_128 = arith.index_cast %scan3A_72 : i32 to index
      %get3A_129 = arith.constant 80 : index
      %get3A_130 = tpu.vector_load %arg15[%get3A_128, %get3A_129] {strides = array<i32>} : memref<200x128xf32, #tpu.memory_space<vmem>>, vector<16xf32>,
      %get3A_131 = arith.constant 0 : i32
      %get3A_132 = arith.index_cast %get3A_131 : i32 to index
      %get3A_133 = arith.constant 80 : index
      %get3A_134 = tpu.vector_load %arg16[%get3A_132, %get3A_133] {strides = array<i32>} : memref<1x128xf32, #tpu.memory_space<vmem>>, vector<16xf32>,
      %add3A_135 = arith.addf %get3A_130, %get3A_134 : vector<16xf32>
      %swap3A_136 = arith.index_cast %scan3A_72 : i32 to index
      %swap3A_137 = arith.constant 80 : index
      %swap3A_138 = tpu.vector_load %arg15[%swap3A_136, %swap3A_137] {strides = array<i32>} : memref<200x128xf32, #tpu.memory_space<vmem>>, vector<16xf32>,
      tpu.vector_store %arg15[%swap3A_136, %swap3A_137], %add3A_135 {strides = array<i32>} : memref<200x128xf32, #tpu.memory_space<vmem>>, vector<16xf32>,
      %get3A_139 = arith.index_cast %scan3A_72 : i32 to index
      %get3A_140 = arith.constant 96 : index
      %get3A_141 = tpu.vector_load %arg15[%get3A_139, %get3A_140] {strides = array<i32>} : memref<200x128xf32, #tpu.memory_space<vmem>>, vector<16xf32>,
      %get3A_142 = arith.constant 0 : i32
      %get3A_143 = arith.index_cast %get3A_142 : i32 to index
      %get3A_144 = arith.constant 96 : index
      %get3A_145 = tpu.vector_load %arg16[%get3A_143, %get3A_144] {strides = array<i32>} : memref<1x128xf32, #tpu.memory_space<vmem>>, vector<16xf32>,
      %add3A_146 = arith.addf %get3A_141, %get3A_145 : vector<16xf32>
      %swap3A_147 = arith.index_cast %scan3A_72 : i32 to index
      %swap3A_148 = arith.constant 96 : index
      %swap3A_149 = tpu.vector_load %arg15[%swap3A_147, %swap3A_148] {strides = array<i32>} : memref<200x128xf32, #tpu.memory_space<vmem>>, vector<16xf32>,
      tpu.vector_store %arg15[%swap3A_147, %swap3A_148], %add3A_146 {strides = array<i32>} : memref<200x128xf32, #tpu.memory_space<vmem>>, vector<16xf32>,
      %get3A_150 = arith.index_cast %scan3A_72 : i32 to index
      %get3A_151 = arith.constant 112 : index
      %get3A_152 = tpu.vector_load %arg15[%get3A_150, %get3A_151] {strides = array<i32>} : memref<200x128xf32, #tpu.memory_space<vmem>>, vector<16xf32>,
      %get3A_153 = arith.constant 0 : i32
      %get3A_154 = arith.index_cast %get3A_153 : i32 to index
      %get3A_155 = arith.constant 112 : index
      %get3A_156 = tpu.vector_load %arg16[%get3A_154, %get3A_155] {strides = array<i32>} : memref<1x128xf32, #tpu.memory_space<vmem>>, vector<16xf32>,
      %add3A_157 = arith.addf %get3A_152, %get3A_156 : vector<16xf32>
      %swap3A_158 = arith.index_cast %scan3A_72 : i32 to index
      %swap3A_159 = arith.constant 112 : index
      %swap3A_160 = tpu.vector_load %arg15[%swap3A_158, %swap3A_159] {strides = array<i32>} : memref<200x128xf32, #tpu.memory_space<vmem>>, vector<16xf32>,
      tpu.vector_store %arg15[%swap3A_158, %swap3A_159], %add3A_157 {strides = array<i32>} : memref<200x128xf32, #tpu.memory_space<vmem>>, vector<16xf32>,
      %scan3A_161 = arith.constant 0 : i32
      scf.yield %scan3A_161 : i32
    }
    %scan3A_8 = arith.constant 200 : i32
    %get3A = arith.constant 0 : index
    %get3A_9 = tpu.vector_load %arg17[%get3A] {strides = array<i32>} : memref<128xf32, #tpu.memory_space<vmem>>, vector<16xf32>,
    %get3A_10 = arith.constant 16 : index
    %get3A_11 = tpu.vector_load %arg17[%get3A_10] {strides = array<i32>} : memref<128xf32, #tpu.memory_space<vmem>>, vector<16xf32>,
    %get3A_12 = arith.constant 32 : index
    %get3A_13 = tpu.vector_load %arg17[%get3A_12] {strides = array<i32>} : memref<128xf32, #tpu.memory_space<vmem>>, vector<16xf32>,
    %get3A_14 = arith.constant 48 : index
    %get3A_15 = tpu.vector_load %arg17[%get3A_14] {strides = array<i32>} : memref<128xf32, #tpu.memory_space<vmem>>, vector<16xf32>,
    %get3A_16 = arith.constant 64 : index
    %get3A_17 = tpu.vector_load %arg17[%get3A_16] {strides = array<i32>} : memref<128xf32, #tpu.memory_space<vmem>>, vector<16xf32>,
    %get3A_18 = arith.constant 80 : index
    %get3A_19 = tpu.vector_load %arg17[%get3A_18] {strides = array<i32>} : memref<128xf32, #tpu.memory_space<vmem>>, vector<16xf32>,
    %get3A_20 = arith.constant 96 : index
    %get3A_21 = tpu.vector_load %arg17[%get3A_20] {strides = array<i32>} : memref<128xf32, #tpu.memory_space<vmem>>, vector<16xf32>,
    %get3A_22 = arith.constant 112 : index
    %get3A_23 = tpu.vector_load %arg17[%get3A_22] {strides = array<i32>} : memref<128xf32, #tpu.memory_space<vmem>>, vector<16xf32>,
    %get3A_24 = arith.constant 0 : index
    %get3A_25 = tpu.vector_load %arg18[%get3A_24] {strides = array<i32>} : memref<128xf32, #tpu.memory_space<vmem>>, vector<16xf32>,
    %get3A_26 = arith.constant 16 : index
    %get3A_27 = tpu.vector_load %arg18[%get3A_26] {strides = array<i32>} : memref<128xf32, #tpu.memory_space<vmem>>, vector<16xf32>,
    %get3A_28 = arith.constant 32 : index
    %get3A_29 = tpu.vector_load %arg18[%get3A_28] {strides = array<i32>} : memref<128xf32, #tpu.memory_space<vmem>>, vector<16xf32>,
    %get3A_30 = arith.constant 48 : index
    %get3A_31 = tpu.vector_load %arg18[%get3A_30] {strides = array<i32>} : memref<128xf32, #tpu.memory_space<vmem>>, vector<16xf32>,
    %get3A_32 = arith.constant 64 : index
    %get3A_33 = tpu.vector_load %arg18[%get3A_32] {strides = array<i32>} : memref<128xf32, #tpu.memory_space<vmem>>, vector<16xf32>,
    %get3A_34 = arith.constant 80 : index
    %get3A_35 = tpu.vector_load %arg18[%get3A_34] {strides = array<i32>} : memref<128xf32, #tpu.memory_space<vmem>>, vector<16xf32>,
    %get3A_36 = arith.constant 96 : index
    %get3A_37 = tpu.vector_load %arg18[%get3A_36] {strides = array<i32>} : memref<128xf32, #tpu.memory_space<vmem>>, vector<16xf32>,
    %get3A_38 = arith.constant 112 : index
    %get3A_39 = tpu.vector_load %arg18[%get3A_38] {strides = array<i32>} : memref<128xf32, #tpu.memory_space<vmem>>, vector<16xf32>,
    %add3A_40 = arith.constant 0 : i32
    %add3A_41 = arith.addi %mul3A_2, %add3A_40 : i32
    %dma_start3A = tpu.memref_slice %arg2[%add3A_41] : memref<204800xi32, #tpu.memory_space<hbm>> -> memref<128xi32, #tpu.memory_space<hbm>>
    %dma_start3A_42 = tpu.memref_slice %arg2[%add3A_41] : memref<204800xi32, #tpu.memory_space<hbm>> -> memref<128xi32, #tpu.memory_space<hbm>>
    tpu.enqueue_dma source(%dma_start3A_42 : memref<128xi32, #tpu.memory_space<hbm>>) target(%arg9 : memref<128xi32, #tpu.memory_space<vmem>>) target_semaphore(%arg23 : memref<!tpu.dma_semaphore, #tpu.memory_space<semaphore_mem>>)
    %add3A_43 = arith.constant 128 : i32
    %add3A_44 = arith.addi %mul3A_2, %add3A_43 : i32
    %dma_start3A_45 = tpu.memref_slice %arg2[%add3A_44] : memref<204800xi32, #tpu.memory_space<hbm>> -> memref<128xi32, #tpu.memory_space<hbm>>
    %dma_start3A_46 = tpu.memref_slice %arg2[%add3A_44] : memref<204800xi32, #tpu.memory_space<hbm>> -> memref<128xi32, #tpu.memory_space<hbm>>
    tpu.enqueue_dma source(%dma_start3A_46 : memref<128xi32, #tpu.memory_space<hbm>>) target(%arg10 : memref<128xi32, #tpu.memory_space<vmem>>) target_semaphore(%arg24 : memref<!tpu.dma_semaphore, #tpu.memory_space<semaphore_mem>>)
    %add3A_47 = arith.constant 0 : i32
    %add3A_48 = arith.addi %mul3A_2, %add3A_47 : i32
    %dma_wait3A = tpu.memref_slice %arg2[%add3A_48] : memref<204800xi32, #tpu.memory_space<hbm>> -> memref<128xi32, #tpu.memory_space<hbm>>
    %dma_wait3A_49 = tpu.memref_slice %arg2[%add3A_48] : memref<204800xi32, #tpu.memory_space<hbm>> -> memref<128xi32, #tpu.memory_space<hbm>>
    tpu.wait_dma2 semaphore(%arg23 : memref<!tpu.dma_semaphore, #tpu.memory_space<semaphore_mem>>) src(%dma_wait3A_49 : memref<128xi32, #tpu.memory_space<hbm>>) dst(%arg9 : memref<128xi32, #tpu.memory_space<vmem>>)
    %dma_start3A_50 = arith.constant 0 : i32
    %dma_start3A_51 = arith.constant 0 : i32
    %dma_start3A_52 = tpu.memref_slice %arg3[%dma_start3A_50, %dma_start3A_51] : memref<100000x128xf32, #tpu.memory_space<hbm>> -> memref<100000x128xf32, #tpu.memory_space<hbm>>
    tpu.enqueue_indirect_dma source(%dma_start3A_52 : memref<100000x128xf32, #tpu.memory_space<hbm>>) target(%arg11 : memref<128x128xf32, #tpu.memory_space<vmem>>) offsets(%arg9 : memref<128xi32, #tpu.memory_space<vmem>>) semaphore(%arg19 : memref<!tpu.dma_semaphore, #tpu.memory_space<semaphore_mem>>)
    %scan3A_53 = arith.constant 0 : i32
    %scan3A_54 = arith.constant 0 : i32
    %scan3A_55 = arith.constant 25 : i32
    %scan3A_56 = arith.addi %scan3A_54, %scan3A_55 : i32
    %scan3A_57 = arith.constant 1 : i32
    %scan3A_58 = scf.for %scan3A_72 = %scan3A_54 to %scan3A_56 step %scan3A_57 iter_args(%scan3A_73 = %scan3A_53) -> (i32)  : i32 {
      %mul3A_74 = arith.constant 2 : i32
      %mul3A_75 = arith.muli %mul3A_74, %scan3A_72 : i32
      %add3A_76 = arith.constant 1 : i32
      %add3A_77 = arith.addi %mul3A_75, %add3A_76 : i32
      %lt3A = arith.constant 24 : i32
      %lt3A_78 = arith.cmpi slt, %scan3A_72, %lt3A : i32
      %gt3A = arith.constant 0 : i32
      %gt3A_79 = arith.cmpi sgt, %scan3A_72, %gt3A : i32
      %dma_wait3A_80 = arith.constant 0 : i32
      %dma_wait3A_81 = arith.constant 0 : i32
      %dma_wait3A_82 = tpu.memref_slice %arg3[%dma_wait3A_80, %dma_wait3A_81] : memref<100000x128xf32, #tpu.memory_space<hbm>> -> memref<100000x128xf32, #tpu.memory_space<hbm>>
      tpu.wait_indirect_dma semaphore(%arg19 : memref<!tpu.dma_semaphore, #tpu.memory_space<semaphore_mem>>) src(%dma_wait3A_82 : memref<100000x128xf32, #tpu.memory_space<hbm>>) dst(%arg11 : memref<128x128xf32, #tpu.memory_space<vmem>>)
      %convert_element_type3A = arith.extui %lt3A_78 : i1 to i32
      %cond3A = arith.constant 0 : i32
      %cond3A_83 = arith.cmpi ne, %convert_element_type3A, %cond3A : i32
      scf.if %cond3A_83 {
        %add3A_128 = arith.constant 2 : i32
        %add3A_129 = arith.addi %mul3A_75, %add3A_128 : i32
        %mul3A_130 = arith.constant 128 : i32
        %mul3A_131 = arith.muli %add3A_129, %mul3A_130 : i32
        %add3A_132 = arith.addi %mul3A_2, %mul3A_131 : i32
        %dma_start3A_133 = tpu.memref_slice %arg2[%add3A_132] : memref<204800xi32, #tpu.memory_space<hbm>> -> memref<128xi32, #tpu.memory_space<hbm>>
        %dma_start3A_134 = tpu.memref_slice %arg2[%add3A_132] : memref<204800xi32, #tpu.memory_space<hbm>> -> memref<128xi32, #tpu.memory_space<hbm>>
        tpu.enqueue_dma source(%dma_start3A_134 : memref<128xi32, #tpu.memory_space<hbm>>) target(%arg9 : memref<128xi32, #tpu.memory_space<vmem>>) target_semaphore(%arg23 : memref<!tpu.dma_semaphore, #tpu.memory_space<semaphore_mem>>)
      } else {
      }
      %mul3A_84 = arith.constant 128 : i32
      %mul3A_85 = arith.muli %add3A_77, %mul3A_84 : i32
      %add3A_86 = arith.addi %mul3A_2, %mul3A_85 : i32
      %dma_wait3A_87 = tpu.memref_slice %arg2[%add3A_86] : memref<204800xi32, #tpu.memory_space<hbm>> -> memref<128xi32, #tpu.memory_space<hbm>>
      %dma_wait3A_88 = tpu.memref_slice %arg2[%add3A_86] : memref<204800xi32, #tpu.memory_space<hbm>> -> memref<128xi32, #tpu.memory_space<hbm>>
      tpu.wait_dma2 semaphore(%arg24 : memref<!tpu.dma_semaphore, #tpu.memory_space<semaphore_mem>>) src(%dma_wait3A_88 : memref<128xi32, #tpu.memory_space<hbm>>) dst(%arg10 : memref<128xi32, #tpu.memory_space<vmem>>)
      %dma_start3A_89 = arith.constant 0 : i32
      %dma_start3A_90 = arith.constant 0 : i32
      %dma_start3A_91 = tpu.memref_slice %arg3[%dma_start3A_89, %dma_start3A_90] : memref<100000x128xf32, #tpu.memory_space<hbm>> -> memref<100000x128xf32, #tpu.memory_space<hbm>>
      tpu.enqueue_indirect_dma source(%dma_start3A_91 : memref<100000x128xf32, #tpu.memory_space<hbm>>) target(%arg12 : memref<128x128xf32, #tpu.memory_space<vmem>>) offsets(%arg10 : memref<128xi32, #tpu.memory_space<vmem>>) semaphore(%arg20 : memref<!tpu.dma_semaphore, #tpu.memory_space<semaphore_mem>>)
      %convert_element_type3A_92 = arith.extui %gt3A_79 : i1 to i32
      %cond3A_93 = arith.constant 0 : i32
      %cond3A_94 = arith.cmpi ne, %convert_element_type3A_92, %cond3A_93 : i32
      scf.if %cond3A_94 {
        %sub3A = arith.constant 2 : i32
        %sub3A_128 = arith.subi %mul3A_75, %sub3A : i32
        %mul3A_129 = arith.constant 128 : i32
        %mul3A_130 = arith.muli %sub3A_128, %mul3A_129 : i32
        %add3A_131 = arith.addi %mul3A_2, %mul3A_130 : i32
        %dma_wait3A_132 = arith.constant 0 : i32
        %dma_wait3A_133 = tpu.memref_slice %arg8[%add3A_131, %dma_wait3A_132] : memref<204800x128xf32, #tpu.memory_space<hbm>> -> memref<128x128xf32, #tpu.memory_space<hbm>>
        %dma_wait3A_134 = arith.constant 0 : i32
        %dma_wait3A_135 = tpu.memref_slice %arg8[%add3A_131, %dma_wait3A_134] : memref<204800x128xf32, #tpu.memory_space<hbm>> -> memref<128x128xf32, #tpu.memory_space<hbm>>
        tpu.wait_dma2 semaphore(%arg21 : memref<!tpu.dma_semaphore, #tpu.memory_space<semaphore_mem>>) src(%arg13 : memref<128x128xf32, #tpu.memory_space<vmem>>) dst(%dma_wait3A_135 : memref<128x128xf32, #tpu.memory_space<hbm>>)
      } else {
      }
      %mul3A_95 = arith.constant 128 : i32
      %mul3A_96 = arith.muli %mul3A_75, %mul3A_95 : i32
      %parallel_loop3A = arith.constant 0 : i32
      %parallel_loop3A_97 = arith.constant 128 : i32
      %parallel_loop3A_98 = arith.constant 1 : i32
      scf.for %parallel_loop3A_128 = %parallel_loop3A to %parallel_loop3A_97 step %parallel_loop3A_98  : i32 {
        %parallel_loop3A_129 = arith.addi %mul3A_96, %parallel_loop3A_128 : i32
        %parallel_loop3A_130 = arith.constant 200 : i32
        %parallel_loop3A_131 = arith.remsi %parallel_loop3A_129, %parallel_loop3A_130 : i32
        %parallel_loop3A_132 = arith.index_cast %parallel_loop3A_128 : i32 to index
        %parallel_loop3A_133 = arith.constant 0 : index
        %parallel_loop3A_134 = tpu.vector_load %arg11[%parallel_loop3A_132, %parallel_loop3A_133] {strides = array<i32>} : memref<128x128xf32, #tpu.memory_space<vmem>>, vector<16xf32>,
        %parallel_loop3A_135 = arith.index_cast %parallel_loop3A_131 : i32 to index
        %parallel_loop3A_136 = arith.constant 0 : index
        %parallel_loop3A_137 = tpu.vector_load %arg15[%parallel_loop3A_135, %parallel_loop3A_136] {strides = array<i32>} : memref<200x128xf32, #tpu.memory_space<vmem>>, vector<16xf32>,
        %parallel_loop3A_138 = arith.addf %parallel_loop3A_134, %parallel_loop3A_137 : vector<16xf32>
        %parallel_loop3A_139 = arith.index_cast %parallel_loop3A_128 : i32 to index
        %parallel_loop3A_140 = arith.constant 16 : index
        %parallel_loop3A_141 = tpu.vector_load %arg11[%parallel_loop3A_139, %parallel_loop3A_140] {strides = array<i32>} : memref<128x128xf32, #tpu.memory_space<vmem>>, vector<16xf32>,
        %parallel_loop3A_142 = arith.index_cast %parallel_loop3A_131 : i32 to index
        %parallel_loop3A_143 = arith.constant 16 : index
        %parallel_loop3A_144 = tpu.vector_load %arg15[%parallel_loop3A_142, %parallel_loop3A_143] {strides = array<i32>} : memref<200x128xf32, #tpu.memory_space<vmem>>, vector<16xf32>,
        %parallel_loop3A_145 = arith.addf %parallel_loop3A_141, %parallel_loop3A_144 : vector<16xf32>
        %parallel_loop3A_146 = arith.index_cast %parallel_loop3A_128 : i32 to index
        %parallel_loop3A_147 = arith.constant 32 : index
        %parallel_loop3A_148 = tpu.vector_load %arg11[%parallel_loop3A_146, %parallel_loop3A_147] {strides = array<i32>} : memref<128x128xf32, #tpu.memory_space<vmem>>, vector<16xf32>,
        %parallel_loop3A_149 = arith.index_cast %parallel_loop3A_131 : i32 to index
        %parallel_loop3A_150 = arith.constant 32 : index
        %parallel_loop3A_151 = tpu.vector_load %arg15[%parallel_loop3A_149, %parallel_loop3A_150] {strides = array<i32>} : memref<200x128xf32, #tpu.memory_space<vmem>>, vector<16xf32>,
        %parallel_loop3A_152 = arith.addf %parallel_loop3A_148, %parallel_loop3A_151 : vector<16xf32>
        %parallel_loop3A_153 = arith.index_cast %parallel_loop3A_128 : i32 to index
        %parallel_loop3A_154 = arith.constant 48 : index
        %parallel_loop3A_155 = tpu.vector_load %arg11[%parallel_loop3A_153, %parallel_loop3A_154] {strides = array<i32>} : memref<128x128xf32, #tpu.memory_space<vmem>>, vector<16xf32>,
        %parallel_loop3A_156 = arith.index_cast %parallel_loop3A_131 : i32 to index
        %parallel_loop3A_157 = arith.constant 48 : index
        %parallel_loop3A_158 = tpu.vector_load %arg15[%parallel_loop3A_156, %parallel_loop3A_157] {strides = array<i32>} : memref<200x128xf32, #tpu.memory_space<vmem>>, vector<16xf32>,
        %parallel_loop3A_159 = arith.addf %parallel_loop3A_155, %parallel_loop3A_158 : vector<16xf32>
        %parallel_loop3A_160 = arith.index_cast %parallel_loop3A_128 : i32 to index
        %parallel_loop3A_161 = arith.constant 64 : index
        %parallel_loop3A_162 = tpu.vector_load %arg11[%parallel_loop3A_160, %parallel_loop3A_161] {strides = array<i32>} : memref<128x128xf32, #tpu.memory_space<vmem>>, vector<16xf32>,
        %parallel_loop3A_163 = arith.index_cast %parallel_loop3A_131 : i32 to index
        %parallel_loop3A_164 = arith.constant 64 : index
        %parallel_loop3A_165 = tpu.vector_load %arg15[%parallel_loop3A_163, %parallel_loop3A_164] {strides = array<i32>} : memref<200x128xf32, #tpu.memory_space<vmem>>, vector<16xf32>,
        %parallel_loop3A_166 = arith.addf %parallel_loop3A_162, %parallel_loop3A_165 : vector<16xf32>
        %parallel_loop3A_167 = arith.index_cast %parallel_loop3A_128 : i32 to index
        %parallel_loop3A_168 = arith.constant 80 : index
        %parallel_loop3A_169 = tpu.vector_load %arg11[%parallel_loop3A_167, %parallel_loop3A_168] {strides = array<i32>} : memref<128x128xf32, #tpu.memory_space<vmem>>, vector<16xf32>,
        %parallel_loop3A_170 = arith.index_cast %parallel_loop3A_131 : i32 to index
        %parallel_loop3A_171 = arith.constant 80 : index
        %parallel_loop3A_172 = tpu.vector_load %arg15[%parallel_loop3A_170, %parallel_loop3A_171] {strides = array<i32>} : memref<200x128xf32, #tpu.memory_space<vmem>>, vector<16xf32>,
        %parallel_loop3A_173 = arith.addf %parallel_loop3A_169, %parallel_loop3A_172 : vector<16xf32>
        %parallel_loop3A_174 = arith.index_cast %parallel_loop3A_128 : i32 to index
        %parallel_loop3A_175 = arith.constant 96 : index
        %parallel_loop3A_176 = tpu.vector_load %arg11[%parallel_loop3A_174, %parallel_loop3A_175] {strides = array<i32>} : memref<128x128xf32, #tpu.memory_space<vmem>>, vector<16xf32>,
        %parallel_loop3A_177 = arith.index_cast %parallel_loop3A_131 : i32 to index
        %parallel_loop3A_178 = arith.constant 96 : index
        %parallel_loop3A_179 = tpu.vector_load %arg15[%parallel_loop3A_177, %parallel_loop3A_178] {strides = array<i32>} : memref<200x128xf32, #tpu.memory_space<vmem>>, vector<16xf32>,
        %parallel_loop3A_180 = arith.addf %parallel_loop3A_176, %parallel_loop3A_179 : vector<16xf32>
        %parallel_loop3A_181 = arith.index_cast %parallel_loop3A_128 : i32 to index
        %parallel_loop3A_182 = arith.constant 112 : index
        %parallel_loop3A_183 = tpu.vector_load %arg11[%parallel_loop3A_181, %parallel_loop3A_182] {strides = array<i32>} : memref<128x128xf32, #tpu.memory_space<vmem>>, vector<16xf32>,
        %parallel_loop3A_184 = arith.index_cast %parallel_loop3A_131 : i32 to index
        %parallel_loop3A_185 = arith.constant 112 : index
        %parallel_loop3A_186 = tpu.vector_load %arg15[%parallel_loop3A_184, %parallel_loop3A_185] {strides = array<i32>} : memref<200x128xf32, #tpu.memory_space<vmem>>, vector<16xf32>,
        %parallel_loop3A_187 = arith.addf %parallel_loop3A_183, %parallel_loop3A_186 : vector<16xf32>
        %parallel_loop3A_188 = arith.addf %parallel_loop3A_138, %parallel_loop3A_145 : vector<16xf32>
        %parallel_loop3A_189 = arith.mulf %parallel_loop3A_138, %parallel_loop3A_138 : vector<16xf32>
        %parallel_loop3A_190 = arith.mulf %parallel_loop3A_145, %parallel_loop3A_145 : vector<16xf32>
        %parallel_loop3A_191 = arith.addf %parallel_loop3A_189, %parallel_loop3A_190 : vector<16xf32>
        %parallel_loop3A_192 = arith.addf %parallel_loop3A_188, %parallel_loop3A_152 : vector<16xf32>
        %parallel_loop3A_193 = arith.mulf %parallel_loop3A_152, %parallel_loop3A_152 : vector<16xf32>
        %parallel_loop3A_194 = arith.addf %parallel_loop3A_191, %parallel_loop3A_193 : vector<16xf32>
        %parallel_loop3A_195 = arith.addf %parallel_loop3A_192, %parallel_loop3A_159 : vector<16xf32>
        %parallel_loop3A_196 = arith.mulf %parallel_loop3A_159, %parallel_loop3A_159 : vector<16xf32>
        %parallel_loop3A_197 = arith.addf %parallel_loop3A_194, %parallel_loop3A_196 : vector<16xf32>
        %parallel_loop3A_198 = arith.addf %parallel_loop3A_195, %parallel_loop3A_166 : vector<16xf32>
        %parallel_loop3A_199 = arith.mulf %parallel_loop3A_166, %parallel_loop3A_166 : vector<16xf32>
        %parallel_loop3A_200 = arith.addf %parallel_loop3A_197, %parallel_loop3A_199 : vector<16xf32>
        %parallel_loop3A_201 = arith.addf %parallel_loop3A_198, %parallel_loop3A_173 : vector<16xf32>
        %parallel_loop3A_202 = arith.mulf %parallel_loop3A_173, %parallel_loop3A_173 : vector<16xf32>
        %parallel_loop3A_203 = arith.addf %parallel_loop3A_200, %parallel_loop3A_202 : vector<16xf32>
        %parallel_loop3A_204 = arith.addf %parallel_loop3A_201, %parallel_loop3A_180 : vector<16xf32>
        %parallel_loop3A_205 = arith.mulf %parallel_loop3A_180, %parallel_loop3A_180 : vector<16xf32>
        %parallel_loop3A_206 = arith.addf %parallel_loop3A_203, %parallel_loop3A_205 : vector<16xf32>
        %parallel_loop3A_207 = arith.addf %parallel_loop3A_204, %parallel_loop3A_187 : vector<16xf32>
        %parallel_loop3A_208 = arith.mulf %parallel_loop3A_187, %parallel_loop3A_187 : vector<16xf32>
        %parallel_loop3A_209 = arith.addf %parallel_loop3A_206, %parallel_loop3A_208 : vector<16xf32>
        %parallel_loop3A_210 = arith.constant true
        %parallel_loop3A_211 = vector.broadcast %parallel_loop3A_210 : i1 to vector<16xi1>
        %parallel_loop3A_212 = tpu.scan <sum>, %parallel_loop3A_207 masked %parallel_loop3A_211 : vector<16xf32>, vector<16xi1> -> vector<16xf32>
        %parallel_loop3A_213 = vector.extract %parallel_loop3A_212[15] : f32 from vector<16xf32>
        %parallel_loop3A_214 = arith.constant 7.812500e-03 : f32
        %parallel_loop3A_215 = arith.mulf %parallel_loop3A_213, %parallel_loop3A_214 : f32
        %parallel_loop3A_216 = arith.constant true
        %parallel_loop3A_217 = vector.broadcast %parallel_loop3A_216 : i1 to vector<16xi1>
        %parallel_loop3A_218 = tpu.scan <sum>, %parallel_loop3A_209 masked %parallel_loop3A_217 : vector<16xf32>, vector<16xi1> -> vector<16xf32>
        %parallel_loop3A_219 = vector.extract %parallel_loop3A_218[15] : f32 from vector<16xf32>
        %parallel_loop3A_220 = arith.constant 7.812500e-03 : f32
        %parallel_loop3A_221 = arith.mulf %parallel_loop3A_219, %parallel_loop3A_220 : f32
        %parallel_loop3A_222 = arith.mulf %parallel_loop3A_215, %parallel_loop3A_215 : f32
        %parallel_loop3A_223 = arith.subf %parallel_loop3A_221, %parallel_loop3A_222 : f32
        %parallel_loop3A_224 = arith.constant 9.99999996E-13 : f32
        %parallel_loop3A_225 = arith.addf %parallel_loop3A_223, %parallel_loop3A_224 : f32
        %parallel_loop3A_226 = arith.bitcast %parallel_loop3A_225 : f32 to i32
        %parallel_loop3A_227 = arith.constant 1 : i32
        %parallel_loop3A_228 = arith.shrui %parallel_loop3A_226, %parallel_loop3A_227 : i32
        %parallel_loop3A_229 = arith.constant 1597463007 : i32
        %parallel_loop3A_230 = arith.subi %parallel_loop3A_229, %parallel_loop3A_228 : i32
        %parallel_loop3A_231 = arith.bitcast %parallel_loop3A_230 : i32 to f32
        %parallel_loop3A_232 = arith.constant 5.000000e-01 : f32
        %parallel_loop3A_233 = arith.mulf %parallel_loop3A_232, %parallel_loop3A_225 : f32
        %parallel_loop3A_234 = arith.mulf %parallel_loop3A_233, %parallel_loop3A_231 : f32
        %parallel_loop3A_235 = arith.mulf %parallel_loop3A_234, %parallel_loop3A_231 : f32
        %parallel_loop3A_236 = arith.constant 1.500000e+00 : f32
        %parallel_loop3A_237 = arith.subf %parallel_loop3A_236, %parallel_loop3A_235 : f32
        %parallel_loop3A_238 = arith.mulf %parallel_loop3A_231, %parallel_loop3A_237 : f32
        %parallel_loop3A_239 = arith.constant 5.000000e-01 : f32
        %parallel_loop3A_240 = arith.mulf %parallel_loop3A_239, %parallel_loop3A_225 : f32
        %parallel_loop3A_241 = arith.mulf %parallel_loop3A_240, %parallel_loop3A_238 : f32
        %parallel_loop3A_242 = arith.mulf %parallel_loop3A_241, %parallel_loop3A_238 : f32
        %parallel_loop3A_243 = arith.constant 1.500000e+00 : f32
        %parallel_loop3A_244 = arith.subf %parallel_loop3A_243, %parallel_loop3A_242 : f32
        %parallel_loop3A_245 = arith.mulf %parallel_loop3A_238, %parallel_loop3A_244 : f32
        %parallel_loop3A_246 = arith.mulf %parallel_loop3A_215, %parallel_loop3A_245 : f32
        %parallel_loop3A_247 = vector.broadcast %parallel_loop3A_245 : f32 to vector<16xf32>
        %parallel_loop3A_248 = arith.mulf %parallel_loop3A_138, %parallel_loop3A_247 : vector<16xf32>
        %parallel_loop3A_249 = vector.broadcast %parallel_loop3A_246 : f32 to vector<16xf32>
        %parallel_loop3A_250 = arith.subf %parallel_loop3A_248, %parallel_loop3A_249 : vector<16xf32>
        %parallel_loop3A_251 = arith.mulf %parallel_loop3A_250, %get3A_9 : vector<16xf32>
        %parallel_loop3A_252 = arith.addf %parallel_loop3A_251, %get3A_25 : vector<16xf32>
        %parallel_loop3A_253 = arith.index_cast %parallel_loop3A_128 : i32 to index
        %parallel_loop3A_254 = arith.constant 0 : index
        %parallel_loop3A_255 = tpu.vector_load %arg13[%parallel_loop3A_253, %parallel_loop3A_254] {strides = array<i32>} : memref<128x128xf32, #tpu.memory_space<vmem>>, vector<16xf32>,
        tpu.vector_store %arg13[%parallel_loop3A_253, %parallel_loop3A_254], %parallel_loop3A_252 {strides = array<i32>} : memref<128x128xf32, #tpu.memory_space<vmem>>, vector<16xf32>,
        %parallel_loop3A_256 = vector.broadcast %parallel_loop3A_245 : f32 to vector<16xf32>
        %parallel_loop3A_257 = arith.mulf %parallel_loop3A_145, %parallel_loop3A_256 : vector<16xf32>
        %parallel_loop3A_258 = vector.broadcast %parallel_loop3A_246 : f32 to vector<16xf32>
        %parallel_loop3A_259 = arith.subf %parallel_loop3A_257, %parallel_loop3A_258 : vector<16xf32>
        %parallel_loop3A_260 = arith.mulf %parallel_loop3A_259, %get3A_11 : vector<16xf32>
        %parallel_loop3A_261 = arith.addf %parallel_loop3A_260, %get3A_27 : vector<16xf32>
        %parallel_loop3A_262 = arith.index_cast %parallel_loop3A_128 : i32 to index
        %parallel_loop3A_263 = arith.constant 16 : index
        %parallel_loop3A_264 = tpu.vector_load %arg13[%parallel_loop3A_262, %parallel_loop3A_263] {strides = array<i32>} : memref<128x128xf32, #tpu.memory_space<vmem>>, vector<16xf32>,
        tpu.vector_store %arg13[%parallel_loop3A_262, %parallel_loop3A_263], %parallel_loop3A_261 {strides = array<i32>} : memref<128x128xf32, #tpu.memory_space<vmem>>, vector<16xf32>,
        %parallel_loop3A_265 = vector.broadcast %parallel_loop3A_245 : f32 to vector<16xf32>
        %parallel_loop3A_266 = arith.mulf %parallel_loop3A_152, %parallel_loop3A_265 : vector<16xf32>
        %parallel_loop3A_267 = vector.broadcast %parallel_loop3A_246 : f32 to vector<16xf32>
        %parallel_loop3A_268 = arith.subf %parallel_loop3A_266, %parallel_loop3A_267 : vector<16xf32>
        %parallel_loop3A_269 = arith.mulf %parallel_loop3A_268, %get3A_13 : vector<16xf32>
        %parallel_loop3A_270 = arith.addf %parallel_loop3A_269, %get3A_29 : vector<16xf32>
        %parallel_loop3A_271 = arith.index_cast %parallel_loop3A_128 : i32 to index
        %parallel_loop3A_272 = arith.constant 32 : index
        %parallel_loop3A_273 = tpu.vector_load %arg13[%parallel_loop3A_271, %parallel_loop3A_272] {strides = array<i32>} : memref<128x128xf32, #tpu.memory_space<vmem>>, vector<16xf32>,
        tpu.vector_store %arg13[%parallel_loop3A_271, %parallel_loop3A_272], %parallel_loop3A_270 {strides = array<i32>} : memref<128x128xf32, #tpu.memory_space<vmem>>, vector<16xf32>,
        %parallel_loop3A_274 = vector.broadcast %parallel_loop3A_245 : f32 to vector<16xf32>
        %parallel_loop3A_275 = arith.mulf %parallel_loop3A_159, %parallel_loop3A_274 : vector<16xf32>
        %parallel_loop3A_276 = vector.broadcast %parallel_loop3A_246 : f32 to vector<16xf32>
        %parallel_loop3A_277 = arith.subf %parallel_loop3A_275, %parallel_loop3A_276 : vector<16xf32>
        %parallel_loop3A_278 = arith.mulf %parallel_loop3A_277, %get3A_15 : vector<16xf32>
        %parallel_loop3A_279 = arith.addf %parallel_loop3A_278, %get3A_31 : vector<16xf32>
        %parallel_loop3A_280 = arith.index_cast %parallel_loop3A_128 : i32 to index
        %parallel_loop3A_281 = arith.constant 48 : index
        %parallel_loop3A_282 = tpu.vector_load %arg13[%parallel_loop3A_280, %parallel_loop3A_281] {strides = array<i32>} : memref<128x128xf32, #tpu.memory_space<vmem>>, vector<16xf32>,
        tpu.vector_store %arg13[%parallel_loop3A_280, %parallel_loop3A_281], %parallel_loop3A_279 {strides = array<i32>} : memref<128x128xf32, #tpu.memory_space<vmem>>, vector<16xf32>,
        %parallel_loop3A_283 = vector.broadcast %parallel_loop3A_245 : f32 to vector<16xf32>
        %parallel_loop3A_284 = arith.mulf %parallel_loop3A_166, %parallel_loop3A_283 : vector<16xf32>
        %parallel_loop3A_285 = vector.broadcast %parallel_loop3A_246 : f32 to vector<16xf32>
        %parallel_loop3A_286 = arith.subf %parallel_loop3A_284, %parallel_loop3A_285 : vector<16xf32>
        %parallel_loop3A_287 = arith.mulf %parallel_loop3A_286, %get3A_17 : vector<16xf32>
        %parallel_loop3A_288 = arith.addf %parallel_loop3A_287, %get3A_33 : vector<16xf32>
        %parallel_loop3A_289 = arith.index_cast %parallel_loop3A_128 : i32 to index
        %parallel_loop3A_290 = arith.constant 64 : index
        %parallel_loop3A_291 = tpu.vector_load %arg13[%parallel_loop3A_289, %parallel_loop3A_290] {strides = array<i32>} : memref<128x128xf32, #tpu.memory_space<vmem>>, vector<16xf32>,
        tpu.vector_store %arg13[%parallel_loop3A_289, %parallel_loop3A_290], %parallel_loop3A_288 {strides = array<i32>} : memref<128x128xf32, #tpu.memory_space<vmem>>, vector<16xf32>,
        %parallel_loop3A_292 = vector.broadcast %parallel_loop3A_245 : f32 to vector<16xf32>
        %parallel_loop3A_293 = arith.mulf %parallel_loop3A_173, %parallel_loop3A_292 : vector<16xf32>
        %parallel_loop3A_294 = vector.broadcast %parallel_loop3A_246 : f32 to vector<16xf32>
        %parallel_loop3A_295 = arith.subf %parallel_loop3A_293, %parallel_loop3A_294 : vector<16xf32>
        %parallel_loop3A_296 = arith.mulf %parallel_loop3A_295, %get3A_19 : vector<16xf32>
        %parallel_loop3A_297 = arith.addf %parallel_loop3A_296, %get3A_35 : vector<16xf32>
        %parallel_loop3A_298 = arith.index_cast %parallel_loop3A_128 : i32 to index
        %parallel_loop3A_299 = arith.constant 80 : index
        %parallel_loop3A_300 = tpu.vector_load %arg13[%parallel_loop3A_298, %parallel_loop3A_299] {strides = array<i32>} : memref<128x128xf32, #tpu.memory_space<vmem>>, vector<16xf32>,
        tpu.vector_store %arg13[%parallel_loop3A_298, %parallel_loop3A_299], %parallel_loop3A_297 {strides = array<i32>} : memref<128x128xf32, #tpu.memory_space<vmem>>, vector<16xf32>,
        %parallel_loop3A_301 = vector.broadcast %parallel_loop3A_245 : f32 to vector<16xf32>
        %parallel_loop3A_302 = arith.mulf %parallel_loop3A_180, %parallel_loop3A_301 : vector<16xf32>
        %parallel_loop3A_303 = vector.broadcast %parallel_loop3A_246 : f32 to vector<16xf32>
        %parallel_loop3A_304 = arith.subf %parallel_loop3A_302, %parallel_loop3A_303 : vector<16xf32>
        %parallel_loop3A_305 = arith.mulf %parallel_loop3A_304, %get3A_21 : vector<16xf32>
        %parallel_loop3A_306 = arith.addf %parallel_loop3A_305, %get3A_37 : vector<16xf32>
        %parallel_loop3A_307 = arith.index_cast %parallel_loop3A_128 : i32 to index
        %parallel_loop3A_308 = arith.constant 96 : index
        %parallel_loop3A_309 = tpu.vector_load %arg13[%parallel_loop3A_307, %parallel_loop3A_308] {strides = array<i32>} : memref<128x128xf32, #tpu.memory_space<vmem>>, vector<16xf32>,
        tpu.vector_store %arg13[%parallel_loop3A_307, %parallel_loop3A_308], %parallel_loop3A_306 {strides = array<i32>} : memref<128x128xf32, #tpu.memory_space<vmem>>, vector<16xf32>,
        %parallel_loop3A_310 = vector.broadcast %parallel_loop3A_245 : f32 to vector<16xf32>
        %parallel_loop3A_311 = arith.mulf %parallel_loop3A_187, %parallel_loop3A_310 : vector<16xf32>
        %parallel_loop3A_312 = vector.broadcast %parallel_loop3A_246 : f32 to vector<16xf32>
        %parallel_loop3A_313 = arith.subf %parallel_loop3A_311, %parallel_loop3A_312 : vector<16xf32>
        %parallel_loop3A_314 = arith.mulf %parallel_loop3A_313, %get3A_23 : vector<16xf32>
        %parallel_loop3A_315 = arith.addf %parallel_loop3A_314, %get3A_39 : vector<16xf32>
        %parallel_loop3A_316 = arith.index_cast %parallel_loop3A_128 : i32 to index
        %parallel_loop3A_317 = arith.constant 112 : index
        %parallel_loop3A_318 = tpu.vector_load %arg13[%parallel_loop3A_316, %parallel_loop3A_317] {strides = array<i32>} : memref<128x128xf32, #tpu.memory_space<vmem>>, vector<16xf32>,
        tpu.vector_store %arg13[%parallel_loop3A_316, %parallel_loop3A_317], %parallel_loop3A_315 {strides = array<i32>} : memref<128x128xf32, #tpu.memory_space<vmem>>, vector<16xf32>,
      } {sc.loop_unroll_factor = 4 : i64, sc.parallel_access}
      %mul3A_99 = arith.constant 128 : i32
      %mul3A_100 = arith.muli %mul3A_75, %mul3A_99 : i32
      %add3A_101 = arith.addi %mul3A_2, %mul3A_100 : i32
      %dma_start3A_102 = arith.constant 0 : i32
      %dma_start3A_103 = tpu.memref_slice %arg8[%add3A_101, %dma_start3A_102] : memref<204800x128xf32, #tpu.memory_space<hbm>> -> memref<128x128xf32, #tpu.memory_space<hbm>>
      %dma_start3A_104 = arith.constant 0 : i32
      %dma_start3A_105 = tpu.memref_slice %arg8[%add3A_101, %dma_start3A_104] : memref<204800x128xf32, #tpu.memory_space<hbm>> -> memref<128x128xf32, #tpu.memory_space<hbm>>
      tpu.enqueue_dma source(%arg13 : memref<128x128xf32, #tpu.memory_space<vmem>>) target(%dma_start3A_105 : memref<128x128xf32, #tpu.memory_space<hbm>>) target_semaphore(%arg21 : memref<!tpu.dma_semaphore, #tpu.memory_space<semaphore_mem>>)
      %dma_wait3A_106 = arith.constant 0 : i32
      %dma_wait3A_107 = arith.constant 0 : i32
      %dma_wait3A_108 = tpu.memref_slice %arg3[%dma_wait3A_106, %dma_wait3A_107] : memref<100000x128xf32, #tpu.memory_space<hbm>> -> memref<100000x128xf32, #tpu.memory_space<hbm>>
      tpu.wait_indirect_dma semaphore(%arg20 : memref<!tpu.dma_semaphore, #tpu.memory_space<semaphore_mem>>) src(%dma_wait3A_108 : memref<100000x128xf32, #tpu.memory_space<hbm>>) dst(%arg12 : memref<128x128xf32, #tpu.memory_space<vmem>>)
      %convert_element_type3A_109 = arith.extui %lt3A_78 : i1 to i32
      %cond3A_110 = arith.constant 0 : i32
      %cond3A_111 = arith.cmpi ne, %convert_element_type3A_109, %cond3A_110 : i32
      scf.if %cond3A_111 {
        %add3A_128 = arith.constant 2 : i32
        %add3A_129 = arith.addi %add3A_77, %add3A_128 : i32
        %mul3A_130 = arith.constant 128 : i32
        %mul3A_131 = arith.muli %add3A_129, %mul3A_130 : i32
        %add3A_132 = arith.addi %mul3A_2, %mul3A_131 : i32
        %dma_start3A_133 = tpu.memref_slice %arg2[%add3A_132] : memref<204800xi32, #tpu.memory_space<hbm>> -> memref<128xi32, #tpu.memory_space<hbm>>
        %dma_start3A_134 = tpu.memref_slice %arg2[%add3A_132] : memref<204800xi32, #tpu.memory_space<hbm>> -> memref<128xi32, #tpu.memory_space<hbm>>
        tpu.enqueue_dma source(%dma_start3A_134 : memref<128xi32, #tpu.memory_space<hbm>>) target(%arg10 : memref<128xi32, #tpu.memory_space<vmem>>) target_semaphore(%arg24 : memref<!tpu.dma_semaphore, #tpu.memory_space<semaphore_mem>>)
        %add3A_135 = arith.constant 2 : i32
        %add3A_136 = arith.addi %mul3A_75, %add3A_135 : i32
        %mul3A_137 = arith.constant 128 : i32
        %mul3A_138 = arith.muli %add3A_136, %mul3A_137 : i32
        %add3A_139 = arith.addi %mul3A_2, %mul3A_138 : i32
        %dma_wait3A_140 = tpu.memref_slice %arg2[%add3A_139] : memref<204800xi32, #tpu.memory_space<hbm>> -> memref<128xi32, #tpu.memory_space<hbm>>
        %dma_wait3A_141 = tpu.memref_slice %arg2[%add3A_139] : memref<204800xi32, #tpu.memory_space<hbm>> -> memref<128xi32, #tpu.memory_space<hbm>>
        tpu.wait_dma2 semaphore(%arg23 : memref<!tpu.dma_semaphore, #tpu.memory_space<semaphore_mem>>) src(%dma_wait3A_141 : memref<128xi32, #tpu.memory_space<hbm>>) dst(%arg9 : memref<128xi32, #tpu.memory_space<vmem>>)
        %dma_start3A_142 = arith.constant 0 : i32
        %dma_start3A_143 = arith.constant 0 : i32
        %dma_start3A_144 = tpu.memref_slice %arg3[%dma_start3A_142, %dma_start3A_143] : memref<100000x128xf32, #tpu.memory_space<hbm>> -> memref<100000x128xf32, #tpu.memory_space<hbm>>
        tpu.enqueue_indirect_dma source(%dma_start3A_144 : memref<100000x128xf32, #tpu.memory_space<hbm>>) target(%arg11 : memref<128x128xf32, #tpu.memory_space<vmem>>) offsets(%arg9 : memref<128xi32, #tpu.memory_space<vmem>>) semaphore(%arg19 : memref<!tpu.dma_semaphore, #tpu.memory_space<semaphore_mem>>)
      } else {
      }
      %convert_element_type3A_112 = arith.extui %gt3A_79 : i1 to i32
      %cond3A_113 = arith.constant 0 : i32
      %cond3A_114 = arith.cmpi ne, %convert_element_type3A_112, %cond3A_113 : i32
      scf.if %cond3A_114 {
        %sub3A = arith.constant 2 : i32
        %sub3A_128 = arith.subi %add3A_77, %sub3A : i32
        %mul3A_129 = arith.constant 128 : i32
        %mul3A_130 = arith.muli %sub3A_128, %mul3A_129 : i32
        %add3A_131 = arith.addi %mul3A_2, %mul3A_130 : i32
        %dma_wait3A_132 = arith.constant 0 : i32
        %dma_wait3A_133 = tpu.memref_slice %arg8[%add3A_131, %dma_wait3A_132] : memref<204800x128xf32, #tpu.memory_space<hbm>> -> memref<128x128xf32, #tpu.memory_space<hbm>>
        %dma_wait3A_134 = arith.constant 0 : i32
        %dma_wait3A_135 = tpu.memref_slice %arg8[%add3A_131, %dma_wait3A_134] : memref<204800x128xf32, #tpu.memory_space<hbm>> -> memref<128x128xf32, #tpu.memory_space<hbm>>
        tpu.wait_dma2 semaphore(%arg22 : memref<!tpu.dma_semaphore, #tpu.memory_space<semaphore_mem>>) src(%arg14 : memref<128x128xf32, #tpu.memory_space<vmem>>) dst(%dma_wait3A_135 : memref<128x128xf32, #tpu.memory_space<hbm>>)
      } else {
      }
      %mul3A_115 = arith.constant 128 : i32
      %mul3A_116 = arith.muli %add3A_77, %mul3A_115 : i32
      %parallel_loop3A_117 = arith.constant 0 : i32
      %parallel_loop3A_118 = arith.constant 128 : i32
      %parallel_loop3A_119 = arith.constant 1 : i32
      scf.for %parallel_loop3A_128 = %parallel_loop3A_117 to %parallel_loop3A_118 step %parallel_loop3A_119  : i32 {
        %parallel_loop3A_129 = arith.addi %mul3A_116, %parallel_loop3A_128 : i32
        %parallel_loop3A_130 = arith.constant 200 : i32
        %parallel_loop3A_131 = arith.remsi %parallel_loop3A_129, %parallel_loop3A_130 : i32
        %parallel_loop3A_132 = arith.index_cast %parallel_loop3A_128 : i32 to index
        %parallel_loop3A_133 = arith.constant 0 : index
        %parallel_loop3A_134 = tpu.vector_load %arg12[%parallel_loop3A_132, %parallel_loop3A_133] {strides = array<i32>} : memref<128x128xf32, #tpu.memory_space<vmem>>, vector<16xf32>,
        %parallel_loop3A_135 = arith.index_cast %parallel_loop3A_131 : i32 to index
        %parallel_loop3A_136 = arith.constant 0 : index
        %parallel_loop3A_137 = tpu.vector_load %arg15[%parallel_loop3A_135, %parallel_loop3A_136] {strides = array<i32>} : memref<200x128xf32, #tpu.memory_space<vmem>>, vector<16xf32>,
        %parallel_loop3A_138 = arith.addf %parallel_loop3A_134, %parallel_loop3A_137 : vector<16xf32>
        %parallel_loop3A_139 = arith.index_cast %parallel_loop3A_128 : i32 to index
        %parallel_loop3A_140 = arith.constant 16 : index
        %parallel_loop3A_141 = tpu.vector_load %arg12[%parallel_loop3A_139, %parallel_loop3A_140] {strides = array<i32>} : memref<128x128xf32, #tpu.memory_space<vmem>>, vector<16xf32>,
        %parallel_loop3A_142 = arith.index_cast %parallel_loop3A_131 : i32 to index
        %parallel_loop3A_143 = arith.constant 16 : index
        %parallel_loop3A_144 = tpu.vector_load %arg15[%parallel_loop3A_142, %parallel_loop3A_143] {strides = array<i32>} : memref<200x128xf32, #tpu.memory_space<vmem>>, vector<16xf32>,
        %parallel_loop3A_145 = arith.addf %parallel_loop3A_141, %parallel_loop3A_144 : vector<16xf32>
        %parallel_loop3A_146 = arith.index_cast %parallel_loop3A_128 : i32 to index
        %parallel_loop3A_147 = arith.constant 32 : index
        %parallel_loop3A_148 = tpu.vector_load %arg12[%parallel_loop3A_146, %parallel_loop3A_147] {strides = array<i32>} : memref<128x128xf32, #tpu.memory_space<vmem>>, vector<16xf32>,
        %parallel_loop3A_149 = arith.index_cast %parallel_loop3A_131 : i32 to index
        %parallel_loop3A_150 = arith.constant 32 : index
        %parallel_loop3A_151 = tpu.vector_load %arg15[%parallel_loop3A_149, %parallel_loop3A_150] {strides = array<i32>} : memref<200x128xf32, #tpu.memory_space<vmem>>, vector<16xf32>,
        %parallel_loop3A_152 = arith.addf %parallel_loop3A_148, %parallel_loop3A_151 : vector<16xf32>
        %parallel_loop3A_153 = arith.index_cast %parallel_loop3A_128 : i32 to index
        %parallel_loop3A_154 = arith.constant 48 : index
        %parallel_loop3A_155 = tpu.vector_load %arg12[%parallel_loop3A_153, %parallel_loop3A_154] {strides = array<i32>} : memref<128x128xf32, #tpu.memory_space<vmem>>, vector<16xf32>,
        %parallel_loop3A_156 = arith.index_cast %parallel_loop3A_131 : i32 to index
        %parallel_loop3A_157 = arith.constant 48 : index
        %parallel_loop3A_158 = tpu.vector_load %arg15[%parallel_loop3A_156, %parallel_loop3A_157] {strides = array<i32>} : memref<200x128xf32, #tpu.memory_space<vmem>>, vector<16xf32>,
        %parallel_loop3A_159 = arith.addf %parallel_loop3A_155, %parallel_loop3A_158 : vector<16xf32>
        %parallel_loop3A_160 = arith.index_cast %parallel_loop3A_128 : i32 to index
        %parallel_loop3A_161 = arith.constant 64 : index
        %parallel_loop3A_162 = tpu.vector_load %arg12[%parallel_loop3A_160, %parallel_loop3A_161] {strides = array<i32>} : memref<128x128xf32, #tpu.memory_space<vmem>>, vector<16xf32>,
        %parallel_loop3A_163 = arith.index_cast %parallel_loop3A_131 : i32 to index
        %parallel_loop3A_164 = arith.constant 64 : index
        %parallel_loop3A_165 = tpu.vector_load %arg15[%parallel_loop3A_163, %parallel_loop3A_164] {strides = array<i32>} : memref<200x128xf32, #tpu.memory_space<vmem>>, vector<16xf32>,
        %parallel_loop3A_166 = arith.addf %parallel_loop3A_162, %parallel_loop3A_165 : vector<16xf32>
        %parallel_loop3A_167 = arith.index_cast %parallel_loop3A_128 : i32 to index
        %parallel_loop3A_168 = arith.constant 80 : index
        %parallel_loop3A_169 = tpu.vector_load %arg12[%parallel_loop3A_167, %parallel_loop3A_168] {strides = array<i32>} : memref<128x128xf32, #tpu.memory_space<vmem>>, vector<16xf32>,
        %parallel_loop3A_170 = arith.index_cast %parallel_loop3A_131 : i32 to index
        %parallel_loop3A_171 = arith.constant 80 : index
        %parallel_loop3A_172 = tpu.vector_load %arg15[%parallel_loop3A_170, %parallel_loop3A_171] {strides = array<i32>} : memref<200x128xf32, #tpu.memory_space<vmem>>, vector<16xf32>,
        %parallel_loop3A_173 = arith.addf %parallel_loop3A_169, %parallel_loop3A_172 : vector<16xf32>
        %parallel_loop3A_174 = arith.index_cast %parallel_loop3A_128 : i32 to index
        %parallel_loop3A_175 = arith.constant 96 : index
        %parallel_loop3A_176 = tpu.vector_load %arg12[%parallel_loop3A_174, %parallel_loop3A_175] {strides = array<i32>} : memref<128x128xf32, #tpu.memory_space<vmem>>, vector<16xf32>,
        %parallel_loop3A_177 = arith.index_cast %parallel_loop3A_131 : i32 to index
        %parallel_loop3A_178 = arith.constant 96 : index
        %parallel_loop3A_179 = tpu.vector_load %arg15[%parallel_loop3A_177, %parallel_loop3A_178] {strides = array<i32>} : memref<200x128xf32, #tpu.memory_space<vmem>>, vector<16xf32>,
        %parallel_loop3A_180 = arith.addf %parallel_loop3A_176, %parallel_loop3A_179 : vector<16xf32>
        %parallel_loop3A_181 = arith.index_cast %parallel_loop3A_128 : i32 to index
        %parallel_loop3A_182 = arith.constant 112 : index
        %parallel_loop3A_183 = tpu.vector_load %arg12[%parallel_loop3A_181, %parallel_loop3A_182] {strides = array<i32>} : memref<128x128xf32, #tpu.memory_space<vmem>>, vector<16xf32>,
        %parallel_loop3A_184 = arith.index_cast %parallel_loop3A_131 : i32 to index
        %parallel_loop3A_185 = arith.constant 112 : index
        %parallel_loop3A_186 = tpu.vector_load %arg15[%parallel_loop3A_184, %parallel_loop3A_185] {strides = array<i32>} : memref<200x128xf32, #tpu.memory_space<vmem>>, vector<16xf32>,
        %parallel_loop3A_187 = arith.addf %parallel_loop3A_183, %parallel_loop3A_186 : vector<16xf32>
        %parallel_loop3A_188 = arith.addf %parallel_loop3A_138, %parallel_loop3A_145 : vector<16xf32>
        %parallel_loop3A_189 = arith.mulf %parallel_loop3A_138, %parallel_loop3A_138 : vector<16xf32>
        %parallel_loop3A_190 = arith.mulf %parallel_loop3A_145, %parallel_loop3A_145 : vector<16xf32>
        %parallel_loop3A_191 = arith.addf %parallel_loop3A_189, %parallel_loop3A_190 : vector<16xf32>
        %parallel_loop3A_192 = arith.addf %parallel_loop3A_188, %parallel_loop3A_152 : vector<16xf32>
        %parallel_loop3A_193 = arith.mulf %parallel_loop3A_152, %parallel_loop3A_152 : vector<16xf32>
        %parallel_loop3A_194 = arith.addf %parallel_loop3A_191, %parallel_loop3A_193 : vector<16xf32>
        %parallel_loop3A_195 = arith.addf %parallel_loop3A_192, %parallel_loop3A_159 : vector<16xf32>
        %parallel_loop3A_196 = arith.mulf %parallel_loop3A_159, %parallel_loop3A_159 : vector<16xf32>
        %parallel_loop3A_197 = arith.addf %parallel_loop3A_194, %parallel_loop3A_196 : vector<16xf32>
        %parallel_loop3A_198 = arith.addf %parallel_loop3A_195, %parallel_loop3A_166 : vector<16xf32>
        %parallel_loop3A_199 = arith.mulf %parallel_loop3A_166, %parallel_loop3A_166 : vector<16xf32>
        %parallel_loop3A_200 = arith.addf %parallel_loop3A_197, %parallel_loop3A_199 : vector<16xf32>
        %parallel_loop3A_201 = arith.addf %parallel_loop3A_198, %parallel_loop3A_173 : vector<16xf32>
        %parallel_loop3A_202 = arith.mulf %parallel_loop3A_173, %parallel_loop3A_173 : vector<16xf32>
        %parallel_loop3A_203 = arith.addf %parallel_loop3A_200, %parallel_loop3A_202 : vector<16xf32>
        %parallel_loop3A_204 = arith.addf %parallel_loop3A_201, %parallel_loop3A_180 : vector<16xf32>
        %parallel_loop3A_205 = arith.mulf %parallel_loop3A_180, %parallel_loop3A_180 : vector<16xf32>
        %parallel_loop3A_206 = arith.addf %parallel_loop3A_203, %parallel_loop3A_205 : vector<16xf32>
        %parallel_loop3A_207 = arith.addf %parallel_loop3A_204, %parallel_loop3A_187 : vector<16xf32>
        %parallel_loop3A_208 = arith.mulf %parallel_loop3A_187, %parallel_loop3A_187 : vector<16xf32>
        %parallel_loop3A_209 = arith.addf %parallel_loop3A_206, %parallel_loop3A_208 : vector<16xf32>
        %parallel_loop3A_210 = arith.constant true
        %parallel_loop3A_211 = vector.broadcast %parallel_loop3A_210 : i1 to vector<16xi1>
        %parallel_loop3A_212 = tpu.scan <sum>, %parallel_loop3A_207 masked %parallel_loop3A_211 : vector<16xf32>, vector<16xi1> -> vector<16xf32>
        %parallel_loop3A_213 = vector.extract %parallel_loop3A_212[15] : f32 from vector<16xf32>
        %parallel_loop3A_214 = arith.constant 7.812500e-03 : f32
        %parallel_loop3A_215 = arith.mulf %parallel_loop3A_213, %parallel_loop3A_214 : f32
        %parallel_loop3A_216 = arith.constant true
        %parallel_loop3A_217 = vector.broadcast %parallel_loop3A_216 : i1 to vector<16xi1>
        %parallel_loop3A_218 = tpu.scan <sum>, %parallel_loop3A_209 masked %parallel_loop3A_217 : vector<16xf32>, vector<16xi1> -> vector<16xf32>
        %parallel_loop3A_219 = vector.extract %parallel_loop3A_218[15] : f32 from vector<16xf32>
        %parallel_loop3A_220 = arith.constant 7.812500e-03 : f32
        %parallel_loop3A_221 = arith.mulf %parallel_loop3A_219, %parallel_loop3A_220 : f32
        %parallel_loop3A_222 = arith.mulf %parallel_loop3A_215, %parallel_loop3A_215 : f32
        %parallel_loop3A_223 = arith.subf %parallel_loop3A_221, %parallel_loop3A_222 : f32
        %parallel_loop3A_224 = arith.constant 9.99999996E-13 : f32
        %parallel_loop3A_225 = arith.addf %parallel_loop3A_223, %parallel_loop3A_224 : f32
        %parallel_loop3A_226 = arith.bitcast %parallel_loop3A_225 : f32 to i32
        %parallel_loop3A_227 = arith.constant 1 : i32
        %parallel_loop3A_228 = arith.shrui %parallel_loop3A_226, %parallel_loop3A_227 : i32
        %parallel_loop3A_229 = arith.constant 1597463007 : i32
        %parallel_loop3A_230 = arith.subi %parallel_loop3A_229, %parallel_loop3A_228 : i32
        %parallel_loop3A_231 = arith.bitcast %parallel_loop3A_230 : i32 to f32
        %parallel_loop3A_232 = arith.constant 5.000000e-01 : f32
        %parallel_loop3A_233 = arith.mulf %parallel_loop3A_232, %parallel_loop3A_225 : f32
        %parallel_loop3A_234 = arith.mulf %parallel_loop3A_233, %parallel_loop3A_231 : f32
        %parallel_loop3A_235 = arith.mulf %parallel_loop3A_234, %parallel_loop3A_231 : f32
        %parallel_loop3A_236 = arith.constant 1.500000e+00 : f32
        %parallel_loop3A_237 = arith.subf %parallel_loop3A_236, %parallel_loop3A_235 : f32
        %parallel_loop3A_238 = arith.mulf %parallel_loop3A_231, %parallel_loop3A_237 : f32
        %parallel_loop3A_239 = arith.constant 5.000000e-01 : f32
        %parallel_loop3A_240 = arith.mulf %parallel_loop3A_239, %parallel_loop3A_225 : f32
        %parallel_loop3A_241 = arith.mulf %parallel_loop3A_240, %parallel_loop3A_238 : f32
        %parallel_loop3A_242 = arith.mulf %parallel_loop3A_241, %parallel_loop3A_238 : f32
        %parallel_loop3A_243 = arith.constant 1.500000e+00 : f32
        %parallel_loop3A_244 = arith.subf %parallel_loop3A_243, %parallel_loop3A_242 : f32
        %parallel_loop3A_245 = arith.mulf %parallel_loop3A_238, %parallel_loop3A_244 : f32
        %parallel_loop3A_246 = arith.mulf %parallel_loop3A_215, %parallel_loop3A_245 : f32
        %parallel_loop3A_247 = vector.broadcast %parallel_loop3A_245 : f32 to vector<16xf32>
        %parallel_loop3A_248 = arith.mulf %parallel_loop3A_138, %parallel_loop3A_247 : vector<16xf32>
        %parallel_loop3A_249 = vector.broadcast %parallel_loop3A_246 : f32 to vector<16xf32>
        %parallel_loop3A_250 = arith.subf %parallel_loop3A_248, %parallel_loop3A_249 : vector<16xf32>
        %parallel_loop3A_251 = arith.mulf %parallel_loop3A_250, %get3A_9 : vector<16xf32>
        %parallel_loop3A_252 = arith.addf %parallel_loop3A_251, %get3A_25 : vector<16xf32>
        %parallel_loop3A_253 = arith.index_cast %parallel_loop3A_128 : i32 to index
        %parallel_loop3A_254 = arith.constant 0 : index
        %parallel_loop3A_255 = tpu.vector_load %arg14[%parallel_loop3A_253, %parallel_loop3A_254] {strides = array<i32>} : memref<128x128xf32, #tpu.memory_space<vmem>>, vector<16xf32>,
        tpu.vector_store %arg14[%parallel_loop3A_253, %parallel_loop3A_254], %parallel_loop3A_252 {strides = array<i32>} : memref<128x128xf32, #tpu.memory_space<vmem>>, vector<16xf32>,
        %parallel_loop3A_256 = vector.broadcast %parallel_loop3A_245 : f32 to vector<16xf32>
        %parallel_loop3A_257 = arith.mulf %parallel_loop3A_145, %parallel_loop3A_256 : vector<16xf32>
        %parallel_loop3A_258 = vector.broadcast %parallel_loop3A_246 : f32 to vector<16xf32>
        %parallel_loop3A_259 = arith.subf %parallel_loop3A_257, %parallel_loop3A_258 : vector<16xf32>
        %parallel_loop3A_260 = arith.mulf %parallel_loop3A_259, %get3A_11 : vector<16xf32>
        %parallel_loop3A_261 = arith.addf %parallel_loop3A_260, %get3A_27 : vector<16xf32>
        %parallel_loop3A_262 = arith.index_cast %parallel_loop3A_128 : i32 to index
        %parallel_loop3A_263 = arith.constant 16 : index
        %parallel_loop3A_264 = tpu.vector_load %arg14[%parallel_loop3A_262, %parallel_loop3A_263] {strides = array<i32>} : memref<128x128xf32, #tpu.memory_space<vmem>>, vector<16xf32>,
        tpu.vector_store %arg14[%parallel_loop3A_262, %parallel_loop3A_263], %parallel_loop3A_261 {strides = array<i32>} : memref<128x128xf32, #tpu.memory_space<vmem>>, vector<16xf32>,
        %parallel_loop3A_265 = vector.broadcast %parallel_loop3A_245 : f32 to vector<16xf32>
        %parallel_loop3A_266 = arith.mulf %parallel_loop3A_152, %parallel_loop3A_265 : vector<16xf32>
        %parallel_loop3A_267 = vector.broadcast %parallel_loop3A_246 : f32 to vector<16xf32>
        %parallel_loop3A_268 = arith.subf %parallel_loop3A_266, %parallel_loop3A_267 : vector<16xf32>
        %parallel_loop3A_269 = arith.mulf %parallel_loop3A_268, %get3A_13 : vector<16xf32>
        %parallel_loop3A_270 = arith.addf %parallel_loop3A_269, %get3A_29 : vector<16xf32>
        %parallel_loop3A_271 = arith.index_cast %parallel_loop3A_128 : i32 to index
        %parallel_loop3A_272 = arith.constant 32 : index
        %parallel_loop3A_273 = tpu.vector_load %arg14[%parallel_loop3A_271, %parallel_loop3A_272] {strides = array<i32>} : memref<128x128xf32, #tpu.memory_space<vmem>>, vector<16xf32>,
        tpu.vector_store %arg14[%parallel_loop3A_271, %parallel_loop3A_272], %parallel_loop3A_270 {strides = array<i32>} : memref<128x128xf32, #tpu.memory_space<vmem>>, vector<16xf32>,
        %parallel_loop3A_274 = vector.broadcast %parallel_loop3A_245 : f32 to vector<16xf32>
        %parallel_loop3A_275 = arith.mulf %parallel_loop3A_159, %parallel_loop3A_274 : vector<16xf32>
        %parallel_loop3A_276 = vector.broadcast %parallel_loop3A_246 : f32 to vector<16xf32>
        %parallel_loop3A_277 = arith.subf %parallel_loop3A_275, %parallel_loop3A_276 : vector<16xf32>
        %parallel_loop3A_278 = arith.mulf %parallel_loop3A_277, %get3A_15 : vector<16xf32>
        %parallel_loop3A_279 = arith.addf %parallel_loop3A_278, %get3A_31 : vector<16xf32>
        %parallel_loop3A_280 = arith.index_cast %parallel_loop3A_128 : i32 to index
        %parallel_loop3A_281 = arith.constant 48 : index
        %parallel_loop3A_282 = tpu.vector_load %arg14[%parallel_loop3A_280, %parallel_loop3A_281] {strides = array<i32>} : memref<128x128xf32, #tpu.memory_space<vmem>>, vector<16xf32>,
        tpu.vector_store %arg14[%parallel_loop3A_280, %parallel_loop3A_281], %parallel_loop3A_279 {strides = array<i32>} : memref<128x128xf32, #tpu.memory_space<vmem>>, vector<16xf32>,
        %parallel_loop3A_283 = vector.broadcast %parallel_loop3A_245 : f32 to vector<16xf32>
        %parallel_loop3A_284 = arith.mulf %parallel_loop3A_166, %parallel_loop3A_283 : vector<16xf32>
        %parallel_loop3A_285 = vector.broadcast %parallel_loop3A_246 : f32 to vector<16xf32>
        %parallel_loop3A_286 = arith.subf %parallel_loop3A_284, %parallel_loop3A_285 : vector<16xf32>
        %parallel_loop3A_287 = arith.mulf %parallel_loop3A_286, %get3A_17 : vector<16xf32>
        %parallel_loop3A_288 = arith.addf %parallel_loop3A_287, %get3A_33 : vector<16xf32>
        %parallel_loop3A_289 = arith.index_cast %parallel_loop3A_128 : i32 to index
        %parallel_loop3A_290 = arith.constant 64 : index
        %parallel_loop3A_291 = tpu.vector_load %arg14[%parallel_loop3A_289, %parallel_loop3A_290] {strides = array<i32>} : memref<128x128xf32, #tpu.memory_space<vmem>>, vector<16xf32>,
        tpu.vector_store %arg14[%parallel_loop3A_289, %parallel_loop3A_290], %parallel_loop3A_288 {strides = array<i32>} : memref<128x128xf32, #tpu.memory_space<vmem>>, vector<16xf32>,
        %parallel_loop3A_292 = vector.broadcast %parallel_loop3A_245 : f32 to vector<16xf32>
        %parallel_loop3A_293 = arith.mulf %parallel_loop3A_173, %parallel_loop3A_292 : vector<16xf32>
        %parallel_loop3A_294 = vector.broadcast %parallel_loop3A_246 : f32 to vector<16xf32>
        %parallel_loop3A_295 = arith.subf %parallel_loop3A_293, %parallel_loop3A_294 : vector<16xf32>
        %parallel_loop3A_296 = arith.mulf %parallel_loop3A_295, %get3A_19 : vector<16xf32>
        %parallel_loop3A_297 = arith.addf %parallel_loop3A_296, %get3A_35 : vector<16xf32>
        %parallel_loop3A_298 = arith.index_cast %parallel_loop3A_128 : i32 to index
        %parallel_loop3A_299 = arith.constant 80 : index
        %parallel_loop3A_300 = tpu.vector_load %arg14[%parallel_loop3A_298, %parallel_loop3A_299] {strides = array<i32>} : memref<128x128xf32, #tpu.memory_space<vmem>>, vector<16xf32>,
        tpu.vector_store %arg14[%parallel_loop3A_298, %parallel_loop3A_299], %parallel_loop3A_297 {strides = array<i32>} : memref<128x128xf32, #tpu.memory_space<vmem>>, vector<16xf32>,
        %parallel_loop3A_301 = vector.broadcast %parallel_loop3A_245 : f32 to vector<16xf32>
        %parallel_loop3A_302 = arith.mulf %parallel_loop3A_180, %parallel_loop3A_301 : vector<16xf32>
        %parallel_loop3A_303 = vector.broadcast %parallel_loop3A_246 : f32 to vector<16xf32>
        %parallel_loop3A_304 = arith.subf %parallel_loop3A_302, %parallel_loop3A_303 : vector<16xf32>
        %parallel_loop3A_305 = arith.mulf %parallel_loop3A_304, %get3A_21 : vector<16xf32>
        %parallel_loop3A_306 = arith.addf %parallel_loop3A_305, %get3A_37 : vector<16xf32>
        %parallel_loop3A_307 = arith.index_cast %parallel_loop3A_128 : i32 to index
        %parallel_loop3A_308 = arith.constant 96 : index
        %parallel_loop3A_309 = tpu.vector_load %arg14[%parallel_loop3A_307, %parallel_loop3A_308] {strides = array<i32>} : memref<128x128xf32, #tpu.memory_space<vmem>>, vector<16xf32>,
        tpu.vector_store %arg14[%parallel_loop3A_307, %parallel_loop3A_308], %parallel_loop3A_306 {strides = array<i32>} : memref<128x128xf32, #tpu.memory_space<vmem>>, vector<16xf32>,
        %parallel_loop3A_310 = vector.broadcast %parallel_loop3A_245 : f32 to vector<16xf32>
        %parallel_loop3A_311 = arith.mulf %parallel_loop3A_187, %parallel_loop3A_310 : vector<16xf32>
        %parallel_loop3A_312 = vector.broadcast %parallel_loop3A_246 : f32 to vector<16xf32>
        %parallel_loop3A_313 = arith.subf %parallel_loop3A_311, %parallel_loop3A_312 : vector<16xf32>
        %parallel_loop3A_314 = arith.mulf %parallel_loop3A_313, %get3A_23 : vector<16xf32>
        %parallel_loop3A_315 = arith.addf %parallel_loop3A_314, %get3A_39 : vector<16xf32>
        %parallel_loop3A_316 = arith.index_cast %parallel_loop3A_128 : i32 to index
        %parallel_loop3A_317 = arith.constant 112 : index
        %parallel_loop3A_318 = tpu.vector_load %arg14[%parallel_loop3A_316, %parallel_loop3A_317] {strides = array<i32>} : memref<128x128xf32, #tpu.memory_space<vmem>>, vector<16xf32>,
        tpu.vector_store %arg14[%parallel_loop3A_316, %parallel_loop3A_317], %parallel_loop3A_315 {strides = array<i32>} : memref<128x128xf32, #tpu.memory_space<vmem>>, vector<16xf32>,
      } {sc.loop_unroll_factor = 4 : i64, sc.parallel_access}
      %mul3A_120 = arith.constant 128 : i32
      %mul3A_121 = arith.muli %add3A_77, %mul3A_120 : i32
      %add3A_122 = arith.addi %mul3A_2, %mul3A_121 : i32
      %dma_start3A_123 = arith.constant 0 : i32
      %dma_start3A_124 = tpu.memref_slice %arg8[%add3A_122, %dma_start3A_123] : memref<204800x128xf32, #tpu.memory_space<hbm>> -> memref<128x128xf32, #tpu.memory_space<hbm>>
      %dma_start3A_125 = arith.constant 0 : i32
      %dma_start3A_126 = tpu.memref_slice %arg8[%add3A_122, %dma_start3A_125] : memref<204800x128xf32, #tpu.memory_space<hbm>> -> memref<128x128xf32, #tpu.memory_space<hbm>>
      tpu.enqueue_dma source(%arg14 : memref<128x128xf32, #tpu.memory_space<vmem>>) target(%dma_start3A_126 : memref<128x128xf32, #tpu.memory_space<hbm>>) target_semaphore(%arg22 : memref<!tpu.dma_semaphore, #tpu.memory_space<semaphore_mem>>)
      %scan3A_127 = arith.constant 0 : i32
      scf.yield %scan3A_127 : i32
    }
    %scan3A_59 = arith.constant 25 : i32
    %add3A_60 = arith.constant 6144 : i32
    %add3A_61 = arith.addi %mul3A_2, %add3A_60 : i32
    %dma_wait3A_62 = arith.constant 0 : i32
    %dma_wait3A_63 = tpu.memref_slice %arg8[%add3A_61, %dma_wait3A_62] : memref<204800x128xf32, #tpu.memory_space<hbm>> -> memref<128x128xf32, #tpu.memory_space<hbm>>
    %dma_wait3A_64 = arith.constant 0 : i32
    %dma_wait3A_65 = tpu.memref_slice %arg8[%add3A_61, %dma_wait3A_64] : memref<204800x128xf32, #tpu.memory_space<hbm>> -> memref<128x128xf32, #tpu.memory_space<hbm>>
    tpu.wait_dma2 semaphore(%arg21 : memref<!tpu.dma_semaphore, #tpu.memory_space<semaphore_mem>>) src(%arg13 : memref<128x128xf32, #tpu.memory_space<vmem>>) dst(%dma_wait3A_65 : memref<128x128xf32, #tpu.memory_space<hbm>>)
    %add3A_66 = arith.constant 6272 : i32
    %add3A_67 = arith.addi %mul3A_2, %add3A_66 : i32
    %dma_wait3A_68 = arith.constant 0 : i32
    %dma_wait3A_69 = tpu.memref_slice %arg8[%add3A_67, %dma_wait3A_68] : memref<204800x128xf32, #tpu.memory_space<hbm>> -> memref<128x128xf32, #tpu.memory_space<hbm>>
    %dma_wait3A_70 = arith.constant 0 : i32
    %dma_wait3A_71 = tpu.memref_slice %arg8[%add3A_67, %dma_wait3A_70] : memref<204800x128xf32, #tpu.memory_space<hbm>> -> memref<128x128xf32, #tpu.memory_space<hbm>>
    tpu.wait_dma2 semaphore(%arg22 : memref<!tpu.dma_semaphore, #tpu.memory_space<semaphore_mem>>) src(%arg14 : memref<128x128xf32, #tpu.memory_space<vmem>>) dst(%dma_wait3A_71 : memref<128x128xf32, #tpu.memory_space<hbm>>)
    return
  }
}

</mosaic_0001>

<sc_bundles>
// kernel: kernel.3.cloned.1.call-start
scs
__scs_entry_jumppad:
0x0: {  	(pc) =	sbr.rel $0x88, $3  }
0x1: {  	(tag) =	ssettag $0x0;
	lr =	simm.s32 $0x1  }
0x2: {  	[smem:$0x3F9B] =	sst lr;
	_ =	strace $0xD0000000  }
0x3: {  	_ = 	snop  }
0x4: {  	_ = 	snop  }
0x5: {  	_ = 	snop  }
0x6: {  	_ = 	snop  }
0x7: {  	_ = 	snop  }
__scs_overlays_trampoline_lowered:
0x8: {  	[smem:$0x3FAA] =	sst s0  }
0x9: {  	[smem:$0x3FAB] =	sst s1  }
0xa: {  	[smem:$0x3FAC] =	sst s2  }
0xb: {  	[smem:$0x3FAD] =	sst s3  }
0xc: {  	[smem:$0x3FAE] =	sst s4  }
0xd: {  	[smem:$0x3FAF] =	sst s5  }
0xe: {  	[smem:$0x3FB0] =	sst s6  }
0xf: {  	[smem:$0x3FB1] =	sst s7  }
0x10: {  	[smem:$0x3FB2] =	sst s8  }
0x11: {  	[smem:$0x3FB3] =	sst s9;
	s0 =	simm.s32 @!p0 $0x0  }
0x12: {  	s1 =	sld [smem:$0x3F99];
	s0 =	simm.s32 @p0 $0x1  }
0x13: {  	[smem:$0x3FB4] =	sst s0;
	s0 =	simm.s32 @!p1 $0x0  }
0x14: {  	s2 =	sld [smem:$0x3F98];
	s0 =	simm.s32 @p1 $0x1  }
0x15: {  	[smem:$0x3FB5] =	sst s0;
	s0 =	simm.s32 @!p2 $0x0  }
0x16: {  	s3 =	sld [smem:$0x3FDB];
	s0 =	simm.s32 @p2 $0x1  }
0x17: {  	s4 =	simm.s32 $0x1BF5;
	[smem:$0x3FB7] =	sst s0  }
0x18: {  	s0 =	sld [smem:$0x3F9A];
	_ =	swait.ge [sflag:s4], $0x0  }
0x19: {  	s7 =	sld [smem:$0x3F9B]  }
0x1a: {  	s8 =	sadd.s32 $0xFFFFE003, lr  }
0x1b: {  	s9 =	sadd.s32 $0xFFFFFEF7, lr;
	s5 =	simm.s32 $0xFFFFFFFF;
	p2 =	slt.u32 s8, $0xFFFFF086  }
0x1c: {  	p1 =	slt.u32 s9, $0xF7A;
	s5 =	simm.s32 @!p2 $0x0  }
0x1d: {  	s5 =	simm.s32 @p1 $0x1;
	p0 =	seq.s32 s7, s2  }
0x1e: {  	s7 =	smul.u32 @!p0 $0xF7A, s2;
	p2 =	seq.s32 @!p0 s5, $0x0  }
0x1f: {  	s9 =	smul.u32 $0xF7A, s1;
	s8 =	simm.s32 @!p0 $0x1BF5;
	p2 =	por !p2, p0  }
0x20: {  	[sflag:s8] =	ssyncset.s32 @!p0 $0xFFFFF086;
	s6 =	sadd.s32 @!p0 s3, s7;
	s7 =	simm.s32 @!p0 $0x108  }
0x21: {  	s3 =	sadd.s32 s3, s9;
	s6 =	sadd.s32 @!p0 $0x88, s6;
	s7 =	simm.s32 @p2 $0x1082  }
0x22: {  	[simem:s7], [sflag:s8] =	dma.local @!p0 [hbm:s6], $0xF7A  }
0x23: {  	s9 =	sor.u32 $0xD0000000, s2;
	s6 =	simm.s32 $0x108;
	_ =	swait.ge @!p0 [sflag:s8], $0x0  }
0x24: {  	s3 =	sadd.s32 $0x88, s3;
	s6 =	simm.s32 @!p1 $0x1082;
	[sflag:s4] =	ssyncset.s32 $0xFFFFF086  }
0x25: {  	[simem:s6], [sflag:s4] =	dma.local [hbm:s3], $0xF7A  }
0x26: {  	[smem:$0x3F9B] =	sst s1;
	(tag) =	ssettag s2;
	_ =	strace s9  }
0x27: {  	s1 =	sld [smem:$0x3FAB]  }
0x28: {  	s2 =	sld [smem:$0x3FAC]  }
0x29: {  	s4 =	sld [smem:$0x3FAE]  }
0x2a: {  	p0 =	seq.s32 s5, $0x0;
	s5 =	sld [smem:$0x3FAF]  }
0x2b: {  	s6 =	sld [smem:$0x3FB0]  }
0x2c: {  	s7 =	sld [smem:$0x3FB1]  }
0x2d: {  	s3 =	simm.s32 $0x108;
	s8 =	sld [smem:$0x3FB2]  }
0x2e: {  	s3 =	simm.s32 @!p0 $0x1082;
	s9 =	sld [smem:$0x3FB3]  }
0x2f: {  	lr =	sadd.s32 s0, s3;
	s0 =	sld [smem:$0x3FAA]  }
0x30: {  	s3 =	sld [smem:$0x3FAD]  }
0x31: {  	[smem:$0x3FB6] =	sst s10  }
0x32: {  	s10 =	sld [smem:$0x3FB4];
	_ =	sdelay $0x3  }
0x33: {  	p0 =	seq.s32 s10, $0x1;
	s10 =	sld [smem:$0x3FB6];
	_ =	sdelay $0x3  }
0x34: {  	[smem:$0x3FB6] =	sst s10  }
0x35: {  	s10 =	sld [smem:$0x3FB5];
	_ =	sdelay $0x3  }
0x36: {  	p1 =	seq.s32 s10, $0x1;
	s10 =	sld [smem:$0x3FB6];
	_ =	sdelay $0x3  }
0x37: {  	[smem:$0x3FB6] =	sst s10  }
0x38: {  	s10 =	sld [smem:$0x3FB7]  }
0x39: {  	_ = 	snop;
	(pc) =	sbr.ind lr, $3  }
0x3a: {  	_ = 	snop  }
0x3b: {  	_ = 	snop  }
0x3c: {  	p2 =	seq.s32 s10, $0x1;
	s10 =	sld [smem:$0x3FB6]  }
0x3d: {  	_ =	shalt  }
0x3e: {  	_ =	shalt  }
0x3f: {  	_ =	shalt  }
0x40: {  	_ =	shalt  }
0x41: {  	_ =	shalt  }
0x42: {  	_ =	shalt  }
0x43: {  	_ =	shalt  }
0x44: {  	_ =	shalt  }
0x45: {  	_ =	shalt  }
0x46: {  	_ =	shalt  }
0x47: {  	_ =	shalt  }
0x48: {  	_ =	shalt  }
0x49: {  	_ =	shalt  }
0x4a: {  	_ =	shalt  }
0x4b: {  	_ =	shalt  }
0x4c: {  	_ =	shalt  }
0x4d: {  	_ =	shalt  }
0x4e: {  	_ =	shalt  }
0x4f: {  	_ =	shalt  }
0x50: {  	_ =	shalt  }
0x51: {  	_ =	shalt  }
0x52: {  	_ =	shalt  }
0x53: {  	_ =	shalt  }
0x54: {  	_ =	shalt  }
0x55: {  	_ =	shalt  }
0x56: {  	_ =	shalt  }
0x57: {  	_ =	shalt  }
0x58: {  	_ =	shalt  }
0x59: {  	_ =	shalt  }
0x5a: {  	_ =	shalt  }
0x5b: {  	_ =	shalt  }
0x5c: {  	_ =	shalt  }
0x5d: {  	_ =	shalt  }
0x5e: {  	_ =	shalt  }
0x5f: {  	_ =	shalt  }
0x60: {  	_ =	shalt  }
0x61: {  	_ =	shalt  }
0x62: {  	_ =	shalt  }
0x63: {  	_ =	shalt  }
0x64: {  	_ =	shalt  }
0x65: {  	_ =	shalt  }
0x66: {  	_ =	shalt  }
0x67: {  	_ =	shalt  }
0x68: {  	_ =	shalt  }
0x69: {  	_ =	shalt  }
0x6a: {  	_ =	shalt  }
0x6b: {  	_ =	shalt  }
0x6c: {  	_ =	shalt  }
0x6d: {  	_ =	shalt  }
0x6e: {  	_ =	shalt  }
0x6f: {  	_ =	shalt  }
0x70: {  	_ =	shalt  }
0x71: {  	_ =	shalt  }
0x72: {  	_ =	shalt  }
0x73: {  	_ =	shalt  }
0x74: {  	_ =	shalt  }
0x75: {  	_ =	shalt  }
0x76: {  	_ =	shalt  }
0x77: {  	_ =	shalt  }
0x78: {  	_ =	shalt  }
0x79: {  	_ =	shalt  }
0x7a: {  	_ =	shalt  }
0x7b: {  	_ =	shalt  }
0x7c: {  	_ =	shalt  }
0x7d: {  	_ =	shalt  }
0x7e: {  	_ =	shalt  }
0x7f: {  	_ =	shalt  }
0x80: {  	_ =	shalt  }
0x81: {  	_ =	shalt  }
0x82: {  	_ =	shalt  }
0x83: {  	_ =	shalt  }
0x84: {  	_ =	shalt  }
0x85: {  	_ =	shalt  }
0x86: {  	_ =	shalt  }
0x87: {  	_ =	shalt  }
.Lfunc_end0:
.L_simem_size_0:
called_computation_lowered:
.L_overlay_start_0:
0x88: {  	s2 =	sld [smem:$0x3FD9]  }
0x89: {  	s3 =	sld [smem:$0x3FFE];
	_ =	sdelay $0x1  }
0x8a: {  	s1 =	srdreg.scid  }
0x8b: {  	s0 =	sand.u32 $0x1, s1  }
0x8c: {  	s17 =	sshll.u32 s0, $0xA;
	s2 =	sadd.s32 s3, s2  }
0x8d: {  	s2 =	sadd.s32 s2, s17  }
0x8e: {  	[smem:$0x3FC2] =	sst s2  }
0x8f: {  	_ = 	snop  }
0x90: {  	s2 =	sld [smem:$0x3FC8]  }
0x91: {  	s18 =	sld [smem:$0x3FC7]  }
0x92: {  	s4 =	sld [smem:$0x3FC6]  }
0x93: {  	s5 =	sld [smem:$0x3FC5]  }
0x94: {  	s6 =	sld [smem:$0x3FC4]  }
0x95: {  	s7 =	sld [smem:$0x3FD0];
	(tm) =	ssettm $0x1  }
0x96: {  	s8 =	sld [smem:$0x3FFB];
	_ =	sdelay $0x3  }
0x97: {  	_ =	strace s8  }
0x98: {  	s8 =	sld [smem:$0x3FFC];
	_ =	sdelay $0x3  }
0x99: {  	_ =	strace s8  }
0x9a: {  	s8 =	sld [smem:$0x3FFD];
	_ =	sdelay $0x3  }
0x9b: {  	_ =	strace s8  }
0x9c: {  	_ =	strace $0x8FFFFFFF  }
0x9d: {  	s19 =	sld [smem:$0x3FDB];
	_ =	sdelay $0x1  }
0x9e: {  	s9 =	simm.s32 $_scs_section_size  }
0x9f: {  	s10 =	simm.s32 $_size__tile_overlayer_lowered;
	s11 =	simm.s32 $_tile_overlayer_lowered  }
0xa0: {  	s22 =	simm.s32 $0x1BFF;
	s21 =	sshll.u32 s11, $0x1;
	s8 =	sadd.s32 s9, s19  }
0xa1: {  	s12 =	simm.s32 $0x0;
	s20 =	sshll.u32 s10, $0x1;
	s10 =	sadd.s32 s21, s8  }
0xa2: {  	[timem:s12], [sflag:s22] =	dma.local [hbm:s10], s20  }
0xa3: {  	_ =	swait.ge [sflag:s22], s20  }
0xa4: {  	s9 =	ssub.s32 $0x0, s20;
	[sflag:s22] =	ssyncset.done $0x0  }
0xa5: {  	[sflag:s22] =	ssyncadd.s32 s9;
	_ =	sdelay $0x1  }
0xa6: {  	s23 =	simm.s32 $0x1B8B  }
0xa7: {  	_ =	swait.ge [sflag:s23], $0x1  }
0xa8: {  	[sflag:s23] =	ssyncset.done $0x0  }
0xa9: {  	s25 =	simm.s32 $0x1B8E;
	s24 =	sld [smem:$0x3FFE];
	[sflag:s23] =	ssyncadd.s32 $0xFFFFFFFF  }
0xaa: {  	s26 =	simm.s32 $execute0_lowered;
	[smem:$0x3FD2] =	sst s25  }
0xab: {  	s10 =	sshll.u32 s26, $0x1;
	_ =	strace $0x80000046;
	[dreg:$0x1] =	wrdreg $0xFFFFFFFF  }
0xac: {  	s28 =	simm.s32 $_size_execute0_lowered;
	s8 =	sadd.s32 s8, s10;
	[dreg:$0x0] =	wrdreg $0x0  }
0xad: {  	s10 =	sshll.u32 s28, $0x1;
	[dreg:$0x2] =	wrdreg s8  }
0xae: {  	[dreg:$0x3] =	wrdreg s10  }
0xaf: {  	[dreg:$0x4] =	wrdreg $0xC0  }
0xb0: {  	_ =	task [dreg:s12], $0x5FFFF  }
0xb1: {  	[dreg:$0x1] =	wrdreg $0xFFFFFFFF  }
0xb2: {  	[dreg:$0x0] =	wrdreg $0x60  }
0xb3: {  	[dreg:$0x2] =	wrdreg s24  }
0xb4: {  	[dreg:$0x3] =	wrdreg s2  }
0xb5: {  	[dreg:$0x4] =	wrdreg s18  }
0xb6: {  	[dreg:$0x5] =	wrdreg s4  }
0xb7: {  	[dreg:$0x6] =	wrdreg s5  }
0xb8: {  	[dreg:$0x7] =	wrdreg s6  }
0xb9: {  	[dreg:$0x8] =	wrdreg s7  }
0xba: {  	[dreg:$0x9] =	wrdreg $0x9  }
0xbb: {  	_ =	task.clear_ibuf [dreg:s12], $0xAFFFF;
	_ =	strace $0x90000046  }
0xbc: {  	s29 =	simm.s32 $0x9;
	_ =	strace $0x80000048  }
0xbd: {  	_ =	swait.ge [sflag:s29], $0x1  }
0xbe: {  	[sflag:s29] =	ssyncadd.s32 $0xFFFFFFFF  }
0xbf: {  	_ =	strace $0x90000048  }
0xc0: {  	_ =	sfence  }
0xc1: {  	s30 =	sld [smem:$0x0];
	_ =	sdelay $0x2  }
0xc2: {  	s31 =	sshll.u32 s1, $0xD;
	s1 =	sshrl.u32 s1, $0x2  }
0xc3: {  	s3 =	sand.u32 $0x4000, s31;
	s1 =	sadd.s32 s1, s30  }
0xc4: {  	s0 =	sor.u32 s3, s0;
	s1 =	sshll.u32 s1, $0x11  }
0xc5: {  	s0 =	sor.u32 s1, s0  }
0xc6: {  	s0 =	sadd.s32 $0x8F2B, s0  }
0xc7: {  	[sflag:s0] =	ssyncadd.remote.s32 $0x1  }
0xc8: {  	_ =	sfence.sel $0xFFFF  }
0xc9: {  	[dreg:$0x0] =	wrdreg $0xFFFFFFFF;
	(pc) =	sbr.abs _section_cstart, $3  }
0xca: {  	[dreg:$0x1] =	wrdreg $0xFFFFFFFF  }
0xcb: {  	_ =	task.clear_ibuf [dreg:s12], $0x2FFFF;
	_ =	strace $0x9FFFFFFF  }
0xcc: {  	(tm) =	ssettm $0x7FFFFFFF  }
0xcd: {  	_ =	shalt  }
tec
execute0_lowered:
.L_overlay_start_1:
0x0: {  	(tag) =	ssettag $0x1  }
0x1: {  	s2 =	srdreg.scid;
	s0 =	stileid.u32  }
0x2: {  	s2 =	sand.u32 $0x1, s2;
	s3 =	sshll.u32 s0, $0x1  }
0x3: {  	s1 =	rddreg [dreg:$0x0];
	s3 =	sor.u32 s2, s3  }
0x4: {  	s31 =	rddreg [dreg:$0x1];
	s23 =	simm.s32 $0x0;
	s9 =	smul.u32 $0x1900, s3  }
0x5: {  	[smem:$0x7FF] =	sst s23;
	s10 =	sadd.s32 $0x400, s1;
	s2 =	ssub.s32 $0x2, s2  }
0x6: {  	_ =	strace $0x80000047;
	s24 =	sshrl.u32 s2, $0x1;
	s26 =	sadd.s32 $0x100, s9  }
0x7: {  	s1 =	ssub.s32 s2, s24;
	s28 =	sadd.s32 $0x180, s9;
	[dreg:$0xa] =	wrdreg s26  }
0x8: {  	s3 =	sshrl.u32 s9, $0x3;
	s30 =	smax.u32 s1, $0x1;
	[dreg:$0xb] =	wrdreg s28  }
0x9: {  	s25 =	sadd.s32 s10, s3;
	[dreg:$0xc] =	wrdreg s30  }
0xa: {  	s29 =	simm.s32 $0x2;
	[dreg:$0x8] =	wrdreg s25;
	s0 =	sadd.s32 $0x10, s25  }
0xb: {  	s24 =	simm.s32 $0x6;
	s2 =	simm.s32 $0x0;
	[dreg:$0x9] =	wrdreg s0  }
.LBB2_1:
0xc: {  	[dreg:$0xd] =	wrdreg s2  }
0xd: {  	s0 =	rddreg [dreg:$0x2]  }
0xe: {  	s1 =	simm.s32 $0x0;
	s21 =	simm.s32 $0x10100;
	s22 =	simm.s32 $0x7  }
0xf: {  	[tilespmem:s21], [sflag:$0x7] =	stream.linear.gather [hbm4b:s0+s1], $0x6400, $0x38;
	[tilespmem:$0x16680] =	vst v63  }
0x10: {  	_ =	swait.ge [sflag:s22], $0x6400  }
0x11: {  	[sflag:s22] =	ssyncset.done $0x0  }
0x12: {  	[sflag:s22] =	ssyncadd.s32 $0xFFFF9C00  }
0x13: {  	s3 =	simm.s32 $0x16500;
	s23 =	rddreg [dreg:$0x3]  }
0x14: {  	[tilespmem:s3], [sflag:$0x7] =	stream.linear.gather [hbm4b:s23+s1], $0x80, $0x38;
	[tilespmem:$0x16680] =	vst v63  }
0x15: {  	_ =	swait.ge [sflag:s22], $0x80  }
0x16: {  	[sflag:s22] =	ssyncset.done $0x0  }
0x17: {  	[sflag:s22] =	ssyncadd.s32 $0xFFFFFF80  }
0x18: {  	s26 =	simm.s32 $0x16580;
	s25 =	rddreg [dreg:$0x4]  }
0x19: {  	[tilespmem:s26], [sflag:$0x7] =	stream.linear.gather [hbm4b:s25+s1], $0x80, $0x38;
	[tilespmem:$0x16680] =	vst v63  }
0x1a: {  	_ =	swait.ge [sflag:s22], $0x80  }
0x1b: {  	[sflag:s22] =	ssyncset.done $0x0  }
0x1c: {  	[sflag:s22] =	ssyncadd.s32 $0xFFFFFF80  }
0x1d: {  	s30 =	simm.s32 $0x16600;
	s28 =	rddreg [dreg:$0x5]  }
0x1e: {  	[tilespmem:s30], [sflag:$0x7] =	stream.linear.gather [hbm4b:s28+s1], $0x80, $0x38;
	[tilespmem:$0x16680] =	vst v63  }
0x1f: {  	_ =	swait.ge [sflag:s22], $0x80  }
0x20: {  	[sflag:s22] =	ssyncset.done $0x0  }
0x21: {  	s1 =	simm.s32 $0x0;
	[sflag:s22] =	ssyncadd.s32 $0xFFFFFF80  }
0x22: {  	s2 =	simm.s32 $0x200;
	v0 =	vld [tilespmem:s1+$0x10100]  }
.LBB2_2:
0x23: {  	p0 =	sne.s32 s2, $0x18E00;
	v1 =	vld [tilespmem:$0x16500];
	_ =	sdelay $0x4  }
0x24: {  	v0 =	vadd.f32 v1, v0;
	_ =	sdelay $0x1  }
0x25: {  	[tilespmem:s1+$0x10100] =	vst v0;
	v0 =	vld [tilespmem:s1+$0x10110]  }
0x26: {  	v1 =	vld [tilespmem:$0x16510];
	_ =	sdelay $0x4  }
0x27: {  	v0 =	vadd.f32 v1, v0;
	_ =	sdelay $0x1  }
0x28: {  	[tilespmem:s1+$0x10110] =	vst v0;
	v0 =	vld [tilespmem:s1+$0x10120]  }
0x29: {  	v1 =	vld [tilespmem:$0x16520];
	_ =	sdelay $0x4  }
0x2a: {  	v0 =	vadd.f32 v1, v0;
	_ =	sdelay $0x1  }
0x2b: {  	[tilespmem:s1+$0x10120] =	vst v0;
	v0 =	vld [tilespmem:s1+$0x10130]  }
0x2c: {  	v1 =	vld [tilespmem:$0x16530];
	_ =	sdelay $0x4  }
0x2d: {  	v0 =	vadd.f32 v1, v0;
	_ =	sdelay $0x1  }
0x2e: {  	[tilespmem:s1+$0x10130] =	vst v0;
	v0 =	vld [tilespmem:s1+$0x10140]  }
0x2f: {  	v1 =	vld [tilespmem:$0x16540];
	_ =	sdelay $0x4  }
0x30: {  	v0 =	vadd.f32 v1, v0;
	_ =	sdelay $0x1  }
0x31: {  	[tilespmem:s1+$0x10140] =	vst v0;
	v0 =	vld [tilespmem:s1+$0x10150]  }
0x32: {  	v1 =	vld [tilespmem:$0x16550];
	_ =	sdelay $0x4  }
0x33: {  	v0 =	vadd.f32 v1, v0;
	_ =	sdelay $0x1  }
0x34: {  	[tilespmem:s1+$0x10150] =	vst v0;
	v0 =	vld [tilespmem:s1+$0x10160]  }
0x35: {  	v1 =	vld [tilespmem:$0x16560];
	_ =	sdelay $0x4  }
0x36: {  	v0 =	vadd.f32 v1, v0;
	_ =	sdelay $0x1  }
0x37: {  	[tilespmem:s1+$0x10160] =	vst v0;
	v0 =	vld [tilespmem:s1+$0x10170]  }
0x38: {  	v1 =	vld [tilespmem:$0x16570];
	_ =	sdelay $0x2  }
.Ltmp0:
0x39: {  	(pc) =	sbr.rel @p0 .LBB2_2-.Ltmp0, $4  }
0x3a: {  	_ = 	snop  }
0x3b: {  	v1 =	vadd.f32 v1, v0  }
0x3c: {  	s3 =	sshra.s32 s2, $0x2  }
0x3d: {  	s2 =	sadd.s32 $0x200, s2;
	v0 =	vld [tilespmem:s3+$0x10100];
	[tilespmem:s1+$0x10170] =	vst v1;
	s1 =	smov.u32 s3  }
0x3e: {  	v1 =	vld [tilespmem:$0x16500];
	_ =	sdelay $0x4  }
0x3f: {  	v0 =	vadd.f32 v1, v0;
	_ =	sdelay $0x1  }
0x40: {  	v50 =	vld [tilespmem:s1+$0x10110];
	[tilespmem:s1+$0x10100] =	vst v0  }
0x41: {  	v51 =	vld [tilespmem:$0x16510];
	_ =	sdelay $0x4  }
0x42: {  	v0 =	vadd.f32 v51, v50;
	_ =	sdelay $0x1  }
0x43: {  	v52 =	vld [tilespmem:s1+$0x10120];
	[tilespmem:s1+$0x10110] =	vst v0  }
0x44: {  	v53 =	vld [tilespmem:$0x16520];
	_ =	sdelay $0x4  }
0x45: {  	v0 =	vadd.f32 v53, v52;
	_ =	sdelay $0x1  }
0x46: {  	v54 =	vld [tilespmem:s1+$0x10130];
	[tilespmem:s1+$0x10120] =	vst v0  }
0x47: {  	v55 =	vld [tilespmem:$0x16530];
	_ =	sdelay $0x4  }
0x48: {  	v0 =	vadd.f32 v55, v54;
	_ =	sdelay $0x1  }
0x49: {  	v56 =	vld [tilespmem:s1+$0x10140];
	[tilespmem:s1+$0x10130] =	vst v0  }
0x4a: {  	v57 =	vld [tilespmem:$0x16540];
	_ =	sdelay $0x4  }
0x4b: {  	v0 =	vadd.f32 v57, v56;
	_ =	sdelay $0x1  }
0x4c: {  	v58 =	vld [tilespmem:s1+$0x10150];
	[tilespmem:s1+$0x10140] =	vst v0  }
0x4d: {  	v59 =	vld [tilespmem:$0x16550];
	_ =	sdelay $0x4  }
0x4e: {  	v0 =	vadd.f32 v59, v58;
	_ =	sdelay $0x1  }
0x4f: {  	v60 =	vld [tilespmem:s1+$0x10160];
	[tilespmem:s1+$0x10150] =	vst v0  }
0x50: {  	v61 =	vld [tilespmem:$0x16560];
	_ =	sdelay $0x4  }
0x51: {  	v0 =	vadd.f32 v61, v60;
	_ =	sdelay $0x1  }
0x52: {  	v62 =	vld [tilespmem:s1+$0x10170];
	[tilespmem:s1+$0x10160] =	vst v0  }
0x53: {  	v63 =	vld [tilespmem:$0x16570];
	_ =	sdelay $0x4  }
0x54: {  	v0 =	vadd.f32 v63, v62;
	_ =	sdelay $0x1  }
0x55: {  	[tilespmem:s1+$0x10170] =	vst v0  }
0x56: {  	v21 =	vld [tilespmem:$0x16580]  }
0x57: {  	v22 =	vld [tilespmem:$0x16590]  }
0x58: {  	v23 =	vld [tilespmem:$0x165A0]  }
0x59: {  	v26 =	vld [tilespmem:$0x165B0]  }
0x5a: {  	v28 =	vld [tilespmem:$0x165C0]  }
0x5b: {  	v30 =	vld [tilespmem:$0x165D0]  }
0x5c: {  	v29 =	vld [tilespmem:$0x165E0]  }
0x5d: {  	v11 =	vld [tilespmem:$0x165F0]  }
0x5e: {  	v25 =	vld [tilespmem:$0x16600]  }
0x5f: {  	v14 =	vld [tilespmem:$0x16610]  }
0x60: {  	v24 =	vld [tilespmem:$0x16620]  }
0x61: {  	v15 =	vld [tilespmem:$0x16630]  }
0x62: {  	v16 =	vld [tilespmem:$0x16640]  }
0x63: {  	v17 =	vld [tilespmem:$0x16650]  }
0x64: {  	s2 =	simm.s32 $0x0;
	s0 =	rddreg [dreg:$0x8];
	v40 =	vld [tilespmem:$0x16660]  }
0x65: {  	v13 =	vld [tilespmem:$0x16670];
	[tilespmem:s2], [sflag:$0x5] =	stream.linear.gather [hbm4b:s0+s2], $0x80, $0x38  }
0x66: {  	s3 =	simm.s32 $0x80;
	s26 =	rddreg [dreg:$0x9];
	s28 =	simm.s32 $0x5  }
0x67: {  	[tilespmem:s3], [sflag:$0x6] =	stream.linear.gather [hbm4b:s26+s2], $0x80, $0x38;
	[tilespmem:$0x16680] =	vst v63  }
0x68: {  	_ =	swait.ge [sflag:s28], $0x80  }
0x69: {  	[tilespmem:$0x1FF00] =	vst v21  }
0x6a: {  	[tilespmem:$0x1FF10] =	vst v22  }
0x6b: {  	[tilespmem:$0x1FF20] =	vst v23  }
0x6c: {  	[tilespmem:$0x1FF30] =	vst v26  }
0x6d: {  	[tilespmem:$0x1FF40] =	vst v28  }
0x6e: {  	[tilespmem:$0x1FF50] =	vst v30  }
0x6f: {  	[tilespmem:$0x1FF60] =	vst v29  }
0x70: {  	[tilespmem:$0x1FF70] =	vst v11  }
0x71: {  	[tilespmem:$0x1FF80] =	vst v25  }
0x72: {  	[tilespmem:$0x1FF90] =	vst v14  }
0x73: {  	[tilespmem:$0x1FFA0] =	vst v24  }
0x74: {  	[tilespmem:$0x1FFB0] =	vst v15  }
0x75: {  	[tilespmem:$0x1FFC0] =	vst v16  }
0x76: {  	[tilespmem:$0x1FFD0] =	vst v17  }
0x77: {  	s30 =	simm.s32 $0x100;
	s4 =	simm.s32 $0x10100;
	[sflag:s28] =	ssyncset.done $0x0;
	[tilespmem:$0x1FFE0] =	vst v40  }
0x78: {  	s6 =	simm.s32 $0x142F0;
	s16 =	simm.s32 $0x0;
	[sflag:s28] =	ssyncadd.s32 $0xFFFFFF80;
	[tilespmem:$0x1FFF0] =	vst v13  }
0x79: {  	[tilespmem:s30], [sflag:$0x1] =	stream.indirect.gather [hbm4b:s31+s3], $0x80, s2, s3, $0xb8;
	[tilespmem:$0x16680] =	vst v63  }
.LBB2_4:
0x7a: {  	s5 =	simm.s32 $0x1  }
0x7b: {  	_ =	swait.ge [sflag:s5], $0x4000  }
0x7c: {  	s19 =	sshll.u32 s16, $0x8;
	p0 =	seq.s32 s16, $0x18;
	s0 =	rddreg [dreg:$0xa]  }
0x7d: {  	s1 =	sadd.s32 @!p0 s19, s0  }
0x7e: {  	[sflag:s5] =	ssyncset.done $0x0;
	s1 =	sshrl.u32 @!p0 s1, $0x3  }
0x7f: {  	[sflag:s5] =	ssyncadd.s32 $0xFFFFC000;
	s5 =	simm.s32 @!p0 $0x0;
	s1 =	sadd.s32 @!p0 s10, s1  }
0x80: {  	[tilespmem:s5], [sflag:$0x5] =	stream.linear.gather @!p0 [hbm4b:s1+s5], $0x80, $0x38;
	[tilespmem:$0x16680] =	vst v63  }
0x81: {  	s8 =	simm.s32 $0x80;
	_ =	swait.ge [sflag:s24], $0x80  }
0x82: {  	s11 =	simm.s32 $0x4100;
	p1 =	seq.s32 s16, $0x0;
	[sflag:s24] =	ssyncset.done $0x0  }
0x83: {  	s12 =	smulhi.u32 $0x51EB851F, s2;
	s5 =	simm.s32 @!p1 $0x3;
	[sflag:s24] =	ssyncadd.s32 $0xFFFFFF80  }
0x84: {  	[tilespmem:s11], [sflag:$0x2] =	stream.indirect.gather [hbm4b:s31+s8], $0x80, s8, s8, $0xb8;
	[tilespmem:$0x16680] =	vst v63  }
0x85: {  	s1 =	sshrl.u32 s12, $0x6;
	_ =	swait.ge @!p1 [sflag:s5], $0x4000  }
0x86: {  	s7 =	smul.u32 $0xFFFE7000, s1;
	[sflag:s5] =	ssyncset.done @!p1 $0x0  }
0x87: {  	s13 =	simm.s32 $0x200;
	[sflag:s5] =	ssyncadd.s32 @!p1 $0xFFFFC000  }
0x88: {  	s14 =	sshra.s32 s7, $0x2;
	v0 =	vld [tilespmem:s13+$0x80]  }
0x89: {  	s11 =	sadd.s32 s14, s4;
	v1 =	vld [tilespmem:s13+$0x90]  }
0x8a: {  	v2 =	vld [tilespmem:s11+$0x180]  }
0x8b: {  	v3 =	vld [tilespmem:s11+$0x190]  }
0x8c: {  	v4 =	vld [tilespmem:s13+$0xA0]  }
0x8d: {  	v5 =	vld [tilespmem:s11+$0x1A0]  }
0x8e: {  	v6 =	vld [tilespmem:s13+$0xB0]  }
0x8f: {  	v7 =	vld [tilespmem:s11+$0x1B0]  }
0x90: {  	v16 =	vld [tilespmem:s13+$0xC0]  }
0x91: {  	v17 =	vld [tilespmem:s11+$0x1C0]  }
0x92: {  	v18 =	vld [tilespmem:s13+$0xD0]  }
0x93: {  	v19 =	vld [tilespmem:s11+$0x1D0]  }
0x94: {  	v20 =	vld [tilespmem:s13+$0xE0]  }
0x95: {  	v21 =	vld [tilespmem:s11+$0x1E0]  }
0x96: {  	v22 =	vld [tilespmem:s13+$0xF0]  }
0x97: {  	v23 =	vld [tilespmem:s11+$0x1F0]  }
0x98: {  	v24 =	vld [tilespmem:s11+$0x0]  }
0x99: {  	v25 =	vld [tilespmem:s11+$0x10]  }
0x9a: {  	v26 =	vld [tilespmem:s11+$0x80]  }
0x9b: {  	v28 =	vld [tilespmem:s11+$0x90]  }
0x9c: {  	v29 =	vld [tilespmem:s11+$0x100]  }
0x9d: {  	v30 =	vld [tilespmem:s11+$0x110]  }
0x9e: {  	v31 =	vld [tilespmem:s13+$0xFFFFFF00]  }
0x9f: {  	v32 =	vld [tilespmem:s13+$0xFFFFFF10]  }
0xa0: {  	v33 =	vld [tilespmem:s13+$0xFFFFFF80]  }
0xa1: {  	v35 =	vld [tilespmem:s13+$0xFFFFFF90]  }
0xa2: {  	v36 =	vld [tilespmem:s13+$0x0]  }
0xa3: {  	v37 =	vld [tilespmem:s13+$0x10]  }
0xa4: {  	v40 =	vld [tilespmem:s11+$0x20]  }
0xa5: {  	v41 =	vld [tilespmem:s11+$0xA0]  }
0xa6: {  	v43 =	vld [tilespmem:s11+$0x120]  }
0xa7: {  	v45 =	vld [tilespmem:s13+$0xFFFFFF20]  }
0xa8: {  	v46 =	vld [tilespmem:s11+$0xB0];
	v52 =	vadd.f32 v2, v0;
	v56 =	vadd.f32 v3, v1  }
0xa9: {  	v47 =	vld [tilespmem:s13+$0xFFFFFF30]  }
0xaa: {  	v48 =	vld [tilespmem:s11+$0x50];
	v57 =	vadd.f32 v5, v4;
	v0 =	vmul.f32 v52, v52;
	v3 =	vmul.f32 v56, v56  }
0xab: {  	v49 =	vld [tilespmem:s11+$0xD0];
	v5 =	vadd.f32 v56, v52  }
0xac: {  	v1 =	vld [tilespmem:s13+$0xFFFFFFA0];
	v55 =	vadd.f32 v7, v6;
	v6 =	vmul.f32 v57, v57;
	v3 =	vadd.f32 v3, v0  }
0xad: {  	v2 =	vld [tilespmem:s13+$0x20];
	v5 =	vadd.f32 v57, v5  }
0xae: {  	v4 =	vld [tilespmem:s11+$0x30];
	v50 =	vadd.f32 v17, v16;
	v3 =	vadd.f32 v6, v3;
	v6 =	vmul.f32 v55, v55  }
0xaf: {  	v7 =	vld [tilespmem:s11+$0x130];
	v5 =	vadd.f32 v55, v5  }
0xb0: {  	v16 =	vld [tilespmem:s13+$0xFFFFFFB0];
	v44 =	vadd.f32 v19, v18;
	v3 =	vadd.f32 v6, v3;
	v6 =	vmul.f32 v50, v50  }
0xb1: {  	v17 =	vld [tilespmem:s13+$0x30];
	v5 =	vadd.f32 v50, v5  }
0xb2: {  	v18 =	vld [tilespmem:s11+$0x40];
	v42 =	vadd.f32 v21, v20;
	v3 =	vadd.f32 v6, v3;
	v6 =	vmul.f32 v44, v44  }
0xb3: {  	v19 =	vld [tilespmem:s11+$0xC0];
	v5 =	vadd.f32 v44, v5  }
0xb4: {  	v20 =	vld [tilespmem:s11+$0x140];
	v39 =	vadd.f32 v23, v22;
	v3 =	vadd.f32 v6, v3;
	v6 =	vmul.f32 v42, v42  }
0xb5: {  	v21 =	vld [tilespmem:s13+$0xFFFFFF40];
	v5 =	vadd.f32 v42, v5  }
0xb6: {  	v22 =	vld [tilespmem:s13+$0xFFFFFFC0];
	v3 =	vadd.f32 v6, v3;
	v6 =	vmul.f32 v39, v39  }
0xb7: {  	v23 =	vld [tilespmem:s13+$0x40];
	v5 =	vadd.f32 v39, v5  }
0xb8: {  	v0 =	vadd.f32 v24, v31;
	v3 =	vadd.f32 v6, v3;
	v6 =	vld [tilespmem:s11+$0x150]  }
0xb9: {  	v8 =	vadd.f32 v25, v32;
	(xrf2) =	vadd.scan.msk.f32 $0xffff, v5;
	v5 =	vld [tilespmem:s13+$0xFFFFFF50]  }
0xba: {  	v9 =	vadd.f32 v26, v33;
	(xrf2) =	vadd.scan.msk.f32 $0xffff, v3;
	v3 =	vld [tilespmem:s13+$0xFFFFFFD0];
	[tilespmem:$0x1FD60] =	vst v0  }
0xbb: {  	v10 =	vadd.f32 v28, v35;
	v24 =	vld [tilespmem:s13+$0x50];
	[tilespmem:$0x1FD70] =	vst v8  }
0xbc: {  	[tilespmem:$0x1FDB0] =	vst v9  }
0xbd: {  	v26 =	vmul.f32 v0, v0;
	v31 =	vadd.f32 v8, v0;
	v0 =	vadd.f32 v29, v36;
	v25 =	vld [tilespmem:s11+$0x60];
	[tilespmem:$0x1FDC0] =	vst v10  }
0xbe: {  	v32 =	vmul.f32 v8, v8;
	v8 =	vadd.f32 v30, v37;
	v28 =	vld [tilespmem:s11+$0xE0]  }
0xbf: {  	v35 =	vld [tilespmem:s11+$0x160];
	[tilespmem:$0x1FE10] =	vst v0  }
0xc0: {  	[tilespmem:$0x1FE20] =	vst v8  }
0xc1: {  	v63 =	vadd.f32 v40, v45;
	v33 =	vmul.f32 v9, v9;
	v26 =	vadd.f32 v32, v26;
	v30 =	vld [tilespmem:s13+$0xFFFFFF60]  }
0xc2: {  	v62 =	vmul.f32 v8, v8;
	v51 =	vadd.f32 v8, v0;
	v8 =	vadd.f32 v41, v1;
	v32 =	vld [tilespmem:s13+$0xFFFFFFE0]  }
0xc3: {  	v29 =	vmul.f32 v10, v10;
	v61 =	vmul.f32 v0, v0;
	v0 =	vadd.f32 v43, v2;
	v53 =	vld [tilespmem:s13+$0x60];
	[tilespmem:$0x1FD80] =	vst v63  }
0xc4: {  	s21 =	sadd.s32 $0x4, s2;
	v60 =	vadd.f32 v10, v9;
	v40 =	vld [tilespmem:s11+$0x70];
	[tilespmem:$0x1FDD0] =	vst v8  }
0xc5: {  	s15 =	smulhi.u32 $0x51EB851F, s21;
	v31 =	vadd.f32 v63, v31;
	v29 =	vadd.f32 v29, v33;
	v1 =	vld [tilespmem:s11+$0xF0];
	[tilespmem:$0x1FE30] =	vst v0;
	v38, _, _ =	vpop (xrf2)  }
0xc6: {  	v54 =	vmul.f32 v63, v63;
	v36 =	vadd.f32 v8, v60;
	v2 =	vld [tilespmem:s11+$0x170];
	(v2sf) =	vpush v38, $0xF;
	v45, _, _ =	vpop (xrf2)  }
0xc7: {  	s5 =	sshrl.u32 s15, $0x6;
	v58 =	vmul.f32 v8, v8;
	v8 =	vadd.f32 v46, v16;
	v37 =	vld [tilespmem:s13+$0xFFFFFF70];
	(v2sf) =	vpush v45, $0xF  }
0xc8: {  	s5 =	smul.u32 $0xFFFE7000, s5;
	v59 =	vmul.f32 v0, v0;
	v41 =	vld [tilespmem:s13+$0xFFFFFFF0];
	v45 =	vadd.f32 v0, v51;
	v0 =	vadd.f32 v7, v17  }
0xc9: {  	s20 =	simm.s32 $0x400;
	v33 =	vadd.f32 v62, v61;
	v61 =	vadd.f32 v4, v47;
	v4 =	vld [tilespmem:s13+$0x70];
	[tilespmem:$0x1FDE0] =	vst v8  }
0xca: {  	s22 =	sadd.s32 $0x200, s4;
	s17 =	sshra.s32 s5, $0x2;
	v26 =	vadd.f32 v54, v26;
	v54 =	vadd.f32 v18, v21;
	v16 =	vld [tilespmem:s20+$0x80];
	[tilespmem:$0x1FE40] =	vst v0  }
0xcb: {  	v29 =	vadd.f32 v58, v29;
	v34 =	vmul.f32 v61, v61;
	s11 =	sadd.s32 s17, s22;
	v17 =	vadd.f32 v61, v31;
	v7 =	vld [tilespmem:s20+$0x90]  }
0xcc: {  	v31 =	vadd.f32 v8, v36;
	v51 =	vmul.f32 v8, v8;
	v8 =	vadd.f32 v19, v22;
	v46 =	vld [tilespmem:s11+$0x180]  }
0xcd: {  	v58 =	vmul.f32 v0, v0;
	v21 =	vadd.f32 v0, v45;
	v0 =	vadd.f32 v20, v23;
	v18 =	vld [tilespmem:s11+$0x190]  }
0xce: {  	v26 =	vadd.f32 v34, v26;
	v19 =	vmul.f32 v54, v54;
	v36 =	vld [tilespmem:s20+$0xA0];
	[tilespmem:$0x1FE00] =	vst v8  }
0xcf: {  	v63 =	vadd.f32 v49, v3;
	v33 =	vadd.f32 v59, v33;
	v22 =	vld [tilespmem:s11+$0x1A0];
	[tilespmem:$0x1FE50] =	vst v0  }
0xd0: {  	v62 =	vadd.f32 v25, v30;
	v19 =	vadd.f32 v19, v26;
	v20 =	vld [tilespmem:s20+$0xB0]  }
0xd1: {  	v21 =	vadd.f32 v0, v21;
	v59 =	vmul.f32 v0, v0;
	v0 =	vadd.f32 v6, v24;
	v26 =	vld [tilespmem:s11+$0x1B0]  }
0xd2: {  	v29 =	vadd.f32 v51, v29;
	v51 =	vadd.f32 v48, v5;
	v5 =	vld [tilespmem:s20+$0xC0]  }
0xd3: {  	v40 =	vadd.f32 v40, v37;
	v23 =	vadd.f32 v8, v31;
	v31 =	vmul.f32 v8, v8;
	v3 =	vld [tilespmem:s11+$0x1C0];
	[tilespmem:$0x1FE60] =	vst v0  }
0xd4: {  	v17 =	vadd.f32 v54, v17;
	v33 =	vadd.f32 v58, v33;
	v6 =	vld [tilespmem:s20+$0xD0]  }
0xd5: {  	v60 =	vadd.f32 v1, v41;
	v29 =	vadd.f32 v31, v29;
	v24 =	vld [tilespmem:s11+$0x1D0]  }
0xd6: {  	v9 =	vmul.f32 v51, v51;
	v17 =	vadd.f32 v51, v17;
	v31 =	vadd.f32 v59, v33;
	v48 =	vld [tilespmem:s20+$0xE0]  }
0xd7: {  	v38 =	vmul.f32 v0, v0;
	v21 =	vadd.f32 v0, v21;
	v0 =	vadd.f32 v35, v53;
	v25 =	vld [tilespmem:s11+$0x1E0]  }
0xd8: {  	v19 =	vadd.f32 v9, v19;
	v59 =	vadd.f32 v28, v32;
	v49 =	vld [tilespmem:s11+$0x1F0]  }
0xd9: {  	v17 =	vadd.f32 v62, v17;
	v28 =	vmul.f32 v62, v62;
	v30 =	vadd.f32 v38, v31;
	v31 =	vld [tilespmem:s20+$0xF0];
	[tilespmem:$0x1FE70] =	vst v0  }
0xda: {  	v21 =	vadd.f32 v0, v21;
	v41 =	vmul.f32 v0, v0;
	v0 =	vadd.f32 v2, v4;
	v53 =	vld [tilespmem:s11+$0x0]  }
0xdb: {  	v19 =	vadd.f32 v28, v19;
	v28 =	vld [tilespmem:s11+$0x10]  }
0xdc: {  	v10 =	vmul.f32 v63, v63;
	v1 =	vadd.f32 v40, v17;
	v17 =	vld [tilespmem:s11+$0x80];
	[tilespmem:$0x1FE80] =	vst v0  }
0xdd: {  	v23 =	vadd.f32 v63, v23;
	v43 =	vadd.f32 v46, v16;
	v2 =	vld [tilespmem:s11+$0x90]  }
0xde: {  	v29 =	vadd.f32 v10, v29;
	v10 =	vmul.f32 v59, v59;
	v8 =	vadd.f32 v18, v7;
	(xrf2) =	vadd.scan.msk.f32 $0xffff, v1;
	v1 =	vld [tilespmem:s11+$0x100]  }
0xdf: {  	v23 =	vadd.f32 v59, v23;
	v45 =	vadd.f32 v22, v36;
	v35 =	vld [tilespmem:s11+$0x110];
	[tilespmem:$0x1FE90] =	vst v43  }
0xe0: {  	v4 =	vadd.f32 v10, v29;
	v29 =	vadd.f32 v41, v30;
	v30 =	vmul.f32 v40, v40;
	[tilespmem:$0x1FEA0] =	vst v8  }
0xe1: {  	v16 =	vmul.f32 v60, v60;
	v23 =	vadd.f32 v60, v23;
	v21 =	vadd.f32 v0, v21;
	v7 =	vld [tilespmem:s20+$0xFFFFFF00]  }
0xe2: {  	v12 =	vadd.f32 v26, v20;
	v18 =	vadd.f32 v30, v19;
	v19 =	vmul.f32 v0, v0;
	v0 =	vld [tilespmem:s20+$0xFFFFFF10];
	[tilespmem:$0x1FEB0] =	vst v45  }
0xe3: {  	(xrf2) =	vadd.scan.msk.f32 $0xffff, v23;
	v4 =	vadd.f32 v16, v4;
	v22 =	vld [tilespmem:s20+$0xFFFFFF80]  }
0xe4: {  	(xrf2) =	vadd.scan.msk.f32 $0xffff, v21;
	v21 =	vadd.f32 v8, v43;
	v16 =	vadd.f32 v19, v29;
	v19 =	vld [tilespmem:s20+$0xFFFFFF90];
	[tilespmem:$0x1FEC0] =	vst v12  }
0xe5: {  	v20 =	vld [tilespmem:s20+$0x0]  }
0xe6: {  	(xrf2) =	vadd.scan.msk.f32 $0xffff, v18;
	v18 =	vadd.f32 v45, v21;
	v21 =	vmul.f32 v8, v8;
	v26 =	vld [tilespmem:s20+$0x10];
	v8 =	vadd.f32 v3, v5  }
0xe7: {  	v46 =	vadd.f32 v24, v6;
	s18 =	spop (v2sf);
	v5 =	vld [tilespmem:s11+$0x20]  }
0xe8: {  	s1 =	smul.f32 $7.812500000e-03, s18;
	s25 =	spop (v2sf);
	(xrf2) =	vadd.scan.msk.f32 $0xffff, v4;
	v4 =	vmul.f32 v43, v43;
	v3 =	vadd.f32 v12, v18;
	v18 =	vld [tilespmem:s11+$0xA0];
	[tilespmem:$0x1FED0] =	vst v8  }
0xe9: {  	v47 =	vadd.f32 v25, v48;
	s5 =	smul.f32 $7.812500000e-03, s25;
	v34 =	vld [tilespmem:s11+$0x120]  }
0xea: {  	s26 =	smul.f32 s1, s1;
	(xrf2) =	vadd.scan.msk.f32 $0xffff, v16;
	v16 =	vmul.f32 v45, v45;
	v4 =	vadd.f32 v21, v4;
	v29 =	vld [tilespmem:s20+$0xFFFFFF20];
	[tilespmem:$0x1FEE0] =	vst v46  }
0xeb: {  	v58 =	vadd.f32 v49, v31;
	v30 =	vld [tilespmem:s20+$0xFFFFFFA0]  }
0xec: {  	s5 =	ssub.f32 s5, s26;
	v3 =	vadd.f32 v8, v3;
	v4 =	vadd.f32 v16, v4;
	v16 =	vmul.f32 v12, v12;
	v36 =	vld [tilespmem:s20+$0x20];
	[tilespmem:$0x1FEF0] =	vst v47  }
0xed: {  	v43 =	vadd.f32 v17, v22;
	v12 =	vadd.f32 v28, v0;
	v21, _, _ =	vpop (xrf2);
	v31 =	vld [tilespmem:s11+$0x30]  }
0xee: {  	s5 =	sadd.f32 $9.999999960e-13, s5;
	v32 =	vld [tilespmem:s11+$0xB0];
	(v2sf) =	vpush v21, $0xF;
	v3 =	vadd.f32 v46, v3;
	v21, _, _ =	vpop (xrf2)  }
0xef: {  	v37 =	vld [tilespmem:s11+$0x130];
	v4 =	vadd.f32 v16, v4;
	(v2sf) =	vpush v21, $0xF;
	v21 =	vmul.f32 v8, v8  }
0xf0: {  	v48 =	vld [tilespmem:s20+$0xFFFFFF30];
	v28 =	vadd.f32 v1, v20;
	s28 =	sshrl.u32 s5, $0x1;
	s5 =	smul.f32 $5.000000000e-01, s5;
	v16, _, _ =	vpop (xrf2);
	v3 =	vadd.f32 v47, v3  }
0xf1: {  	v49 =	vld [tilespmem:s20+$0xFFFFFFB0];
	s7 =	ssub.s32 $0x5F3759DF, s28;
	(v2sf) =	vpush v16, $0xF;
	v16, _, _ =	vpop (xrf2);
	v4 =	vadd.f32 v21, v4;
	v21 =	vmul.f32 v46, v46  }
0xf2: {  	v6 =	vld [tilespmem:s20+$0x30];
	s12 =	smul.f32 s7, s5;
	v3 =	vadd.f32 v58, v3;
	(v2sf) =	vpush v16, $0xF;
	v16, _, _ =	vpop (xrf2)  }
0xf3: {  	v38 =	vld [tilespmem:s11+$0xD0];
	(v2sf) =	vpush v16, $0xF;
	v16 =	vmul.f32 v47, v47;
	v4 =	vadd.f32 v21, v4  }
0xf4: {  	v41 =	vld [tilespmem:s20+$0xFFFFFFD0];
	v8 =	vadd.f32 v53, v7;
	v53 =	vadd.f32 v2, v19;
	s12 =	smul.f32 s7, s12  }
0xf5: {  	v23 =	vld [tilespmem:s11+$0x40];
	v2 =	vmul.f32 v58, v58;
	v30 =	vadd.f32 v18, v30;
	(xrf2) =	vadd.scan.msk.f32 $0xffff, v3;
	v4 =	vadd.f32 v16, v4  }
0xf6: {  	v20 =	vmul.f32 v12, v12;
	v18 =	vadd.f32 v34, v36;
	v34 =	vld [tilespmem:s20+$0x50];
	v21 =	vadd.f32 v35, v26;
	s12 =	ssub.f32 $1.500000000e+00, s12  }
0xf7: {  	v9 =	vadd.f32 v5, v29;
	v5 =	vmul.f32 v28, v28;
	v35 =	vld [tilespmem:s11+$0x150];
	v2 =	vadd.f32 v2, v4  }
0xf8: {  	v45 =	vld [tilespmem:s20+$0xFFFFFF40];
	v19 =	vmul.f32 v8, v8;
	v10 =	vadd.f32 v31, v48;
	v29 =	vmul.f32 v21, v21;
	s7 =	smul.f32 s7, s12  }
0xf9: {  	v36 =	vld [tilespmem:s20+$0xFFFFFF50];
	v33 =	vadd.f32 v38, v41;
	v47 =	vmul.f32 v53, v53;
	v3, _, _ =	vpop (xrf2);
	v4 =	vmul.f32 v43, v43;
	(xrf2) =	vadd.scan.msk.f32 $0xffff, v2  }
0xfa: {  	(v2sf) =	vpush v3, $0xF;
	v3 =	vld [tilespmem:s11+$0x50];
	v5 =	vadd.f32 v29, v5;
	v29 =	vmul.f32 v30, v30;
	s5 =	smul.f32 s7, s5  }
0xfb: {  	v27 =	vld [tilespmem:s11+$0xC0];
	v2 =	vadd.f32 v20, v19;
	v4 =	vadd.f32 v47, v4;
	v19 =	vmul.f32 v9, v9  }
0xfc: {  	v1 =	vld [tilespmem:s20+$0xFFFFFFC0];
	v41 =	vadd.f32 v53, v43;
	v26 =	vadd.f32 v35, v34;
	s5 =	smul.f32 s5, s7  }
0xfd: {  	v0 =	vld [tilespmem:s20+$0x40];
	v2 =	vadd.f32 v19, v2;
	v4 =	vadd.f32 v29, v4  }
0xfe: {  	v7 =	vld [tilespmem:s11+$0x140];
	v29 =	vadd.f32 v32, v49;
	v19 =	vadd.f32 v37, v6;
	s5 =	ssub.f32 $1.500000000e+00, s5;
	s30 =	spop (v2sf)  }
0xff: {  	v31 =	vmul.f32 v10, v10;
	v32 =	vadd.f32 v23, v45;
	v36 =	vadd.f32 v3, v36;
	v20, _, _ =	vpop (xrf2);
	s15 =	smul.f32 $7.812500000e-03, s30  }
0x100: {  	s23 =	smov.u32 s31;
	v37 =	vld [tilespmem:s11+$0x60];
	v23 =	vmul.f32 v29, v29;
	s17 =	smul.f32 s5, s7;
	(v2sf) =	vpush v20, $0xF;
	v20 =	vmul.f32 v18, v18;
	s31 =	spop (v2sf)  }
0x101: {  	v49 =	vld [tilespmem:s11+$0xE0];
	v2 =	vadd.f32 v31, v2;
	v31 =	vadd.f32 v27, v1;
	s12 =	smul.f32 $7.812500000e-03, s31  }
0x102: {  	v6 =	vld [tilespmem:s11+$0x160];
	v48 =	vmul.f32 v19, v19;
	s7 =	smul.f32 s15, s15;
	v1 =	vadd.f32 v23, v4;
	v5 =	vadd.f32 v20, v5  }
0x103: {  	s0 =	spop (v2sf);
	v23 =	vmul.f32 v31, v31;
	s5 =	smul.f32 s17, s1;
	v20 =	vadd.f32 v7, v0;
	v7 =	vld [tilespmem:s20+$0xFFFFFF60];
	v44 =	vmul.f32 s17, v44;
	v3, _, _ =	vpop (xrf2)  }
0x104: {  	s18 =	spop (v2sf);
	s1 =	smul.f32 $7.812500000e-03, s0;
	v4 =	vadd.f32 v48, v5;
	v5 =	vmul.f32 v32, v32;
	(v2sf) =	vpush v3, $0xF;
	v3 =	vld [tilespmem:s20+$0x60]  }
0x105: {  	v0 =	vld [tilespmem:s20+$0xFFFFFFE0];
	v42 =	vmul.f32 s17, v42;
	s18 =	smul.f32 $7.812500000e-03, s18;
	v27 =	vmul.f32 v20, v20;
	v38 =	vmov s5  }
0x106: {  	s13 =	smul.f32 s12, s12;
	v2 =	vadd.f32 v5, v2;
	v5 =	vadd.f32 v23, v1;
	v1 =	vmul.f32 v36, v36  }
0x107: {  	s8 =	spop (v2sf);
	s7 =	ssub.f32 s18, s7;
	v45 =	vsub.f32 v44, v38;
	v44 =	vmul.f32 v26, v26;
	v4 =	vadd.f32 v27, v4  }
0x108: {  	s18 =	smul.f32 $7.812500000e-03, s8;
	v37 =	vadd.f32 v37, v7;
	v7 =	vmul.f32 s17, v50;
	v34 =	vadd.f32 v1, v2  }
0x109: {  	s7 =	sadd.f32 $9.999999960e-13, s7;
	s25 =	spop (v2sf);
	v1 =	vmul.f32 s17, v56;
	v27 =	vadd.f32 v6, v3;
	v6 =	vmul.f32 s17, v55  }
0x10a: {  	v46 =	vld [tilespmem:s11+$0xF0];
	s13 =	ssub.f32 s18, s13;
	v35 =	vadd.f32 v49, v0;
	s14 =	smul.f32 $7.812500000e-03, s25;
	v2 =	vmul.f32 s17, v57;
	v3 =	vmul.f32 s17, v39  }
0x10b: {  	v57 =	vld [tilespmem:s20+$0xFFFFFFF0];
	s28 =	sshrl.u32 s7, $0x1;
	s7 =	smul.f32 $5.000000000e-01, s7;
	v48 =	vsub.f32 v1, v38;
	v1 =	vsub.f32 v6, v38;
	v6 =	vmul.f32 v33, v33  }
0x10c: {  	s26 =	smul.f32 s1, s1;
	v0 =	vmul.f32 s17, v52;
	s13 =	sadd.f32 $9.999999960e-13, s13;
	v47 =	vsub.f32 v7, v38;
	v7 =	vld [tilespmem:s11+$0x170];
	s25 =	ssub.s32 $0x5F3759DF, s28;
	v52 =	vsub.f32 v3, v38  }
0x10d: {  	s28 =	smul.f32 s25, s7;
	v3 =	vsub.f32 v42, v38;
	v42 =	vld [tilespmem:s20+$0x70];
	v5 =	vadd.f32 v6, v5;
	v6 =	vmul.f32 v35, v35  }
0x10e: {  	v4 =	vadd.f32 v44, v4;
	v50 =	vsub.f32 v0, v38;
	s31 =	smul.f32 $5.000000000e-01, s13;
	s13 =	sshrl.u32 s13, $0x1  }
0x10f: {  	v56 =	vmul.f32 v37, v37;
	s13 =	ssub.s32 $0x5F3759DF, s13;
	s0 =	smul.f32 s25, s28;
	v5 =	vadd.f32 v6, v5;
	v6 =	vadd.f32 v12, v8  }
0x110: {  	s30 =	ssub.f32 s14, s26;
	v49 =	vsub.f32 v2, v38;
	s8 =	smul.f32 s13, s31;
	v38 =	vadd.f32 v46, v57  }
0x111: {  	v44 =	vadd.f32 v56, v34;
	v56 =	vmul.f32 v27, v27;
	s14 =	ssub.f32 $1.500000000e+00, s0;
	v6 =	vadd.f32 v9, v6  }
0x112: {  	v39 =	vld [tilespmem:s11+$0x70];
	s11 =	smul.f32 s13, s8;
	v46 =	vmul.f32 v38, v38;
	v34 =	vadd.f32 v7, v42;
	v7 =	vadd.f32 v30, v41  }
0x113: {  	v4 =	vadd.f32 v56, v4;
	s25 =	smul.f32 s25, s14;
	v6 =	vadd.f32 v10, v6  }
0x114: {  	v55 =	vld [tilespmem:s20+$0xFFFFFF70];
	[tilespmem:$0x1FCF0] =	vst v10;
	s11 =	ssub.f32 $1.500000000e+00, s11;
	v10 =	vadd.f32 v46, v5;
	v5 =	vadd.f32 v29, v7;
	v7 =	vmul.f32 v34, v34  }
0x115: {  	s7 =	smul.f32 s25, s7;
	v6 =	vadd.f32 v32, v6  }
0x116: {  	[tilespmem:$0x1FC90] =	vst v12;
	s13 =	smul.f32 s13, s11;
	v12 =	vadd.f32 v7, v4;
	v4 =	vadd.f32 v31, v5  }
0x117: {  	s7 =	smul.f32 s7, s25;
	v6 =	vadd.f32 v36, v6  }
0x118: {  	s18 =	smul.f32 s13, s31;
	v4 =	vadd.f32 v33, v4  }
0x119: {  	v39 =	vadd.f32 v39, v55;
	s7 =	ssub.f32 $1.500000000e+00, s7;
	v6 =	vadd.f32 v37, v6  }
0x11a: {  	v0 =	vld [tilespmem:$0x1FD60];
	s18 =	smul.f32 s18, s13;
	v4 =	vadd.f32 v35, v4  }
0x11b: {  	v2 =	vld [tilespmem:$0x1FDB0];
	s7 =	smul.f32 s7, s25;
	v6 =	vadd.f32 v39, v6  }
0x11c: {  	s8 =	ssub.f32 $1.500000000e+00, s18;
	v4 =	vadd.f32 v38, v4  }
0x11d: {  	[tilespmem:$0x1FCB0] =	vst v43;
	v43 =	vmul.f32 v39, v39;
	s15 =	smul.f32 s7, s15;
	(xrf2) =	vadd.scan.msk.f32 $0xffff, v6  }
0x11e: {  	v57 =	vadd.f32 v21, v28;
	s13 =	smul.f32 s8, s13;
	(xrf2) =	vadd.scan.msk.f32 $0xffff, v4;
	v4 =	vmul.f32 s7, v40  }
0x11f: {  	[tilespmem:$0x1FCD0] =	vst v9;
	v9 =	vadd.f32 v43, v44;
	v7 =	vmul.f32 s7, v0;
	v0 =	vld [tilespmem:$0x1FD70];
	v43 =	vmov s15  }
0x120: {  	[tilespmem:$0x1FD30] =	vst v18;
	v55 =	vadd.f32 v18, v57;
	v18 =	vsub.f32 v4, v43;
	v4 =	vmul.f32 s13, v2;
	v2 =	vld [tilespmem:$0x1FDC0];
	_ =	sdelay $0x2  }
0x121: {  	s5 =	sadd.f32 $9.999999960e-13, s30  }
0x122: {  	v5 =	vadd.f32 v19, v55;
	v55 =	vmul.f32 s7, v0;
	v0 =	vld [tilespmem:$0x1FD80]  }
0x123: {  	s17 =	smul.f32 $5.000000000e-01, s5;
	s5 =	sshrl.u32 s5, $0x1;
	v40 =	vmul.f32 s13, v2;
	v2 =	vld [tilespmem:$0x1FDD0]  }
0x124: {  	s5 =	ssub.s32 $0x5F3759DF, s5  }
0x125: {  	s28 =	smul.f32 s5, s17  }
0x126: {  	v51 =	vmul.f32 s7, v51  }
0x127: {  	s26 =	smul.f32 s5, s28;
	v5 =	vadd.f32 v20, v5  }
0x128: {  	v41 =	vmul.f32 s7, v0;
	v0 =	vsub.f32 v51, v43;
	v51 =	vmul.f32 s13, v2;
	v2 =	vld [tilespmem:$0x1FDE0]  }
0x129: {  	s26 =	ssub.f32 $1.500000000e+00, s26  }
0x12a: {  	v5 =	vadd.f32 v26, v5  }
0x12b: {  	s5 =	smul.f32 s5, s26  }
0x12c: {  	[tilespmem:$0x1FCA0] =	vst v8;
	v8 =	vld [tilespmem:$0x1FF30];
	v42 =	vmul.f32 s7, v61;
	v54 =	vmul.f32 s7, v54;
	v5 =	vadd.f32 v27, v5  }
0x12d: {  	s17 =	smul.f32 s5, s17;
	v46 =	vsub.f32 v7, v43;
	v6 =	vmul.f32 s7, v62;
	v44 =	vmul.f32 s13, v2;
	v2 =	vld [tilespmem:$0x1FE00]  }
0x12e: {  	[tilespmem:$0x1FCC0] =	vst v53;
	s12 =	smul.f32 s13, s12;
	v53 =	vsub.f32 v42, v43;
	v7 =	vsub.f32 v54, v43  }
0x12f: {  	v59 =	vmul.f32 s13, v59;
	v5 =	vadd.f32 v34, v5;
	v6 =	vsub.f32 v6, v43  }
0x130: {  	s28 =	smul.f32 s17, s5;
	v55 =	vsub.f32 v55, v43;
	v56 =	vsub.f32 v41, v43;
	v43 =	vmov s12  }
0x131: {  	v42 =	vmul.f32 s13, v63;
	v62 =	vsub.f32 v44, v43;
	v44, _, _ =	vpop (xrf2);
	(xrf2) =	vadd.scan.msk.f32 $0xffff, v5;
	v5 =	vmul.f32 v1, v8;
	v1 =	vld [tilespmem:$0x1FE10]  }
0x132: {  	[tilespmem:$0x1FD90] =	vst v20;
	v20 =	vsub.f32 v4, v43;
	v4 =	vmul.f32 s13, v60;
	v41 =	vmul.f32 s13, v2;
	s13 =	ssub.f32 $1.500000000e+00, s28;
	_ =	sdelay $0x1  }
0x133: {  	s5 =	smul.f32 s13, s5;
	_ =	sdelay $0x1  }
0x134: {  	v60 =	vmul.f32 s5, v1;
	v1 =	vld [tilespmem:$0x1FE20];
	_ =	sdelay $0x4  }
0x135: {  	v2 =	vmul.f32 s5, v1;
	v1 =	vld [tilespmem:$0x1FE30];
	_ =	sdelay $0x4  }
0x136: {  	v57 =	vsub.f32 v41, v43;
	v41 =	vmul.f32 s5, v1;
	v1 =	vld [tilespmem:$0x1FE40];
	_ =	sdelay $0x3  }
0x137: {  	s30 =	spop (v2sf)  }
0x138: {  	s31 =	spop (v2sf);
	(v2sf) =	vpush v44, $0xF;
	v44 =	vmul.f32 s5, v1;
	v1 =	vld [tilespmem:$0x1FE50];
	_ =	sdelay $0x4  }
0x139: {  	[tilespmem:$0x1FD40] =	vst v31;
	v31 =	vmul.f32 s5, v1;
	v1 =	vld [tilespmem:$0x1FE60];
	_ =	sdelay $0x1  }
0x13a: {  	v24 =	vld [tilespmem:$0x1FF20];
	s11 =	smul.f32 $7.812500000e-03, s30  }
0x13b: {  	v23 =	vld [tilespmem:$0x1FF10];
	v61 =	vsub.f32 v42, v43  }
0x13c: {  	[tilespmem:$0x1FD00] =	vst v21;
	s0 =	smul.f32 s11, s11;
	v21 =	vsub.f32 v40, v43;
	v40 =	vsub.f32 v4, v43  }
0x13d: {  	[tilespmem:$0x1FD50] =	vst v19;
	s25 =	smul.f32 $7.812500000e-03, s31;
	v19 =	vsub.f32 v51, v43;
	v51 =	vsub.f32 v59, v43;
	v43 =	vmul.f32 s5, v1;
	v1 =	vld [tilespmem:$0x1FFA0];
	_ =	sdelay $0x1  }
0x13e: {  	v22 =	vld [tilespmem:$0x1FF00];
	s25 =	ssub.f32 s25, s0  }
0x13f: {  	v25 =	vld [tilespmem:$0x1FF80];
	v4 =	vmul.f32 v48, v23;
	v48 =	vmul.f32 v49, v24  }
0x140: {  	v17 =	vld [tilespmem:$0x1FFD0];
	s14 =	sadd.f32 $9.999999960e-13, s25  }
0x141: {  	[tilespmem:$0x1FCE0] =	vst v30;
	v48 =	vadd.f32 v48, v1;
	v1 =	vld [tilespmem:$0x1FE70]  }
0x142: {  	v16 =	vld [tilespmem:$0x1FFC0];
	[tilespmem:$0x1FD10] =	vst v28;
	v52 =	vmul.f32 v52, v11;
	s15 =	sshrl.u32 s14, $0x1;
	s25 =	smul.f32 $5.000000000e-01, s14  }
0x143: {  	v50 =	vmul.f32 v50, v22;
	[tilespmem:$0x1FD20] =	vst v29;
	v28 =	vld [tilespmem:$0x1FF60];
	s7 =	ssub.s32 $0x5F3759DF, s15  }
0x144: {  	[tilespmem:$0x1FDF0] =	vst v27;
	v27 =	vld [tilespmem:$0x1FF50];
	s18 =	smul.f32 s7, s25;
	v59 =	vadd.f32 v52, v13  }
0x145: {  	[tilespmem:$0x1FDA0] =	vst v26;
	v50 =	vadd.f32 v50, v25;
	v26 =	vld [tilespmem:$0x1FF40];
	s15 =	simm.s32 $0x8200  }
0x146: {  	s26 =	smul.f32 s7, s18;
	v4 =	vadd.f32 v4, v14;
	v30 =	vmul.f32 s5, v1;
	v1 =	vld [tilespmem:$0x1FE80];
	[tilespmem:s15+$0xF0] =	vst v59  }
0x147: {  	[tilespmem:s15+$0x80] =	vst v50  }
0x148: {  	s12 =	ssub.f32 $1.500000000e+00, s26;
	[tilespmem:s15+$0x90] =	vst v4  }
0x149: {  	v50 =	vmul.f32 v0, v27;
	v0 =	vld [tilespmem:$0x1FFE0]  }
0x14a: {  	s7 =	smul.f32 s7, s12;
	_ =	sdelay $0x1  }
0x14b: {  	v3 =	vmul.f32 v3, v28;
	v47 =	vmul.f32 v47, v26;
	s12 =	smul.f32 s7, s25;
	v54, _, _ =	vpop (xrf2)  }
0x14c: {  	(v2sf) =	vpush v54, $0xF  }
0x14d: {  	s12 =	smul.f32 s12, s7;
	v54 =	vmul.f32 v46, v22;
	v46 =	vadd.f32 v47, v16;
	v47 =	vadd.f32 v3, v0;
	v0 =	vld [tilespmem:$0x1FE90];
	[tilespmem:s15+$0xA0] =	vst v48  }
0x14e: {  	v29 =	vmul.f32 s5, v1;
	v1 =	vld [tilespmem:$0x1FEA0]  }
0x14f: {  	s12 =	ssub.f32 $1.500000000e+00, s12  }
0x150: {  	v5 =	vadd.f32 v5, v15  }
0x151: {  	s7 =	smul.f32 s12, s7  }
0x152: {  	[tilespmem:s15+$0xB0] =	vst v5  }
0x153: {  	v42 =	vmul.f32 s7, v1;
	v1 =	vld [tilespmem:$0x1FEB0];
	_ =	sdelay $0x3  }
0x154: {  	[tilespmem:s15+$0xC0] =	vst v46  }
0x155: {  	v45 =	vmul.f32 v45, v27;
	v4 =	vmul.f32 s7, v1;
	v1 =	vld [tilespmem:$0x1FEC0];
	_ =	sdelay $0x1  }
0x156: {  	v45 =	vadd.f32 v45, v17;
	_ =	sdelay $0x1  }
0x157: {  	[tilespmem:s15+$0xD0] =	vst v45  }
0x158: {  	v52 =	vmul.f32 v7, v26;
	v7 =	vmul.f32 s7, v1;
	v1 =	vld [tilespmem:$0x1FED0];
	_ =	sdelay $0x1  }
0x159: {  	s30 =	smul.f32 s7, s11  }
0x15a: {  	v49 =	vmul.f32 v6, v28;
	v6 =	vmul.f32 s7, v58;
	v3, _, _ =	vpop (xrf2)  }
0x15b: {  	(v2sf) =	vpush v3, $0xF;
	v3 =	vmov s30  }
0x15c: {  	v5 =	vsub.f32 v6, v3;
	v6 =	vmul.f32 s7, v1;
	v1 =	vld [tilespmem:$0x1FEE0];
	_ =	sdelay $0x2  }
0x15d: {  	s1 =	smul.f32 s5, s1  }
0x15e: {  	v53 =	vmul.f32 v53, v8;
	(xrf2) =	vadd.scan.msk.f32 $0xffff, v9;
	[tilespmem:s15+$0xE0] =	vst v47  }
0x15f: {  	v8 =	vmul.f32 s7, v0;
	v0 =	vmov s1;
	v58 =	vmul.f32 s7, v1;
	v1 =	vld [tilespmem:$0x1FEF0]  }
0x160: {  	v63 =	vmul.f32 v55, v23;
	(xrf2) =	vadd.scan.msk.f32 $0xffff, v10;
	v55 =	vsub.f32 v60, v0  }
0x161: {  	v59 =	vmul.f32 v56, v24;
	v2 =	vsub.f32 v2, v0;
	v56 =	vsub.f32 v44, v0  }
0x162: {  	v60 =	vmul.f32 v5, v11;
	v48 =	vsub.f32 v43, v0;
	v46 =	vsub.f32 v30, v0  }
0x163: {  	(xrf2) =	vadd.scan.msk.f32 $0xffff, v12;
	v44 =	vmul.f32 v20, v22;
	v43 =	vmul.f32 v21, v23;
	v45 =	vsub.f32 v41, v0  }
0x164: {  	v47 =	vsub.f32 v31, v0;
	v5 =	vmul.f32 s7, v1;
	v1 =	vadd.f32 v60, v13  }
0x165: {  	s31 =	sadd.s32 s19, s9;
	s12 =	simm.s32 $0x8400;
	v41 =	vmul.f32 v18, v11;
	v60 =	vsub.f32 v29, v0;
	v0 =	vsub.f32 v42, v3  }
0x166: {  	s21 =	sadd.s32 $0x4, s21;
	s18 =	sadd.s32 $0x80, s31;
	s11 =	simm.s32 $0x4;
	v42 =	vmul.f32 v19, v24;
	v29 =	vmov v11;
	[tilespmem:s12+$0xF0] =	vst v1;
	v1 =	vsub.f32 v8, v3  }
.LBB2_5:
0x167: {  	v31 =	vld [tilespmem:$0x1FF30]  }
0x168: {  	v10 =	vsub.f32 v58, v3;
	v18 =	vld [tilespmem:$0x1FFA0];
	v4 =	vsub.f32 v4, v3;
	v8, _, _ =	vpop (xrf2)  }
0x169: {  	s1 =	smulhi.u32 $0x51EB851F, s21;
	v58 =	vmul.f32 v47, v26;
	v19 =	vld [tilespmem:$0x1FFE0];
	v7 =	vsub.f32 v7, v3;
	(v2sf) =	vpush v8, $0xF  }
0x16a: {  	v30 =	vld [tilespmem:$0x1FFF0];
	v6 =	vsub.f32 v6, v3;
	v5 =	vsub.f32 v5, v3;
	v11 =	vmul.f32 v61, v27;
	v3, _, _ =	vpop (xrf2)  }
0x16b: {  	v20 =	vld [tilespmem:$0x1FD10];
	v12 =	vmul.f32 v51, v28;
	v13 =	vmul.f32 v40, v29;
	s1 =	sshrl.u32 s1, $0x6;
	(v2sf) =	vpush v3, $0xF  }
0x16c: {  	s20 =	sadd.s32 $0x200, s20;
	v21 =	vld [tilespmem:$0x1FD00];
	s1 =	smul.u32 $0xFFFE7000, s1;
	v40 =	vadd.f32 v63, v14;
	v63 =	vmul.f32 v45, v24;
	v9 =	vmul.f32 v62, v31  }
0x16d: {  	v54 =	vadd.f32 v54, v25;
	v45 =	vld [tilespmem:s20+$0x90];
	v62 =	vmul.f32 v2, v23;
	v61 =	vmul.f32 v56, v31;
	v51, _, _ =	vpop (xrf2)  }
0x16e: {  	s22 =	sadd.s32 $0x200, s22;
	s1 =	sshra.s32 s1, $0x2;
	v2 =	vld [tilespmem:s20+$0x80];
	v56 =	vmul.f32 v60, v29;
	v60 =	vmul.f32 v1, v22;
	s26 =	spop (v2sf);
	(v2sf) =	vpush v51, $0xF  }
0x16f: {  	v1 =	vld [tilespmem:s20+$0xA0];
	v8 =	vmul.f32 v57, v26;
	[tilespmem:s15+$0xFFFFFF00] =	vst v54;
	s31 =	sadd.s32 s1, s22;
	v54 =	vadd.f32 v59, v18;
	v59 =	vmul.f32 v48, v27  }
0x170: {  	[tilespmem:s15+$0xFFFFFF10] =	vst v40;
	v57 =	vmul.f32 v46, v28;
	v48 =	vmul.f32 v5, v28;
	v5 =	vadd.f32 v41, v30;
	v47 =	vld [tilespmem:s31+$0x180]  }
0x171: {  	v3 =	vmul.f32 v55, v22;
	v46 =	vld [tilespmem:s31+$0x190];
	v55 =	vmul.f32 v0, v23;
	v0 =	vadd.f32 v53, v15;
	[tilespmem:s15+$0xFFFFFF20] =	vst v54  }
0x172: {  	v53 =	vmul.f32 v7, v31;
	v7 =	vld [tilespmem:s31+$0x1A0];
	v54 =	vmul.f32 v4, v24;
	v4 =	vadd.f32 v52, v16;
	[tilespmem:s15+$0xFFFFFF70] =	vst v5  }
0x173: {  	v52 =	vmul.f32 v6, v26;
	v6 =	vld [tilespmem:s20+$0xB0];
	v5 =	vadd.f32 v42, v18;
	[tilespmem:s15+$0xFFFFFF30] =	vst v0  }
0x174: {  	v43 =	vadd.f32 v43, v14;
	[tilespmem:s15+$0xFFFFFF40] =	vst v4;
	v4 =	vadd.f32 v49, v19;
	v49 =	vld [tilespmem:s31+$0x1B0]  }
0x175: {  	v0 =	vadd.f32 v50, v17;
	[tilespmem:s15+$0xFFFFFFA0] =	vst v5;
	s17 =	smul.f32 $7.812500000e-03, s26;
	s28 =	spop (v2sf);
	v40 =	vadd.f32 v47, v2;
	v2 =	vld [tilespmem:s20+$0xC0]  }
0x176: {  	v9 =	vadd.f32 v9, v15;
	v41 =	vadd.f32 v46, v45;
	[tilespmem:s15+$0xFFFFFF60] =	vst v4;
	v4 =	vld [tilespmem:s31+$0x1C0];
	s1 =	smul.f32 $7.812500000e-03, s28  }
0x177: {  	v5 =	vld [tilespmem:s31+$0x1E0];
	[tilespmem:s15+$0xFFFFFF50] =	vst v0;
	v0 =	vadd.f32 v44, v25;
	v42 =	vadd.f32 v7, v1;
	s5 =	smul.f32 s17, s17;
	s13 =	spop (v2sf)  }
0x178: {  	[tilespmem:s15+$0xFFFFFF90] =	vst v43;
	v1 =	vld [tilespmem:s20+$0xD0];
	v7 =	vadd.f32 v41, v40;
	v50 =	vmul.f32 v40, v40;
	v45 =	vmul.f32 v41, v41;
	s7 =	smul.f32 s1, s1;
	s26 =	spop (v2sf)  }
0x179: {  	v8 =	vadd.f32 v8, v16;
	[tilespmem:s15+$0xFFFFFF80] =	vst v0;
	v0 =	vld [tilespmem:s31+$0x1D0];
	v43 =	vadd.f32 v49, v6;
	s26 =	smul.f32 $7.812500000e-03, s26  }
0x17a: {  	v51 =	vmul.f32 v10, v27;
	s25 =	smul.f32 $7.812500000e-03, s13;
	v6 =	vld [tilespmem:s20+$0xE0];
	v7 =	vadd.f32 v42, v7;
	v10 =	vadd.f32 v45, v50;
	s30 =	spop (v2sf)  }
0x17b: {  	v49 =	vmul.f32 v42, v42;
	v50 =	vadd.f32 v11, v17;
	v44 =	vadd.f32 v4, v2;
	v2 =	vld [tilespmem:s20+$0xF0];
	s5 =	ssub.f32 s26, s5;
	s26 =	smul.f32 $7.812500000e-03, s30  }
0x17c: {  	v3 =	vadd.f32 v3, v25;
	[tilespmem:s15+$0xFFFFFFC0] =	vst v8;
	s13 =	smul.f32 s25, s25;
	v4 =	vadd.f32 v43, v7;
	v7 =	vld [tilespmem:s31+$0x1F0]  }
0x17d: {  	v11 =	vld [tilespmem:s31+$0x0];
	v8 =	vadd.f32 v49, v10;
	v49 =	vmul.f32 v43, v43;
	[tilespmem:s15+$0xFFFFFFD0] =	vst v50;
	v50 =	vadd.f32 v12, v19;
	s7 =	ssub.f32 s26, s7;
	s0 =	spop (v2sf)  }
0x17e: {  	[tilespmem:s15+$0xFFFFFFB0] =	vst v9;
	v45 =	vadd.f32 v0, v1;
	v1 =	vld [tilespmem:s31+$0x10];
	v0 =	vadd.f32 v44, v4;
	s5 =	sadd.f32 $9.999999960e-13, s5;
	s30 =	smul.f32 $7.812500000e-03, s0  }
0x17f: {  	v12 =	vld [tilespmem:s20+$0xFFFFFF10];
	v4 =	vadd.f32 v49, v8;
	v8 =	vmul.f32 v44, v44;
	[tilespmem:s15+$0xFFFFFFE0] =	vst v50;
	v49 =	vadd.f32 v13, v30;
	s7 =	sadd.f32 $9.999999960e-13, s7  }
0x180: {  	v46 =	vadd.f32 v5, v6;
	v10 =	vld [tilespmem:s31+$0x80];
	v0 =	vadd.f32 v45, v0;
	s28 =	sshrl.u32 s5, $0x1;
	s13 =	ssub.f32 s30, s13  }
0x181: {  	v6 =	vmul.f32 v45, v45;
	v4 =	vadd.f32 v8, v4;
	v8 =	vld [tilespmem:s31+$0x100];
	v47 =	vadd.f32 v7, v2;
	s26 =	smul.f32 $5.000000000e-01, s5;
	s5 =	ssub.s32 $0x5F3759DF, s28  }
0x182: {  	v2 =	vld [tilespmem:s31+$0x110];
	[tilespmem:s15+$0x0] =	vst v3;
	v3 =	vadd.f32 v62, v14;
	v0 =	vadd.f32 v46, v0;
	s28 =	smul.f32 $5.000000000e-01, s7;
	s13 =	sadd.f32 $9.999999960e-13, s13  }
0x183: {  	v50 =	vadd.f32 v63, v18;
	v5 =	vld [tilespmem:s31+$0x90];
	[tilespmem:s15+$0xFFFFFFF0] =	vst v49;
	v4 =	vadd.f32 v6, v4;
	v6 =	vmul.f32 v46, v46;
	s8 =	sshrl.u32 s7, $0x1;
	s14 =	smul.f32 s5, s26  }
0x184: {  	v7 =	vld [tilespmem:s20+$0xFFFFFF00];
	[tilespmem:s15+$0x10] =	vst v3;
	v3 =	vadd.f32 v61, v15;
	v0 =	vadd.f32 v47, v0;
	s7 =	ssub.s32 $0x5F3759DF, s8;
	s8 =	sshrl.u32 s13, $0x1;
	s30 =	smul.f32 $5.000000000e-01, s13  }
0x185: {  	v13 =	vld [tilespmem:s20+$0xFFFFFF80];
	[tilespmem:s15+$0x20] =	vst v50;
	v4 =	vadd.f32 v6, v4;
	v6 =	vmul.f32 v47, v47;
	s13 =	smul.f32 s5, s14;
	s8 =	ssub.s32 $0x5F3759DF, s8  }
0x186: {  	[tilespmem:s15+$0x30] =	vst v3;
	(xrf2) =	vadd.scan.msk.f32 $0xffff, v0;
	v0 =	vadd.f32 v58, v16;
	v58 =	vadd.f32 v59, v17;
	v59 =	vld [tilespmem:s20+$0xFFFFFF90];
	s14 =	smul.f32 s8, s30  }
0x187: {  	v4 =	vadd.f32 v6, v4;
	v6 =	vld [tilespmem:s20+$0x0];
	s0 =	smul.f32 s7, s28  }
0x188: {  	v9 =	vadd.f32 v1, v12;
	v12 =	vld [tilespmem:s31+$0x20];
	[tilespmem:s15+$0x40] =	vst v0;
	s14 =	smul.f32 s8, s14  }
0x189: {  	v3 =	vadd.f32 v57, v19;
	v63 =	vld [tilespmem:s20+$0x10];
	s13 =	ssub.f32 $1.500000000e+00, s13  }
0x18a: {  	v57 =	vld [tilespmem:s31+$0x40];
	v0 =	vadd.f32 v56, v30;
	[tilespmem:s15+$0x50] =	vst v58;
	s0 =	smul.f32 s7, s0;
	s14 =	ssub.f32 $1.500000000e+00, s14  }
0x18b: {  	v62 =	vadd.f32 v60, v25;
	v1 =	vadd.f32 v10, v13;
	v10 =	vld [tilespmem:s31+$0xA0];
	[tilespmem:s15+$0x60] =	vst v3;
	s5 =	smul.f32 s5, s13  }
0x18c: {  	[tilespmem:s15+$0x70] =	vst v0;
	v3 =	vadd.f32 v5, v59;
	v49 =	vadd.f32 v8, v6;
	v6 =	vld [tilespmem:s20+$0xFFFFFFA0];
	s0 =	ssub.f32 $1.500000000e+00, s0;
	s13 =	smul.f32 s8, s14  }
0x18d: {  	v13 =	vadd.f32 v53, v15;
	(xrf2) =	vadd.scan.msk.f32 $0xffff, v4;
	v4 =	vadd.f32 v55, v14;
	v5 =	vld [tilespmem:s31+$0x120];
	s8 =	smul.f32 s5, s26  }
0x18e: {  	[tilespmem:s12+$0x80] =	vst v62;
	v14 =	vmul.f32 v1, v1;
	v62 =	vmul.f32 v3, v3;
	v50 =	vadd.f32 v2, v63;
	v2 =	vld [tilespmem:s20+$0x20];
	s7 =	smul.f32 s7, s0  }
0x18f: {  	v56 =	vld [tilespmem:s20+$0xFFFFFF20];
	[tilespmem:s12+$0xB0] =	vst v13;
	v13 =	vadd.f32 v51, v17;
	s0 =	smul.f32 s8, s5  }
0x190: {  	[tilespmem:s12+$0x90] =	vst v4;
	v4 =	vadd.f32 v52, v16;
	v52 =	vadd.f32 v62, v14;
	v14 =	vld [tilespmem:$0x1FCA0]  }
0x191: {  	v51 =	vld [tilespmem:s31+$0x30];
	v8 =	vadd.f32 v3, v1;
	v6 =	vadd.f32 v10, v6;
	s0 =	ssub.f32 $1.500000000e+00, s0  }
0x192: {  	v7 =	vadd.f32 v11, v7;
	v55 =	vld [tilespmem:s20+$0xFFFFFFB0]  }
0x193: {  	v58 =	vld [tilespmem:s31+$0xC0];
	v2 =	vadd.f32 v5, v2;
	v5 =	vadd.f32 v6, v8;
	v8 =	vmul.f32 v6, v6;
	s0 =	smul.f32 s0, s5  }
0x194: {  	[tilespmem:s12+$0xC0] =	vst v4;
	v4 =	vld [tilespmem:s31+$0xB0]  }
0x195: {  	v62 =	vld [tilespmem:s20+$0xFFFFFF30];
	v8 =	vadd.f32 v8, v52;
	v52 =	vmul.f32 s0, v14;
	v14 =	vmov v7  }
0x196: {  	v61 =	vmul.f32 v9, v9;
	[tilespmem:$0x1FCA0] =	vst v14;
	v14 =	vld [tilespmem:$0x1FC90]  }
0x197: {  	v60 =	vmul.f32 v7, v7;
	[tilespmem:s12+$0xD0] =	vst v13;
	v13 =	vadd.f32 v48, v19;
	v12 =	vadd.f32 v12, v56;
	v56 =	vld [tilespmem:s31+$0x130]  }
0x198: {  	v15 =	vmov v1;
	v0 =	vadd.f32 v9, v7;
	v1 =	vld [tilespmem:$0x1FCC0]  }
0x199: {  	v54 =	vadd.f32 v54, v18;
	v11 =	vadd.f32 v61, v60;
	[tilespmem:s12+$0xE0] =	vst v13;
	v63 =	vmul.f32 v49, v49;
	v10 =	vld [tilespmem:s20+$0x30]  }
0x19a: {  	v13 =	vmul.f32 v12, v12;
	v0 =	vadd.f32 v12, v0;
	v4 =	vadd.f32 v4, v55;
	v55 =	vmovc v12;
	v12 =	vld [tilespmem:s20+$0xFFFFFFC0]  }
0x19b: {  	v60 =	vmul.f32 v50, v50;
	v61, _, _ =	vpop (xrf2);
	v59 =	vadd.f32 v51, v62;
	v51 =	vmul.f32 s0, v14;
	v14 =	vld [tilespmem:$0x1FCD0]  }
0x19c: {  	[tilespmem:s12+$0xA0] =	vst v54;
	v54 =	vadd.f32 v50, v49;
	(v2sf) =	vpush v61, $0xF;
	v61 =	vld [tilespmem:s20+$0x40];
	s14 =	smul.f32 s7, s28  }
0x19d: {  	v11 =	vadd.f32 v13, v11;
	v48 =	vadd.f32 v60, v63;
	v63, _, _ =	vpop (xrf2);
	v60 =	vld [tilespmem:s31+$0x140]  }
0x19e: {  	(v2sf) =	vpush v63, $0xF;
	v63 =	vld [tilespmem:s20+$0x50];
	s8 =	smul.f32 s14, s7;
	v13 =	vadd.f32 v2, v54;
	v54 =	vmul.f32 v2, v2  }
0x19f: {  	v62 =	vld [tilespmem:s31+$0xD0];
	v5 =	vadd.f32 v4, v5  }
0x1a0: {  	v22 =	vmovc v2;
	v2 =	vld [tilespmem:s20+$0xFFFFFF70];
	v12 =	vadd.f32 v58, v12;
	s8 =	ssub.f32 $1.500000000e+00, s8;
	v54 =	vadd.f32 v54, v48;
	v48 =	vmul.f32 s0, v14;
	v14 =	vmovc v9  }
0x1a1: {  	s26 =	smul.f32 s13, s30;
	[tilespmem:$0x1FC90] =	vst v14;
	v14 =	vld [tilespmem:$0x1FCF0]  }
0x1a2: {  	v61 =	vadd.f32 v60, v61;
	v5 =	vadd.f32 v12, v5;
	v60 =	vmul.f32 v12, v12;
	v17 =	vmovc v12;
	v12 =	vld [tilespmem:s20+$0xFFFFFF60];
	s30 =	smul.f32 s8, s7  }
0x1a3: {  	v7 =	vld [tilespmem:s20+$0xFFFFFF40];
	[tilespmem:$0x1FCD0] =	vst v55;
	v55 =	vmul.f32 v4, v4  }
0x1a4: {  	v19 =	vmul.f32 s30, v38;
	v38 =	vld [tilespmem:s31+$0x70]  }
0x1a5: {  	v8 =	vadd.f32 v55, v8;
	v55 =	vmul.f32 s0, v36;
	v36 =	vld [tilespmem:s20+$0xFFFFFF50]  }
0x1a6: {  	v9 =	vadd.f32 v59, v0;
	v0 =	vmul.f32 v59, v59;
	v53 =	vmul.f32 s0, v14;
	v14 =	vmovc v59;
	v59 =	vld [tilespmem:s31+$0x50]  }
0x1a7: {  	v10 =	vadd.f32 v56, v10;
	[tilespmem:$0x1FCF0] =	vst v14;
	v14 =	vld [tilespmem:$0x1FCB0]  }
0x1a8: {  	v56 =	vmul.f32 s0, v32;
	v32 =	vadd.f32 v57, v7;
	v7 =	vld [tilespmem:s31+$0x150]  }
0x1a9: {  	v57 =	vmul.f32 s0, v39;
	v39 =	vld [tilespmem:s20+$0xFFFFFFD0];
	v11 =	vadd.f32 v0, v11;
	v0 =	vmul.f32 v10, v10  }
0x1aa: {  	v16 =	vmov v6;
	v6 =	vmov v4;
	v4 =	vld [tilespmem:s31+$0x160]  }
0x1ab: {  	s14 =	smul.f32 s26, s13;
	v54 =	vadd.f32 v0, v54;
	v0 =	vmul.f32 s0, v37;
	v37 =	vmul.f32 v32, v32;
	[tilespmem:$0x1FCB0] =	vst v15;
	v15 =	vld [tilespmem:s31+$0xE0]  }
0x1ac: {  	v36 =	vadd.f32 v59, v36;
	v58 =	vmul.f32 s30, v14;
	v14 =	vmov v3;
	v3 =	vld [tilespmem:$0x1FCE0]  }
0x1ad: {  	s28 =	ssub.f32 $1.500000000e+00, s14;
	v11 =	vadd.f32 v37, v11;
	[tilespmem:$0x1FCE0] =	vst v16;
	v16 =	vld [tilespmem:$0x1FD40]  }
0x1ae: {  	[tilespmem:$0x1FD40] =	vst v17;
	v17 =	vmul.f32 s30, v33;
	v33 =	vadd.f32 v62, v39;
	v39 =	vld [tilespmem:s20+$0xFFFFFFE0];
	v59 =	vmul.f32 v36, v36  }
0x1af: {  	s26 =	smul.f32 s28, s13;
	s7 =	spop (v2sf);
	[tilespmem:$0x1FCC0] =	vst v14;
	v14 =	vld [tilespmem:s31+$0x60]  }
0x1b0: {  	v24 =	vmov v49;
	s8 =	smul.f32 $7.812500000e-03, s7;
	v37 =	vmul.f32 v61, v61;
	v11 =	vadd.f32 v59, v11;
	v59 =	vld [tilespmem:s31+$0xF0]  }
0x1b1: {  	s17 =	smul.f32 s0, s17;
	v8 =	vadd.f32 v60, v8;
	v60 =	vmul.f32 s30, v3;
	v3 =	vld [tilespmem:$0x1FD20]  }
0x1b2: {  	v13 =	vadd.f32 v10, v13;
	s13 =	spop (v2sf);
	s14 =	smul.f32 s8, s8;
	[tilespmem:$0x1FD20] =	vst v6;
	v6 =	vadd.f32 v37, v54;
	v54 =	vld [tilespmem:s20+$0x60]  }
0x1b3: {  	[tilespmem:$0x1FD10] =	vst v24;
	v24 =	vmovc v50;
	v23 =	vmov v10;
	v18 =	vmul.f32 s30, v35;
	s0 =	smul.f32 $7.812500000e-03, s13;
	v35 =	vadd.f32 v15, v39;
	v15 =	vld [tilespmem:$0x1FD50]  }
0x1b4: {  	v13 =	vadd.f32 v61, v13;
	v7 =	vadd.f32 v7, v63;
	v62 =	vmul.f32 v33, v33;
	[tilespmem:$0x1FD50] =	vst v23;
	v23 =	vld [tilespmem:$0x1FDA0]  }
0x1b5: {  	v1 =	vmul.f32 s30, v1;
	v9 =	vadd.f32 v32, v9;
	s0 =	ssub.f32 s0, s14;
	v37 =	vadd.f32 v14, v12;
	v12 =	vld [tilespmem:s31+$0x170]  }
0x1b6: {  	[tilespmem:$0x1FD00] =	vst v24;
	v20 =	vmul.f32 s26, v20;
	v13 =	vadd.f32 v7, v13;
	v63 =	vmul.f32 v7, v7;
	v14 =	vld [tilespmem:$0x1FD30]  }
0x1b7: {  	v21 =	vmul.f32 s26, v21;
	v24 =	vmovc v7;
	s0 =	sadd.f32 $9.999999960e-13, s0;
	v9 =	vadd.f32 v36, v9;
	v5 =	vadd.f32 v33, v5;
	[tilespmem:$0x1FD30] =	vst v22;
	v22 =	vld [tilespmem:$0x1FD90]  }
0x1b8: {  	s1 =	smul.f32 s30, s1;
	v8 =	vadd.f32 v62, v8;
	v16 =	vmul.f32 s30, v16;
	[tilespmem:$0x1FDA0] =	vst v24;
	v24 =	vmul.f32 s26, v34;
	v62 =	vmovc v61;
	v61 =	vld [tilespmem:s20+$0xFFFFFFF0]  }
0x1b9: {  	v6 =	vadd.f32 v63, v6;
	[tilespmem:$0x1FD90] =	vst v62;
	v39 =	vmul.f32 v35, v35;
	v62 =	vld [tilespmem:s20+$0x70];
	v3 =	vmul.f32 s30, v3;
	s30 =	sshrl.u32 s0, $0x1;
	s0 =	smul.f32 $5.000000000e-01, s0  }
0x1ba: {  	s25 =	smul.f32 s26, s25;
	v5 =	vadd.f32 v35, v5;
	v9 =	vadd.f32 v37, v9;
	v63 =	vmul.f32 v37, v37;
	s5 =	ssub.s32 $0x5F3759DF, s30  }
0x1bb: {  	v8 =	vadd.f32 v39, v8;
	v39 =	vadd.f32 v38, v2;
	v15 =	vmul.f32 s26, v15;
	s31 =	smul.f32 s5, s0  }
0x1bc: {  	v4 =	vadd.f32 v4, v54;
	v23 =	vmul.f32 s26, v23;
	v7 =	vadd.f32 v63, v11  }
0x1bd: {  	v11 =	vmov s25;
	v38 =	vadd.f32 v59, v61;
	v9 =	vadd.f32 v39, v9;
	s7 =	smul.f32 s5, s31  }
0x1be: {  	v61 =	vmul.f32 v39, v39;
	v63 =	vadd.f32 v4, v13;
	v34 =	vadd.f32 v12, v62  }
0x1bf: {  	v54 =	vmul.f32 v4, v4;
	v25 =	vmovc v4;
	v4 =	vmov s17;
	v5 =	vadd.f32 v38, v5;
	s7 =	ssub.f32 $1.500000000e+00, s7  }
0x1c0: {  	v14 =	vmul.f32 s26, v14;
	v62 =	vsub.f32 v52, v4;
	(xrf2) =	vadd.scan.msk.f32 $0xffff, v9;
	v10 =	vadd.f32 v34, v63  }
0x1c1: {  	v12 =	vmul.f32 v38, v38;
	v7 =	vadd.f32 v61, v7;
	v61 =	vsub.f32 v51, v4;
	(xrf2) =	vadd.scan.msk.f32 $0xffff, v5;
	v5 =	vld [tilespmem:$0x1FF10];
	s5 =	smul.f32 s5, s7  }
0x1c2: {  	v59 =	vld [tilespmem:$0x1FF00];
	v0 =	vsub.f32 v0, v4;
	v2 =	vadd.f32 v54, v6;
	v6 =	vmov s1;
	(xrf2) =	vadd.scan.msk.f32 $0xffff, v10  }
0x1c3: {  	v13 =	vld [tilespmem:$0x1FDF0];
	v63 =	vmul.f32 v34, v34;
	v8 =	vadd.f32 v12, v8;
	v1 =	vsub.f32 v1, v6;
	s0 =	smul.f32 s5, s0  }
0x1c4: {  	v22 =	vmul.f32 s26, v22;
	[tilespmem:$0x1FDF0] =	vst v25;
	v25 =	vld [tilespmem:$0x1FF20];
	v9 =	vsub.f32 v60, v6;
	v51 =	vsub.f32 v18, v6  }
0x1c5: {  	v49 =	vmul.f32 v0, v28;
	v60 =	vsub.f32 v24, v11;
	v12 =	vadd.f32 v63, v2;
	s0 =	smul.f32 s0, s5  }
0x1c6: {  	v2 =	vsub.f32 v48, v4;
	v63 =	vmul.f32 v61, v5;
	v5 =	vsub.f32 v53, v4  }
0x1c7: {  	v54 =	vmul.f32 v62, v59;
	v62 =	vsub.f32 v56, v4;
	v48 =	vsub.f32 v57, v4;
	s0 =	ssub.f32 $1.500000000e+00, s0  }
0x1c8: {  	v57 =	vsub.f32 v16, v6;
	v56 =	vsub.f32 v15, v11;
	v13 =	vmul.f32 s26, v13  }
0x1c9: {  	v59 =	vmul.f32 v2, v25;
	v2 =	vsub.f32 v55, v4;
	v25 =	vsub.f32 v58, v6;
	s0 =	smul.f32 s0, s5  }
0x1ca: {  	(xrf2) =	vadd.scan.msk.f32 $0xffff, v7;
	v52 =	vmul.f32 v62, v26;
	v62 =	vsub.f32 v3, v6;
	v53 =	vmul.f32 v5, v31;
	v5, _, _ =	vpop (xrf2)  }
0x1cb: {  	v55 =	vsub.f32 v20, v11;
	v50 =	vmul.f32 v2, v27;
	(xrf2) =	vadd.scan.msk.f32 $0xffff, v8;
	(v2sf) =	vpush v5, $0xF;
	v8, _, _ =	vpop (xrf2);
	s1 =	smul.f32 s0, s8  }
0x1cc: {  	v61 =	vsub.f32 v17, v6;
	(xrf2) =	vadd.scan.msk.f32 $0xffff, v12;
	(v2sf) =	vpush v8, $0xF;
	v12, _, _ =	vpop (xrf2);
	v2 =	vmul.f32 s0, v47  }
0x1cd: {  	v24 =	vld [tilespmem:$0x1FF20];
	(v2sf) =	vpush v12, $0xF;
	v0 =	vmul.f32 s0, v40;
	v3 =	vmov s1  }
0x1ce: {  	s11 =	sadd.s32 $0x4, s11;
	v10 =	vmul.f32 s0, v41;
	v47 =	vsub.f32 v22, v11;
	v22 =	vld [tilespmem:$0x1FF00];
	v16 =	vsub.f32 v2, v3  }
0x1cf: {  	p1 =	slt.u32 s11, $0x7C;
	v4 =	vmul.f32 s0, v42;
	v41 =	vmul.f32 v48, v29;
	v48 =	vsub.f32 v23, v11;
	v23 =	vld [tilespmem:$0x1FF10]  }
.Ltmp1:
0x1d0: {  	v15 =	vld [tilespmem:$0x1FFB0];
	v58 =	vmul.f32 s0, v45;
	v45 =	vsub.f32 v14, v11;
	v14 =	vmul.f32 v16, v29;
	(pc) =	sbr.rel @p1 .LBB2_5-.Ltmp1, $4  }
0x1d1: {  	v17 =	vld [tilespmem:$0x1FFD0];
	v40 =	vsub.f32 v19, v6;
	v7 =	vmul.f32 s0, v43;
	v6 =	vmul.f32 s0, v44  }
0x1d2: {  	v5 =	vmul.f32 s0, v46;
	v46 =	vsub.f32 v13, v11;
	v16 =	vld [tilespmem:$0x1FFC0];
	v8 =	vadd.f32 v14, v30  }
0x1d3: {  	s15 =	smov.u32 s12;
	s12 =	sadd.s32 $0x200, s12;
	v42 =	vmul.f32 v9, v24;
	v2 =	vsub.f32 v21, v11;
	v44 =	vmul.f32 v25, v22;
	v25 =	vld [tilespmem:$0x1FF80]  }
0x1d4: {  	s21 =	sadd.s32 $0x4, s21;
	v43 =	vmul.f32 v1, v23;
	v1 =	vsub.f32 v0, v3;
	v0 =	vsub.f32 v10, v3;
	v14 =	vld [tilespmem:$0x1FF90];
	[tilespmem:s12+$0xF0] =	vst v8  }
0x1d5: {  	v8, _, _ =	vpop (xrf2)  }
0x1d6: {  	(v2sf) =	vpush v8, $0xF;
	_ =	sdelay $0x1  }
0x1d7: {  	v8, _, _ =	vpop (xrf2)  }
0x1d8: {  	(v2sf) =	vpush v8, $0xF;
	_ =	sdelay $0x1  }
0x1d9: {  	v8, _, _ =	vpop (xrf2)  }
0x1da: {  	(v2sf) =	vpush v8, $0xF;
	v8 =	vadd.f32 v54, v25;
	_ =	sdelay $0x1  }
0x1db: {  	[tilespmem:s15+$0xFFFFFF00] =	vst v8  }
0x1dc: {  	v54 =	vld [tilespmem:$0x1FFA0];
	_ =	sdelay $0x2  }
0x1dd: {  	s0 =	spop (v2sf)  }
0x1de: {  	v9 =	vadd.f32 v63, v14;
	s17 =	smul.f32 $7.812500000e-03, s0;
	s20 =	spop (v2sf)  }
0x1df: {  	s5 =	spop (v2sf);
	s11 =	smul.f32 $7.812500000e-03, s20;
	v8 =	vadd.f32 v59, v54  }
0x1e0: {  	v10 =	vadd.f32 v53, v15;
	[tilespmem:s15+$0xFFFFFF10] =	vst v9;
	s1 =	smul.f32 s17, s17;
	s21 =	spop (v2sf)  }
0x1e1: {  	[tilespmem:s15+$0xFFFFFF20] =	vst v8;
	v8 =	vadd.f32 v52, v16;
	s0 =	smul.f32 $7.812500000e-03, s21  }
0x1e2: {  	s7 =	smul.f32 s11, s11;
	v31 =	vld [tilespmem:$0x1FF30];
	[tilespmem:s15+$0xFFFFFF30] =	vst v10  }
0x1e3: {  	v13 =	vmul.f32 v40, v29;
	v12 =	vadd.f32 v50, v17;
	[tilespmem:s15+$0xFFFFFF40] =	vst v8;
	s22 =	spop (v2sf);
	s0 =	ssub.f32 s0, s1  }
0x1e4: {  	v40 =	vmovc v14;
	v9 =	vsub.f32 v58, v3;
	v58 =	vmov v17;
	v17 =	vadd.f32 v44, v25;
	v50 =	vld [tilespmem:$0x1FFE0];
	s8 =	smul.f32 $7.812500000e-03, s22  }
0x1e5: {  	v4 =	vsub.f32 v4, v3;
	v11 =	vmul.f32 v61, v27;
	v19 =	vadd.f32 v43, v40;
	[tilespmem:s15+$0xFFFFFF50] =	vst v12;
	s0 =	sadd.f32 $9.999999960e-13, s0  }
0x1e6: {  	v7 =	vsub.f32 v7, v3;
	v21 =	vadd.f32 v42, v54;
	v52 =	vmul.f32 v55, v22;
	v30 =	vld [tilespmem:$0x1FFF0];
	[tilespmem:s15+$0xFFFFFF80] =	vst v17;
	s1 =	smul.f32 $7.812500000e-03, s5;
	s25 =	ssub.f32 s8, s7  }
0x1e7: {  	v6 =	vsub.f32 v6, v3;
	v11 =	vadd.f32 v11, v58;
	[tilespmem:s15+$0xFFFFFF90] =	vst v19;
	s26 =	sshrl.u32 s0, $0x1;
	s0 =	smul.f32 $5.000000000e-01, s0  }
0x1e8: {  	v3 =	vsub.f32 v5, v3;
	v12 =	vadd.f32 v52, v25;
	[tilespmem:s15+$0xFFFFFFA0] =	vst v21;
	v5 =	vmul.f32 v62, v31;
	s5 =	sadd.f32 $9.999999960e-13, s25;
	s7 =	ssub.s32 $0x5F3759DF, s26  }
0x1e9: {  	v53 =	vmov v15;
	[tilespmem:s15+$0xFFFFFFD0] =	vst v11;
	v62 =	vmul.f32 v57, v26;
	v63 =	vadd.f32 v49, v50;
	s13 =	smul.f32 s7, s0  }
0x1ea: {  	v8 =	vmul.f32 v51, v28;
	[tilespmem:s15+$0x0] =	vst v12;
	v57 =	vmov v16;
	v5 =	vadd.f32 v5, v53;
	s14 =	sshrl.u32 s5, $0x1;
	s5 =	smul.f32 $5.000000000e-01, s5  }
0x1eb: {  	v10 =	vadd.f32 v62, v57;
	[tilespmem:s15+$0xFFFFFF60] =	vst v63;
	s14 =	ssub.s32 $0x5F3759DF, s14;
	s13 =	smul.f32 s7, s13  }
0x1ec: {  	s20 =	spop (v2sf);
	v8 =	vadd.f32 v8, v50;
	[tilespmem:s15+$0xFFFFFFB0] =	vst v5;
	s21 =	smul.f32 s14, s5  }
0x1ed: {  	v2 =	vmul.f32 v2, v23;
	s20 =	smul.f32 $7.812500000e-03, s20;
	v15 =	vadd.f32 v41, v30;
	[tilespmem:s15+$0xFFFFFFC0] =	vst v10;
	s13 =	ssub.f32 $1.500000000e+00, s13  }
0x1ee: {  	v5 =	vadd.f32 v13, v30;
	[tilespmem:s15+$0xFFFFFFE0] =	vst v8;
	s21 =	smul.f32 s14, s21  }
0x1ef: {  	v2 =	vadd.f32 v2, v40;
	v55 =	vmul.f32 v45, v24;
	[tilespmem:s15+$0xFFFFFF70] =	vst v15;
	s7 =	smul.f32 s7, s13  }
0x1f0: {  	v16 =	vmul.f32 v56, v31;
	v7 =	vmul.f32 v7, v31;
	s28 =	smul.f32 s1, s1;
	[tilespmem:s15+$0xFFFFFFF0] =	vst v5;
	s30 =	ssub.f32 $1.500000000e+00, s21  }
0x1f1: {  	v18 =	vmul.f32 v48, v27;
	v59 =	vadd.f32 v55, v54;
	v15 =	vmul.f32 v47, v26;
	v12 =	vld [tilespmem:$0x1FCA0];
	[tilespmem:s15+$0x10] =	vst v2;
	s0 =	smul.f32 s7, s0  }
0x1f2: {  	v20 =	vmul.f32 v60, v29;
	v60 =	vadd.f32 v16, v53;
	v2 =	vadd.f32 v7, v53;
	v7 =	vld [tilespmem:$0x1FC90];
	s13 =	smul.f32 s14, s30  }
0x1f3: {  	v61 =	vadd.f32 v15, v57;
	v15 =	vld [tilespmem:$0x1FCD0];
	[tilespmem:s15+$0x20] =	vst v59;
	s0 =	smul.f32 s0, s7  }
0x1f4: {  	v17 =	vmul.f32 v46, v28;
	v62 =	vadd.f32 v18, v58;
	v10 =	vld [tilespmem:$0x1FCF0];
	[tilespmem:s15+$0x30] =	vst v60;
	s5 =	smul.f32 s13, s5  }
0x1f5: {  	[tilespmem:s15+$0x40] =	vst v61;
	s0 =	ssub.f32 $1.500000000e+00, s0  }
0x1f6: {  	v1 =	vmul.f32 v1, v22;
	s8 =	ssub.f32 s20, s28;
	v63 =	vadd.f32 v17, v50;
	v18 =	vld [tilespmem:$0x1FCB0];
	[tilespmem:s15+$0x50] =	vst v62;
	s5 =	smul.f32 s5, s13  }
0x1f7: {  	v0 =	vmul.f32 v0, v23;
	v8 =	vmul.f32 v9, v27;
	v5 =	vadd.f32 v20, v30;
	v9 =	vld [tilespmem:$0x1FCC0];
	s0 =	smul.f32 s0, s7  }
0x1f8: {  	v4 =	vmul.f32 v4, v24;
	v6 =	vmul.f32 v6, v26;
	v1 =	vadd.f32 v1, v25;
	s8 =	sadd.f32 $9.999999960e-13, s8;
	v19 =	vld [tilespmem:$0x1FCE0];
	[tilespmem:s15+$0x60] =	vst v63  }
0x1f9: {  	v0 =	vadd.f32 v0, v40;
	v3 =	vmul.f32 v3, v28;
	v14 =	vld [tilespmem:$0x1FD20];
	[tilespmem:s15+$0x70] =	vst v5;
	s5 =	ssub.f32 $1.500000000e+00, s5;
	v12 =	vmul.f32 s0, v12  }
0x1fa: {  	v4 =	vadd.f32 v4, v54;
	s21 =	smul.f32 $5.000000000e-01, s8;
	v5 =	vld [tilespmem:$0x1FD40];
	v7 =	vmul.f32 s0, v7;
	v15 =	vmul.f32 s0, v15  }
0x1fb: {  	v6 =	vadd.f32 v6, v57;
	s8 =	sshrl.u32 s8, $0x1;
	s5 =	smul.f32 s5, s13;
	v10 =	vmul.f32 s0, v10;
	v16 =	vmul.f32 s0, v32  }
0x1fc: {  	v3 =	vadd.f32 v3, v50;
	s8 =	ssub.s32 $0x5F3759DF, s8;
	s25 =	smul.f32 s0, s17;
	v36 =	vmul.f32 s0, v36;
	v17 =	vmul.f32 s0, v37  }
0x1fd: {  	v8 =	vadd.f32 v8, v58;
	s22 =	smul.f32 s8, s21;
	v37 =	vmul.f32 s0, v39;
	v18 =	vmul.f32 s5, v18  }
0x1fe: {  	v9 =	vmul.f32 s5, v9;
	v19 =	vmul.f32 s5, v19;
	v20 =	vmov s25  }
0x1ff: {  	s7 =	smul.f32 s8, s22;
	v14 =	vmul.f32 s5, v14;
	v5 =	vmul.f32 s5, v5;
	v12 =	vsub.f32 v12, v20  }
0x200: {  	[tilespmem:s12+$0x80] =	vst v1;
	s28 =	smul.f32 s5, s11;
	v1 =	vmul.f32 s5, v33;
	v7 =	vsub.f32 v7, v20;
	v15 =	vsub.f32 v15, v20  }
0x201: {  	[tilespmem:s12+$0xA0] =	vst v4;
	v4 =	vmul.f32 s5, v35;
	v10 =	vsub.f32 v10, v20;
	v16 =	vsub.f32 v16, v20  }
0x202: {  	[tilespmem:s12+$0x90] =	vst v0;
	s7 =	ssub.f32 $1.500000000e+00, s7;
	v11 =	vsub.f32 v36, v20;
	v0 =	vsub.f32 v17, v20;
	v17 =	vmov s28  }
0x203: {  	v13 =	vsub.f32 v37, v20;
	v20 =	vmul.f32 s5, v38;
	v18 =	vsub.f32 v18, v17  }
0x204: {  	[tilespmem:s12+$0xB0] =	vst v2;
	s26 =	smul.f32 s8, s7;
	v9 =	vsub.f32 v9, v17;
	v38 =	vsub.f32 v19, v17;
	v2 =	vmul.f32 v12, v22  }
0x205: {  	[tilespmem:s12+$0xC0] =	vst v6;
	v5 =	vsub.f32 v5, v17;
	v1 =	vsub.f32 v1, v17;
	v6 =	vmul.f32 v7, v23  }
0x206: {  	[tilespmem:s12+$0xD0] =	vst v8;
	s8 =	smul.f32 s26, s21;
	v4 =	vsub.f32 v4, v17;
	v8 =	vmul.f32 v15, v24;
	v2 =	vadd.f32 v2, v25  }
0x207: {  	[tilespmem:s12+$0xE0] =	vst v3;
	v7 =	vsub.f32 v14, v17;
	v3 =	vmul.f32 v10, v31;
	v6 =	vadd.f32 v6, v40  }
0x208: {  	v39 =	vsub.f32 v20, v17;
	s30 =	smul.f32 s8, s26;
	v8 =	vadd.f32 v8, v54;
	[tilespmem:s12+$0xFFFFFF00] =	vst v2;
	v2 =	vmul.f32 v16, v26  }
0x209: {  	v11 =	vmul.f32 v11, v27;
	v0 =	vmul.f32 v0, v28;
	v3 =	vadd.f32 v3, v53;
	[tilespmem:s12+$0xFFFFFF10] =	vst v6  }
0x20a: {  	v13 =	vmul.f32 v13, v29;
	v42 =	vmul.f32 v18, v22;
	s8 =	ssub.f32 $1.500000000e+00, s30;
	v6 =	vld [tilespmem:$0x1FD10];
	[tilespmem:s12+$0xFFFFFF20] =	vst v8;
	v2 =	vadd.f32 v2, v57  }
0x20b: {  	v9 =	vmul.f32 v9, v23;
	v12 =	vmul.f32 v38, v24;
	v11 =	vadd.f32 v11, v58;
	v8 =	vld [tilespmem:$0x1FD00];
	[tilespmem:s12+$0xFFFFFF30] =	vst v3  }
0x20c: {  	v5 =	vmul.f32 v5, v26;
	v1 =	vmul.f32 v1, v27;
	v0 =	vadd.f32 v0, v50;
	s0 =	smul.f32 s8, s26;
	v3 =	vld [tilespmem:$0x1FD30];
	[tilespmem:s12+$0xFFFFFF40] =	vst v2  }
0x20d: {  	v4 =	vmul.f32 v4, v28;
	v13 =	vadd.f32 v13, v30;
	v14 =	vadd.f32 v42, v25;
	v2 =	vld [tilespmem:$0x1FD50];
	[tilespmem:s12+$0xFFFFFF50] =	vst v11  }
0x20e: {  	v7 =	vmul.f32 v7, v31;
	v9 =	vadd.f32 v9, v40;
	v12 =	vadd.f32 v12, v54;
	s1 =	smul.f32 s0, s1;
	v11 =	vld [tilespmem:$0x1FD90];
	[tilespmem:s12+$0xFFFFFF60] =	vst v0  }
0x20f: {  	v5 =	vadd.f32 v5, v57;
	v1 =	vadd.f32 v1, v58;
	v6 =	vmul.f32 s0, v6;
	v0 =	vld [tilespmem:$0x1FDA0];
	[tilespmem:s12+$0xFFFFFF70] =	vst v13  }
0x210: {  	v7 =	vadd.f32 v7, v53;
	v44 =	vmov s1;
	v8 =	vmul.f32 s0, v8;
	v13 =	vld [tilespmem:$0x1FDF0];
	[tilespmem:s12+$0xFFFFFF80] =	vst v14  }
0x211: {  	v4 =	vadd.f32 v4, v50;
	v3 =	vmul.f32 s0, v3;
	[tilespmem:s12+$0xFFFFFF90] =	vst v9;
	v6 =	vsub.f32 v6, v44  }
0x212: {  	v43 =	vmul.f32 s0, v34;
	[tilespmem:s12+$0xFFFFFFB0] =	vst v7;
	v7 =	vsub.f32 v8, v44;
	v8 =	vmul.f32 v39, v29  }
0x213: {  	[tilespmem:s12+$0xFFFFFFC0] =	vst v5;
	v2 =	vmul.f32 s0, v2;
	v3 =	vsub.f32 v3, v44;
	v5 =	vmul.f32 v6, v22  }
0x214: {  	[tilespmem:s12+$0xFFFFFFA0] =	vst v12;
	v11 =	vmul.f32 s0, v11;
	v6 =	vadd.f32 v8, v30;
	v0 =	vmul.f32 s0, v0  }
0x215: {  	[tilespmem:s12+$0xFFFFFFD0] =	vst v1;
	v1 =	vsub.f32 v2, v44;
	v2 =	vmul.f32 v7, v23;
	v3 =	vmul.f32 v3, v24  }
0x216: {  	[tilespmem:s12+$0xFFFFFFE0] =	vst v4;
	v5 =	vadd.f32 v5, v25;
	v13 =	vmul.f32 s0, v13;
	v4 =	vsub.f32 v11, v44  }
0x217: {  	[tilespmem:s12+$0xFFFFFFF0] =	vst v6;
	v0 =	vsub.f32 v0, v44;
	v1 =	vmul.f32 v1, v31;
	v2 =	vadd.f32 v2, v40  }
0x218: {  	[tilespmem:s12+$0x0] =	vst v5;
	v3 =	vadd.f32 v3, v54;
	v5 =	vsub.f32 v13, v44;
	v4 =	vmul.f32 v4, v26  }
0x219: {  	v6 =	vsub.f32 v43, v44;
	[tilespmem:s12+$0x10] =	vst v2;
	v0 =	vmul.f32 v0, v27;
	v1 =	vadd.f32 v1, v53  }
0x21a: {  	[tilespmem:s12+$0x20] =	vst v3;
	v2 =	vmul.f32 v5, v28;
	v3 =	vadd.f32 v4, v57  }
0x21b: {  	[tilespmem:s12+$0x30] =	vst v1;
	v1 =	vmul.f32 v6, v29;
	v0 =	vadd.f32 v0, v58  }
0x21c: {  	[tilespmem:s12+$0x40] =	vst v3;
	v2 =	vadd.f32 v2, v50  }
0x21d: {  	[tilespmem:s12+$0x50] =	vst v0;
	v0 =	vadd.f32 v1, v30  }
0x21e: {  	s11 =	sadd.s32 s9, s19;
	[tilespmem:s12+$0x60] =	vst v2  }
0x21f: {  	s0 =	sshll.u32 s11, $0x4;
	[tilespmem:s12+$0x70] =	vst v0;
	s12 =	rddreg [dreg:$0x6]  }
0x220: {  	s14 =	simm.s32 $0x8100;
	s13 =	simm.s32 $0x0;
	s0 =	sadd.s32 s12, s0  }
0x221: {  	[hbm4b:s0+s13] =	stream.linear.scatter [tilespmem:s14], [sflag:$0x3], $0x4000, $0x38;
	[tilespmem:$0x16680] =	vst v63  }
0x222: {  	_ =	swait.ge [sflag:s29], $0x4000  }
0x223: {  	s0 =	rddreg [dreg:$0xb]  }
0x224: {  	s0 =	sadd.s32 @!p0 s19, s0  }
0x225: {  	s5 =	simm.s32 @!p0 $0x80;
	[sflag:s29] =	ssyncset.done $0x0;
	s0 =	sshrl.u32 @!p0 s0, $0x3  }
0x226: {  	s1 =	simm.s32 @!p0 $0x0;
	[sflag:s29] =	ssyncadd.s32 $0xFFFFC000;
	s0 =	sadd.s32 @!p0 s10, s0  }
0x227: {  	[tilespmem:s5], [sflag:$0x6] =	stream.linear.gather @!p0 [hbm4b:s0+s1], $0x80, $0x38;
	[tilespmem:$0x16680] =	vst v63  }
0x228: {  	s0 =	simm.s32 @!p0 $0x5  }
0x229: {  	_ =	swait.ge @!p0 [sflag:s0], $0x80  }
0x22a: {  	[sflag:s0] =	ssyncset.done @!p0 $0x0  }
0x22b: {  	p1 =	seq.s32 @!p0 s16, $0x0;
	[sflag:s0] =	ssyncadd.s32 @!p0 $0xFFFFFF80;
	s0 =	simm.s32 @!p0 $0x100  }
0x22c: {  	[tilespmem:s0], [sflag:$0x1] =	stream.indirect.gather @!p0 [hbm4b:s23+s5], $0x80, s1, s5, $0xb8;
	[tilespmem:$0x16680] =	vst v63  }
0x22d: {  	p0 =	por p0, !p1  }
0x22e: {  	s0 =	simm.s32 @p0 $0x4  }
0x22f: {  	_ =	swait.ge @p0 [sflag:s0], $0x4000  }
0x230: {  	[sflag:s0] =	ssyncset.done @p0 $0x0  }
0x231: {  	s17 =	simm.s32 $0x4200;
	[sflag:s0] =	ssyncadd.s32 @p0 $0xFFFFC000  }
0x232: {  	v0 =	vld [tilespmem:s17+$0x80]  }
0x233: {  	v1 =	vld [tilespmem:s17+$0x90]  }
0x234: {  	v4 =	vld [tilespmem:s17+$0xA0]  }
0x235: {  	v6 =	vld [tilespmem:s17+$0xB0]  }
0x236: {  	v8 =	vld [tilespmem:s17+$0xC0]  }
0x237: {  	v46 =	vld [tilespmem:s17+$0xD0]  }
0x238: {  	v52 =	vld [tilespmem:s17+$0xE0]  }
0x239: {  	v54 =	vld [tilespmem:s17+$0xF0]  }
0x23a: {  	v22 =	vld [tilespmem:s17+$0xFFFFFF00]  }
0x23b: {  	v23 =	vld [tilespmem:s17+$0xFFFFFF10]  }
0x23c: {  	v24 =	vld [tilespmem:s17+$0xFFFFFF80]  }
0x23d: {  	s15 =	smulhi.u32 $0x51EB851F, s3;
	v25 =	vld [tilespmem:s17+$0xFFFFFF90]  }
0x23e: {  	v26 =	vld [tilespmem:s17+$0x0]  }
0x23f: {  	s0 =	sshrl.u32 s15, $0x6;
	v55 =	vld [tilespmem:s17+$0x10]  }
0x240: {  	s0 =	smul.u32 $0xFFFE7000, s0;
	v59 =	vld [tilespmem:s17+$0xFFFFFF20]  }
0x241: {  	v9 =	vld [tilespmem:s17+$0x30]  }
0x242: {  	v13 =	vld [tilespmem:s17+$0xFFFFFF40];
	s0 =	sshra.s32 s0, $0x2  }
0x243: {  	v14 =	vld [tilespmem:s17+$0xFFFFFFC0];
	s19 =	sadd.s32 s0, s6  }
0x244: {  	v2 =	vld [tilespmem:s19+$0xFFFFFF90]  }
0x245: {  	v3 =	vld [tilespmem:s19+$0xFFFFFFA0]  }
0x246: {  	v5 =	vld [tilespmem:s19+$0xFFFFFFB0]  }
0x247: {  	v7 =	vld [tilespmem:s19+$0xFFFFFFC0]  }
0x248: {  	v45 =	vld [tilespmem:s19+$0xFFFFFFD0]  }
0x249: {  	v47 =	vld [tilespmem:s19+$0xFFFFFFE0]  }
0x24a: {  	v53 =	vld [tilespmem:s19+$0xFFFFFFF0]  }
0x24b: {  	v15 =	vld [tilespmem:s19+$0x0]  }
0x24c: {  	v16 =	vld [tilespmem:s19+$0xFFFFFE10]  }
0x24d: {  	v17 =	vld [tilespmem:s19+$0xFFFFFE20]  }
0x24e: {  	v18 =	vld [tilespmem:s19+$0xFFFFFE90]  }
0x24f: {  	v19 =	vld [tilespmem:s19+$0xFFFFFEA0]  }
0x250: {  	v20 =	vld [tilespmem:s19+$0xFFFFFF10]  }
0x251: {  	v21 =	vld [tilespmem:s19+$0xFFFFFF20]  }
0x252: {  	v56 =	vld [tilespmem:s19+$0xFFFFFE30];
	v27 =	vadd.f32 v2, v0;
	v43 =	vadd.f32 v3, v1  }
0x253: {  	v57 =	vld [tilespmem:s19+$0xFFFFFEB0]  }
0x254: {  	v58 =	vld [tilespmem:s19+$0xFFFFFF30];
	v42 =	vadd.f32 v5, v4;
	v2 =	vmul.f32 v27, v27;
	v3 =	vmul.f32 v43, v43  }
0x255: {  	v33 =	vld [tilespmem:s19+$0xFFFFFEC0];
	v5 =	vadd.f32 v43, v27  }
0x256: {  	v10 =	vld [tilespmem:s19+$0xFFFFFE50];
	v49 =	vadd.f32 v7, v6;
	v2 =	vadd.f32 v3, v2;
	v3 =	vmul.f32 v42, v42  }
0x257: {  	v11 =	vld [tilespmem:s19+$0xFFFFFED0];
	v5 =	vadd.f32 v42, v5  }
0x258: {  	v12 =	vld [tilespmem:s19+$0xFFFFFF50];
	v63 =	vadd.f32 v45, v8;
	v2 =	vadd.f32 v3, v2;
	v3 =	vmul.f32 v49, v49  }
0x259: {  	v35 =	vld [tilespmem:s19+$0xFFFFFE60];
	v5 =	vadd.f32 v49, v5  }
0x25a: {  	v36 =	vld [tilespmem:s19+$0xFFFFFEE0];
	v39 =	vadd.f32 v47, v46;
	v2 =	vadd.f32 v3, v2;
	v3 =	vmul.f32 v63, v63  }
0x25b: {  	v0 =	vld [tilespmem:s17+$0xFFFFFFA0];
	v5 =	vadd.f32 v63, v5  }
0x25c: {  	v1 =	vld [tilespmem:s17+$0x20];
	v38 =	vadd.f32 v53, v52;
	v2 =	vadd.f32 v3, v2;
	v3 =	vmul.f32 v39, v39  }
0x25d: {  	v4 =	vld [tilespmem:s19+$0xFFFFFE40];
	v5 =	vadd.f32 v39, v5  }
0x25e: {  	v6 =	vld [tilespmem:s19+$0xFFFFFF40];
	v34 =	vadd.f32 v15, v54;
	v2 =	vadd.f32 v3, v2;
	v3 =	vmul.f32 v38, v38  }
0x25f: {  	v7 =	vld [tilespmem:s17+$0xFFFFFF30];
	v5 =	vadd.f32 v38, v5  }
0x260: {  	v8 =	vld [tilespmem:s17+$0xFFFFFFB0];
	v2 =	vadd.f32 v3, v2;
	v3 =	vmul.f32 v34, v34  }
0x261: {  	v15 =	vld [tilespmem:s17+$0x40];
	v5 =	vadd.f32 v34, v5  }
0x262: {  	v22 =	vadd.f32 v16, v22;
	v2 =	vadd.f32 v3, v2;
	v3 =	vld [tilespmem:s19+$0xFFFFFF60]  }
0x263: {  	v23 =	vadd.f32 v17, v23;
	(xrf2) =	vadd.scan.msk.f32 $0xffff, v5;
	v5 =	vld [tilespmem:s17+$0xFFFFFF50]  }
0x264: {  	v61 =	vadd.f32 v18, v24;
	(xrf2) =	vadd.scan.msk.f32 $0xffff, v2;
	v2 =	vld [tilespmem:s17+$0xFFFFFFD0];
	[tilespmem:$0x1FB40] =	vst v22  }
0x265: {  	v62 =	vadd.f32 v19, v25;
	v16 =	vld [tilespmem:s17+$0x50];
	[tilespmem:$0x1FB50] =	vst v23  }
0x266: {  	[tilespmem:$0x1FB80] =	vst v61  }
0x267: {  	v48 =	vadd.f32 v20, v26;
	v17 =	vld [tilespmem:s19+$0xFFFFFE70];
	[tilespmem:$0x1FB90] =	vst v62  }
0x268: {  	v50 =	vadd.f32 v21, v55;
	v19 =	vld [tilespmem:s19+$0xFFFFFEF0]  }
0x269: {  	v25 =	vld [tilespmem:s19+$0xFFFFFF70];
	[tilespmem:$0x1FBD0] =	vst v48  }
0x26a: {  	v18 =	vmul.f32 v22, v22;
	v22 =	vadd.f32 v23, v22;
	v23 =	vmul.f32 v23, v23;
	[tilespmem:$0x1FBE0] =	vst v50  }
0x26b: {  	v44 =	vadd.f32 v56, v59;
	v45 =	vadd.f32 v10, v13;
	v24 =	vmul.f32 v61, v61;
	v21 =	vld [tilespmem:s17+$0xFFFFFF60]  }
0x26c: {  	v20 =	vmul.f32 v62, v62;
	v53 =	vadd.f32 v57, v0;
	v18 =	vadd.f32 v23, v18;
	v23 =	vld [tilespmem:s17+$0xFFFFFFE0]  }
0x26d: {  	v26 =	vadd.f32 v62, v61;
	v56 =	vadd.f32 v58, v1;
	v37 =	vld [tilespmem:s17+$0x60]  }
0x26e: {  	s21 =	sadd.s32 $0x4, s3;
	v51 =	vmul.f32 v48, v48;
	v20 =	vadd.f32 v20, v24;
	v24 =	vmul.f32 v50, v50;
	v29 =	vld [tilespmem:s19+$0xFFFFFE80];
	[tilespmem:$0x1FBA0] =	vst v53  }
0x26f: {  	s20 =	smulhi.u32 $0x51EB851F, s21;
	v40 =	vadd.f32 v50, v48;
	v60 =	vadd.f32 v33, v8;
	v57 =	vmul.f32 v53, v53;
	v0 =	vld [tilespmem:s19+$0xFFFFFF00];
	[tilespmem:$0x1FBF0] =	vst v56  }
0x270: {  	v24 =	vadd.f32 v24, v51;
	v26 =	vadd.f32 v53, v26;
	v59 =	vmul.f32 v56, v56;
	v1 =	vld [tilespmem:s19+$0xFFFFFF80]  }
0x271: {  	s0 =	sshrl.u32 s20, $0x6;
	v55 =	vmul.f32 v44, v44;
	v61 =	vadd.f32 v4, v7;
	v7 =	vadd.f32 v57, v20;
	v28 =	vld [tilespmem:s17+$0xFFFFFF70]  }
0x272: {  	s0 =	smul.u32 $0xFFFE7000, s0;
	v20 =	vadd.f32 v59, v24;
	v62 =	vadd.f32 v6, v9;
	v30 =	vld [tilespmem:s17+$0xFFFFFFF0]  }
0x273: {  	v22 =	vadd.f32 v44, v22;
	v24 =	vmul.f32 v61, v61;
	v18 =	vadd.f32 v55, v18;
	v4 =	vld [tilespmem:s17+$0x70];
	s19 =	simm.s32 $0x4400;
	[tilespmem:$0x1FBC0] =	vst v60  }
0x274: {  	s20 =	sadd.s32 $0x200, s6;
	s0 =	sshra.s32 s0, $0x2;
	v58 =	vadd.f32 v56, v40;
	v51 =	vadd.f32 v35, v5;
	v8 =	vld [tilespmem:s19+$0x80];
	[tilespmem:$0x1FC00] =	vst v62  }
0x275: {  	s11 =	sadd.s32 s0, s20;
	v40 =	vadd.f32 v61, v22;
	v18 =	vadd.f32 v24, v18;
	v24 =	vmul.f32 v62, v62;
	v6 =	vld [tilespmem:s19+$0x90]  }
0x276: {  	v22 =	vadd.f32 v60, v26;
	v26 =	vmul.f32 v60, v60;
	v41 =	vadd.f32 v62, v58;
	v31 =	vld [tilespmem:s11+$0xFFFFFF90]  }
0x277: {  	v10 =	vld [tilespmem:s11+$0xFFFFFFA0];
	v20 =	vadd.f32 v24, v20;
	v24 =	vadd.f32 v12, v15  }
0x278: {  	v7 =	vadd.f32 v26, v7;
	v9 =	vadd.f32 v45, v40;
	v26 =	vld [tilespmem:s19+$0xA0]  }
0x279: {  	v46 =	vmul.f32 v45, v45;
	v56 =	vadd.f32 v11, v14;
	v62 =	vadd.f32 v36, v2;
	v47 =	vld [tilespmem:s11+$0xFFFFFFB0];
	[tilespmem:$0x1FC10] =	vst v24  }
0x27a: {  	v36 =	vadd.f32 v3, v16;
	v52, _, _ =	vpop (xrf2);
	v9 =	vadd.f32 v51, v9;
	v12 =	vld [tilespmem:s19+$0xB0]  }
0x27b: {  	(v2sf) =	vpush v52, $0xF;
	v11 =	vadd.f32 v46, v18;
	v18 =	vld [tilespmem:s11+$0xFFFFFFC0]  }
0x27c: {  	v15 =	vadd.f32 v56, v22;
	v22 =	vmul.f32 v56, v56;
	v53 =	vadd.f32 v25, v37;
	v54, _, _ =	vpop (xrf2);
	v5 =	vld [tilespmem:s19+$0xC0]  }
0x27d: {  	(v2sf) =	vpush v54, $0xF;
	v13 =	vadd.f32 v24, v41;
	v2 =	vld [tilespmem:s11+$0xFFFFFFD0];
	[tilespmem:$0x1FC20] =	vst v36  }
0x27e: {  	v7 =	vadd.f32 v22, v7;
	v15 =	vadd.f32 v62, v15;
	v3 =	vld [tilespmem:s19+$0xD0]  }
0x27f: {  	v24 =	vmul.f32 v24, v24;
	v41 =	vadd.f32 v17, v21;
	v54 =	vadd.f32 v19, v23;
	v16 =	vld [tilespmem:s11+$0xFFFFFFE0]  }
0x280: {  	v22 =	vmul.f32 v51, v51;
	v40 =	vadd.f32 v29, v28;
	v50 =	vadd.f32 v0, v30;
	v32 =	vld [tilespmem:s19+$0xE0]  }
0x281: {  	v59 =	vadd.f32 v1, v4;
	v20 =	vadd.f32 v24, v20;
	v17 =	vld [tilespmem:s11+$0xFFFFFFF0]  }
0x282: {  	v24 =	vmul.f32 v62, v62;
	v11 =	vadd.f32 v22, v11;
	v22 =	vmul.f32 v36, v36;
	v21 =	vld [tilespmem:s19+$0xF0]  }
0x283: {  	v9 =	vadd.f32 v41, v9;
	v19 =	vmul.f32 v41, v41;
	v23 =	vld [tilespmem:s11+$0xFFFFFE10];
	v15 =	vadd.f32 v54, v15  }
0x284: {  	v1 =	vld [tilespmem:s11+$0xFFFFFEA0];
	v7 =	vadd.f32 v24, v7;
	v20 =	vadd.f32 v22, v20;
	v24 =	vmul.f32 v54, v54  }
0x285: {  	v25 =	vmul.f32 v53, v53;
	v28 =	vld [tilespmem:s11+$0xFFFFFF20];
	v11 =	vadd.f32 v19, v11;
	v0 =	vadd.f32 v40, v9  }
0x286: {  	v22 =	vld [tilespmem:s11+$0x0];
	v4 =	vadd.f32 v24, v7;
	v7 =	vadd.f32 v50, v15  }
0x287: {  	v19 =	vld [tilespmem:s11+$0xFFFFFE20];
	v15 =	vadd.f32 v25, v20;
	v25 =	vadd.f32 v31, v8  }
0x288: {  	v13 =	vadd.f32 v36, v13;
	v9 =	vld [tilespmem:s11+$0xFFFFFE90];
	v24 =	vadd.f32 v10, v6  }
0x289: {  	(xrf2) =	vadd.scan.msk.f32 $0xffff, v0;
	v0 =	vld [tilespmem:s11+$0xFFFFFF10];
	[tilespmem:$0x1FC30] =	vst v25  }
0x28a: {  	v13 =	vadd.f32 v53, v13;
	v20 =	vmul.f32 v40, v40;
	[tilespmem:$0x1FC40] =	vst v24  }
0x28b: {  	v6 =	vld [tilespmem:s19+$0xFFFFFF00]  }
0x28c: {  	v13 =	vadd.f32 v59, v13;
	(xrf2) =	vadd.scan.msk.f32 $0xffff, v7;
	v7 =	vmul.f32 v50, v50;
	v8 =	vadd.f32 v20, v11;
	v11 =	vld [tilespmem:s19+$0xFFFFFF10]  }
0x28d: {  	v55 =	vadd.f32 v47, v26;
	v46 =	vadd.f32 v24, v25;
	v47 =	vld [tilespmem:s19+$0xFFFFFF80]  }
0x28e: {  	v37 =	vmul.f32 v59, v59;
	v18 =	vadd.f32 v18, v12;
	(xrf2) =	vadd.scan.msk.f32 $0xffff, v13;
	v52 =	vld [tilespmem:s19+$0xFFFFFF90];
	v4 =	vadd.f32 v7, v4  }
0x28f: {  	v33 =	vmul.f32 v24, v24;
	v60 =	vld [tilespmem:s19+$0x0];
	(xrf2) =	vadd.scan.msk.f32 $0xffff, v8;
	v8 =	vadd.f32 v55, v46  }
0x290: {  	v7 =	vadd.f32 v37, v15;
	v15 =	vld [tilespmem:s19+$0x10];
	[tilespmem:$0x1FC50] =	vst v18;
	(xrf2) =	vadd.scan.msk.f32 $0xffff, v4;
	v4 =	vmul.f32 v25, v25  }
0x291: {  	v58 =	vadd.f32 v2, v5;
	v5 =	vld [tilespmem:s11+$0xFFFFFE30];
	v2 =	vadd.f32 v18, v8  }
0x292: {  	v57 =	vadd.f32 v16, v3;
	v3 =	vld [tilespmem:s11+$0xFFFFFF30];
	(xrf2) =	vadd.scan.msk.f32 $0xffff, v7;
	v7 =	vmul.f32 v55, v55;
	v4 =	vadd.f32 v33, v4  }
0x293: {  	v36 =	vld [tilespmem:s19+$0xFFFFFF20];
	v2 =	vadd.f32 v58, v2  }
0x294: {  	v20 =	vadd.f32 v17, v32;
	v8 =	vld [tilespmem:s11+$0xFFFFFEB0];
	v4 =	vadd.f32 v7, v4;
	v7 =	vmul.f32 v18, v18  }
0x295: {  	s22 =	spop (v2sf);
	v2 =	vadd.f32 v57, v2;
	v18 =	vld [tilespmem:s19+$0xFFFFFFA0]  }
0x296: {  	s31 =	smov.u32 s23;
	s23 =	smul.f32 $7.812500000e-03, s22;
	s25 =	spop (v2sf);
	v4 =	vadd.f32 v7, v4;
	v7 =	vld [tilespmem:s19+$0x20];
	[tilespmem:$0x1FC60] =	vst v20  }
0x297: {  	v48 =	vadd.f32 v22, v21;
	v21 =	vmov v20;
	s0 =	smul.f32 $7.812500000e-03, s25;
	v2 =	vadd.f32 v20, v2;
	v20 =	vld [tilespmem:s11+$0xFFFFFE40]  }
0x298: {  	s26 =	smul.f32 s23, s23;
	v29 =	vld [tilespmem:s11+$0xFFFFFEC0]  }
0x299: {  	v35, _, _ =	vpop (xrf2);
	v31 =	vld [tilespmem:s11+$0xFFFFFF40]  }
0x29a: {  	v17 =	vmul.f32 v58, v58;
	(v2sf) =	vpush v35, $0xF;
	s0 =	ssub.f32 s0, s26;
	v16, _, _ =	vpop (xrf2);
	v37 =	vld [tilespmem:s19+$0xFFFFFF30]  }
0x29b: {  	v25 =	vadd.f32 v23, v6;
	(v2sf) =	vpush v16, $0xF;
	v16, _, _ =	vpop (xrf2);
	v32 =	vld [tilespmem:s19+$0xFFFFFFB0]  }
0x29c: {  	v6 =	vld [tilespmem:s11+$0xFFFFFE50];
	s0 =	sadd.f32 $9.999999960e-13, s0;
	(v2sf) =	vpush v16, $0xF;
	v16, _, _ =	vpop (xrf2);
	v4 =	vadd.f32 v17, v4  }
0x29d: {  	v23 =	vld [tilespmem:s19+$0x40];
	v17 =	vmul.f32 v57, v57;
	v2 =	vadd.f32 v48, v2;
	(v2sf) =	vpush v16, $0xF  }
0x29e: {  	v24 =	vadd.f32 v19, v11;
	v13 =	vld [tilespmem:s11+$0xFFFFFF60];
	s28 =	sshrl.u32 s0, $0x1;
	s0 =	smul.f32 $5.000000000e-01, s0;
	v16, _, _ =	vpop (xrf2)  }
0x29f: {  	v30 =	vld [tilespmem:s11+$0xFFFFFEF0];
	v4 =	vadd.f32 v17, v4;
	(xrf2) =	vadd.scan.msk.f32 $0xffff, v2;
	s5 =	ssub.s32 $0x5F3759DF, s28;
	(v2sf) =	vpush v16, $0xF;
	v16 =	vmul.f32 v21, v21  }
0x2a0: {  	v22 =	vadd.f32 v1, v52;
	v1 =	vmul.f32 v48, v48;
	v26 =	vadd.f32 v8, v18;
	v8 =	vld [tilespmem:s11+$0xFFFFFE60];
	s30 =	smul.f32 s5, s0  }
0x2a1: {  	v52 =	vmul.f32 v25, v25;
	v17 =	vadd.f32 v0, v60;
	v60 =	vld [tilespmem:s19+$0xFFFFFF40];
	v4 =	vadd.f32 v16, v4  }
0x2a2: {  	v11 =	vmul.f32 v24, v24;
	v46 =	vadd.f32 v5, v36;
	v21 =	vadd.f32 v9, v47;
	v9 =	vld [tilespmem:s11+$0xFFFFFED0];
	v2, _, _ =	vpop (xrf2);
	s7 =	smul.f32 s5, s30  }
0x2a3: {  	v33 =	vmul.f32 v22, v22;
	(v2sf) =	vpush v2, $0xF;
	v2 =	vld [tilespmem:s19+$0x30];
	v1 =	vadd.f32 v1, v4  }
0x2a4: {  	v36 =	vmul.f32 v46, v46;
	v18 =	vadd.f32 v3, v7;
	v16 =	vadd.f32 v28, v15;
	v15 =	vld [tilespmem:s19+$0xFFFFFFC0];
	s7 =	ssub.f32 $1.500000000e+00, s7  }
0x2a5: {  	v0 =	vld [tilespmem:s11+$0xFFFFFF50];
	v5 =	vmul.f32 v17, v17;
	v47 =	vadd.f32 v29, v32;
	v4 =	vmul.f32 v21, v21;
	(xrf2) =	vadd.scan.msk.f32 $0xffff, v1  }
0x2a6: {  	v28 =	vadd.f32 v20, v37;
	v35 =	vmul.f32 v16, v16;
	v1 =	vadd.f32 v11, v52;
	v11 =	vld [tilespmem:s11+$0xFFFFFEE0];
	s5 =	smul.f32 s5, s7  }
0x2a7: {  	v7 =	vmul.f32 v26, v26;
	v32 =	vadd.f32 v6, v60;
	v4 =	vadd.f32 v33, v4;
	v52 =	vld [tilespmem:s19+$0xFFFFFFD0]  }
0x2a8: {  	v37 =	vmul.f32 v28, v28;
	v5 =	vadd.f32 v35, v5;
	v19 =	vadd.f32 v31, v2;
	v2 =	vld [tilespmem:s19+$0x50];
	s0 =	smul.f32 s5, s0  }
0x2a9: {  	v60 =	vadd.f32 v9, v15;
	v15 =	vld [tilespmem:s19+$0xFFFFFFE0];
	v4 =	vadd.f32 v7, v4;
	v7 =	vmul.f32 v18, v18;
	v3, _, _ =	vpop (xrf2);
	s8 =	spop (v2sf)  }
0x2aa: {  	v6 =	vmul.f32 v47, v47;
	v1 =	vadd.f32 v36, v1;
	(v2sf) =	vpush v3, $0xF;
	v3 =	vld [tilespmem:s19+$0xFFFFFF50];
	s0 =	smul.f32 s0, s5;
	s12 =	spop (v2sf)  }
0x2ab: {  	v20 =	vadd.f32 v0, v23;
	v31 =	vld [tilespmem:s19+$0xFFFFFF60];
	v29 =	vmul.f32 v19, v19;
	s15 =	smul.f32 $7.812500000e-03, s8;
	v5 =	vadd.f32 v7, v5;
	s13 =	spop (v2sf)  }
0x2ac: {  	v1 =	vadd.f32 v37, v1;
	v7 =	vld [tilespmem:s11+$0xFFFFFE70];
	v4 =	vadd.f32 v6, v4;
	v6 =	vmul.f32 v32, v32;
	s0 =	ssub.f32 $1.500000000e+00, s0;
	s22 =	spop (v2sf)  }
0x2ad: {  	v33 =	vadd.f32 v11, v52;
	v5 =	vadd.f32 v29, v5;
	s8 =	smul.f32 $7.812500000e-03, s22  }
0x2ae: {  	v37 =	vmul.f32 v20, v20;
	v1 =	vadd.f32 v6, v1;
	v23 =	vadd.f32 v13, v2;
	s17 =	smul.f32 s0, s5  }
0x2af: {  	v0 =	vld [tilespmem:s11+$0xFFFFFF70];
	v35 =	vadd.f32 v30, v15;
	s0 =	smul.f32 s15, s15;
	v36 =	vadd.f32 v8, v3;
	v3, _, _ =	vpop (xrf2)  }
0x2b0: {  	v5 =	vadd.f32 v37, v5;
	v30 =	vmul.f32 v23, v23;
	s5 =	smul.f32 s17, s23;
	s23 =	spop (v2sf);
	(v2sf) =	vpush v3, $0xF;
	v3 =	vld [tilespmem:s19+$0x60]  }
0x2b1: {  	s12 =	smul.f32 $7.812500000e-03, s12;
	v8 =	vmul.f32 v60, v60;
	v37 =	vadd.f32 v7, v31;
	s0 =	ssub.f32 s8, s0;
	v6 =	vmul.f32 v36, v36  }
0x2b2: {  	v5 =	vadd.f32 v30, v5;
	v7 =	vmul.f32 s17, v43;
	v2 =	vmul.f32 s17, v34  }
0x2b3: {  	v14 =	vld [tilespmem:s11+$0xFFFFFF00];
	s14 =	smul.f32 s12, s12;
	v4 =	vadd.f32 v8, v4;
	v8 =	vmul.f32 s17, v49;
	v49 =	vmul.f32 s17, v63;
	s0 =	sadd.f32 $9.999999960e-13, s0  }
0x2b4: {  	v11 =	vld [tilespmem:s11+$0xFFFFFE80];
	v63 =	vmul.f32 s17, v39;
	v15 =	vmul.f32 s17, v38;
	s8 =	smul.f32 $7.812500000e-03, s23;
	v10 =	vmov s5  }
0x2b5: {  	v31 =	vmul.f32 v37, v37;
	s28 =	sshrl.u32 s0, $0x1;
	s0 =	smul.f32 $5.000000000e-01, s0;
	v52 =	vadd.f32 v0, v3;
	v3 =	vsub.f32 v7, v10;
	v7 =	vld [tilespmem:s19+$0xFFFFFF70]  }
0x2b6: {  	v29 =	vld [tilespmem:s11+$0xFFFFFF80];
	s1 =	smul.f32 $7.812500000e-03, s13;
	v6 =	vadd.f32 v6, v1;
	s7 =	ssub.f32 s8, s14;
	v13 =	vsub.f32 v2, v10;
	s13 =	ssub.s32 $0x5F3759DF, s28;
	v0 =	vmul.f32 s17, v42  }
0x2b7: {  	v43 =	vsub.f32 v8, v10;
	v8 =	vmul.f32 v33, v33;
	v42 =	vsub.f32 v49, v10;
	v49 =	vld [tilespmem:s19+$0xFFFFFFF0];
	s22 =	smul.f32 s13, s0  }
0x2b8: {  	s30 =	smul.f32 s1, s1;
	v1 =	vmul.f32 s17, v27;
	s7 =	sadd.f32 $9.999999960e-13, s7;
	v2 =	vsub.f32 v0, v10;
	v0 =	vsub.f32 v15, v10;
	v15 =	vld [tilespmem:s19+$0x70]  }
0x2b9: {  	v63 =	vsub.f32 v63, v10;
	v4 =	vadd.f32 v8, v4;
	v8 =	vmul.f32 v35, v35;
	s22 =	smul.f32 s13, s22  }
0x2ba: {  	v1 =	vsub.f32 v1, v10;
	s14 =	smul.f32 $5.000000000e-01, s7;
	s7 =	sshrl.u32 s7, $0x1;
	v39 =	vadd.f32 v11, v7  }
0x2bb: {  	s25 =	spop (v2sf);
	v6 =	vadd.f32 v31, v6;
	v4 =	vadd.f32 v8, v4;
	s23 =	ssub.s32 $0x5F3759DF, s7;
	s7 =	ssub.f32 $1.500000000e+00, s22  }
0x2bc: {  	s26 =	smul.f32 $7.812500000e-03, s25;
	v8 =	vadd.f32 v22, v21;
	v38 =	vadd.f32 v14, v49;
	v11 =	vmul.f32 v39, v39  }
0x2bd: {  	v10 =	vmul.f32 v52, v52;
	v7 =	vadd.f32 v24, v25;
	s7 =	smul.f32 s13, s7;
	v34 =	vadd.f32 v29, v15  }
0x2be: {  	s8 =	ssub.f32 s26, s30;
	s26 =	smul.f32 s23, s14;
	v29 =	vadd.f32 v11, v6;
	v6 =	vadd.f32 v26, v8;
	v8 =	vmul.f32 v38, v38  }
0x2bf: {  	v5 =	vadd.f32 v10, v5;
	v14 =	vadd.f32 v16, v17;
	s0 =	smul.f32 s7, s0  }
0x2c0: {  	s25 =	sadd.f32 $9.999999960e-13, s8;
	s8 =	smul.f32 s23, s26;
	v7 =	vadd.f32 v46, v7;
	v30 =	vadd.f32 v8, v4  }
0x2c1: {  	s0 =	smul.f32 s0, s7;
	v4 =	vadd.f32 v47, v6;
	v6 =	vmul.f32 v34, v34;
	v8 =	vadd.f32 v18, v14  }
0x2c2: {  	s8 =	ssub.f32 $1.500000000e+00, s8;
	v7 =	vadd.f32 v28, v7  }
0x2c3: {  	s0 =	ssub.f32 $1.500000000e+00, s0;
	v31 =	vadd.f32 v6, v5;
	v5 =	vadd.f32 v19, v8;
	v8 =	vld [tilespmem:$0x1FB50]  }
0x2c4: {  	s8 =	smul.f32 s23, s8;
	v7 =	vadd.f32 v32, v7  }
0x2c5: {  	v4 =	vadd.f32 v60, v4;
	s0 =	smul.f32 s0, s7  }
0x2c6: {  	s22 =	smul.f32 s8, s14;
	v6 =	vadd.f32 v36, v7  }
0x2c7: {  	v7 =	vld [tilespmem:$0x1FB40];
	v4 =	vadd.f32 v33, v4;
	s23 =	smul.f32 s0, s15  }
0x2c8: {  	v6 =	vadd.f32 v37, v6;
	v8 =	vmul.f32 s0, v8  }
0x2c9: {  	[tilespmem:$0x1FB10] =	vst v18;
	v18 =	vld [tilespmem:$0x1FF70];
	s7 =	smul.f32 s22, s8;
	v4 =	vadd.f32 v35, v4;
	v10 =	vmov s23  }
0x2ca: {  	v6 =	vadd.f32 v39, v6;
	v49 =	vsub.f32 v8, v10;
	v8 =	vld [tilespmem:$0x1FB80]  }
0x2cb: {  	s7 =	ssub.f32 $1.500000000e+00, s7;
	v4 =	vadd.f32 v38, v4  }
0x2cc: {  	[tilespmem:$0x1FB20] =	vst v60;
	v60 =	vmul.f32 s0, v61;
	v7 =	vmul.f32 s0, v7;
	(xrf2) =	vadd.scan.msk.f32 $0xffff, v6  }
0x2cd: {  	s7 =	smul.f32 s7, s8;
	(xrf2) =	vadd.scan.msk.f32 $0xffff, v4;
	v4 =	vmul.f32 s0, v40  }
0x2ce: {  	[tilespmem:$0x1FB00] =	vst v47;
	s28 =	sshrl.u32 s25, $0x1;
	s17 =	smul.f32 $5.000000000e-01, s25;
	v47 =	vsub.f32 v7, v10;
	v7 =	vsub.f32 v60, v10  }
0x2cf: {  	s5 =	ssub.s32 $0x5F3759DF, s28;
	v60 =	vsub.f32 v4, v10;
	v4 =	vmul.f32 v13, v18;
	v13 =	vmul.f32 s7, v8;
	v8 =	vld [tilespmem:$0x1FB90]  }
0x2d0: {  	s11 =	smul.f32 s5, s17;
	_ =	sdelay $0x1  }
0x2d1: {  	s25 =	spop (v2sf);
	s30 =	smul.f32 s5, s11  }
0x2d2: {  	s11 =	smul.f32 $7.812500000e-03, s25  }
0x2d3: {  	[tilespmem:$0x1FA70] =	vst v24;
	v14 =	vmul.f32 s7, v8;
	v8 =	vld [tilespmem:$0x1FBA0]  }
0x2d4: {  	v12 =	vld [tilespmem:$0x1FC10];
	[tilespmem:$0x1FA80] =	vst v25;
	s28 =	smul.f32 s11, s11;
	s26 =	spop (v2sf)  }
0x2d5: {  	v27 =	vld [tilespmem:$0x1FFF0];
	[tilespmem:$0x1FA90] =	vst v21;
	s15 =	smul.f32 $7.812500000e-03, s26  }
0x2d6: {  	[tilespmem:$0x1FAD0] =	vst v28;
	v21 =	vld [tilespmem:$0x1FF00];
	v28 =	vmul.f32 s0, v44  }
0x2d7: {  	[tilespmem:$0x1FAA0] =	vst v22;
	v22 =	vld [tilespmem:$0x1FF10];
	v5 =	vadd.f32 v20, v5;
	s15 =	ssub.f32 s15, s28  }
0x2d8: {  	[tilespmem:$0x1FAB0] =	vst v46;
	s13 =	ssub.f32 $1.500000000e+00, s30;
	v44 =	vsub.f32 v28, v10;
	v28 =	vmul.f32 s7, v8;
	v8 =	vld [tilespmem:$0x1FBC0]  }
0x2d9: {  	[tilespmem:$0x1FAC0] =	vst v26;
	v25 =	vld [tilespmem:$0x1FF80];
	v5 =	vadd.f32 v23, v5;
	s30 =	sadd.f32 $9.999999960e-13, s15  }
0x2da: {  	[tilespmem:$0x1FB60] =	vst v20;
	v24 =	vld [tilespmem:$0x1FFA0];
	v61 =	vmul.f32 s0, v45;
	s12 =	smul.f32 s7, s12  }
0x2db: {  	[tilespmem:$0x1FB70] =	vst v23;
	v20 =	vld [tilespmem:$0x1FF50];
	v15 =	vmul.f32 s0, v51;
	v6 =	vmul.f32 s0, v41;
	v5 =	vadd.f32 v52, v5;
	s14 =	sshrl.u32 s30, $0x1;
	s15 =	smul.f32 $5.000000000e-01, s30  }
0x2dc: {  	[tilespmem:$0x1FBB0] =	vst v52;
	s5 =	smul.f32 s5, s13;
	v23 =	vld [tilespmem:$0x1FF20];
	v46 =	vsub.f32 v61, v10;
	v51 =	vmul.f32 s7, v56;
	v52 =	vmov s12;
	s0 =	ssub.s32 $0x5F3759DF, s14  }
0x2dd: {  	[tilespmem:$0x1FAE0] =	vst v16;
	v16 =	vld [tilespmem:$0x1FFB0];
	v61 =	vmul.f32 s7, v62;
	s13 =	smul.f32 s0, s15;
	v45 =	vmul.f32 s7, v8;
	v8 =	vsub.f32 v13, v52  }
0x2de: {  	[tilespmem:$0x1FB30] =	vst v19;
	v26 =	vld [tilespmem:$0x1FF30];
	s22 =	smul.f32 s5, s17;
	v54 =	vmul.f32 s7, v54;
	v56 =	vsub.f32 v51, v52  }
0x2df: {  	v19 =	vld [tilespmem:$0x1FF40];
	v61 =	vsub.f32 v61, v52;
	s23 =	smul.f32 s0, s13;
	[tilespmem:$0x1FC70] =	vst v8;
	v8 =	vsub.f32 v28, v52;
	v28 =	vmul.f32 s7, v50  }
0x2e0: {  	s25 =	smul.f32 s22, s5;
	v51 =	vsub.f32 v54, v52;
	v14 =	vsub.f32 v14, v52;
	v50 =	vmul.f32 v63, v20;
	v63 =	vld [tilespmem:$0x1FF90]  }
0x2e1: {  	s26 =	ssub.f32 $1.500000000e+00, s23;
	v62 =	vsub.f32 v45, v52;
	v40 =	vsub.f32 v28, v52;
	v52 =	vmul.f32 v2, v23;
	v2 =	vld [tilespmem:$0x1FBD0]  }
0x2e2: {  	s28 =	ssub.f32 $1.500000000e+00, s25;
	v54 =	vld [tilespmem:$0x1FC00]  }
0x2e3: {  	[tilespmem:$0x1FAF0] =	vst v17;
	v1 =	vmul.f32 v1, v21;
	v5 =	vadd.f32 v34, v5;
	s0 =	smul.f32 s0, s26;
	v13 =	vld [tilespmem:$0x1FC20]  }
0x2e4: {  	v3 =	vmul.f32 v3, v22;
	s5 =	smul.f32 s28, s5;
	v4 =	vadd.f32 v4, v27;
	[tilespmem:$0x1FC80] =	vst v8;
	v8 =	vld [tilespmem:$0x1FBF0];
	v28, _, _ =	vpop (xrf2)  }
0x2e5: {  	v1 =	vadd.f32 v1, v25;
	s7 =	smul.f32 s0, s15;
	s15 =	simm.s32 $0xC200;
	(xrf2) =	vadd.scan.msk.f32 $0xffff, v5;
	v5 =	vmul.f32 v43, v26;
	(v2sf) =	vpush v28, $0xF;
	v45, _, _ =	vpop (xrf2);
	v28 =	vld [tilespmem:$0x1FF60]  }
0x2e6: {  	v3 =	vadd.f32 v3, v63;
	(v2sf) =	vpush v45, $0xF;
	v45 =	vmul.f32 s5, v2;
	v2 =	vld [tilespmem:$0x1FBE0];
	[tilespmem:s15+$0xF0] =	vst v4  }
0x2e7: {  	v5 =	vadd.f32 v5, v16;
	v16 =	vld [tilespmem:$0x1FFC0];
	[tilespmem:s15+$0x80] =	vst v1  }
0x2e8: {  	v17 =	vld [tilespmem:$0x1FFD0];
	[tilespmem:s15+$0x90] =	vst v3  }
0x2e9: {  	v3 =	vld [tilespmem:$0x1FFE0];
	_ =	sdelay $0x2  }
0x2ea: {  	v0 =	vmul.f32 v0, v28  }
0x2eb: {  	s7 =	smul.f32 s7, s0  }
0x2ec: {  	v0 =	vadd.f32 v0, v3;
	v3 =	vld [tilespmem:$0x1FC30]  }
0x2ed: {  	s7 =	ssub.f32 $1.500000000e+00, s7  }
0x2ee: {  	v42 =	vmul.f32 v42, v19;
	v41 =	vadd.f32 v52, v24  }
0x2ef: {  	v15 =	vsub.f32 v15, v10;
	s0 =	smul.f32 s7, s0  }
0x2f0: {  	v42 =	vadd.f32 v42, v16;
	[tilespmem:s15+$0xA0] =	vst v41  }
0x2f1: {  	v1 =	vadd.f32 v50, v17;
	v50 =	vmul.f32 v15, v20;
	v15 =	vmul.f32 s0, v3;
	v3 =	vld [tilespmem:$0x1FC40];
	[tilespmem:s15+$0xB0] =	vst v5  }
0x2f2: {  	[tilespmem:s15+$0xC0] =	vst v42  }
0x2f3: {  	v6 =	vsub.f32 v6, v10;
	v10 =	vmul.f32 s5, v12;
	v5 =	vld [tilespmem:$0x1FC50]  }
0x2f4: {  	v12 =	vmul.f32 s5, v53;
	v53 =	vmul.f32 v7, v26;
	s1 =	smul.f32 s5, s1  }
0x2f5: {  	v63 =	vmul.f32 v49, v22;
	s30 =	smul.f32 s0, s11;
	v49 =	vmul.f32 v6, v28  }
0x2f6: {  	v43 =	vmov s1;
	v6 =	vmul.f32 s0, v48;
	v28 =	vmul.f32 s0, v3;
	v3, _, _ =	vpop (xrf2)  }
0x2f7: {  	v8 =	vmul.f32 s5, v8;
	(v2sf) =	vpush v3, $0xF;
	v3 =	vmov s30  }
0x2f8: {  	v2 =	vmul.f32 s5, v2;
	[tilespmem:s15+$0xD0] =	vst v1;
	v7 =	vmul.f32 s0, v5;
	v5 =	vsub.f32 v6, v3  }
0x2f9: {  	[tilespmem:s15+$0xE0] =	vst v0;
	v0 =	vsub.f32 v8, v43;
	v6 =	vmul.f32 s0, v58  }
0x2fa: {  	v8 =	vld [tilespmem:$0x1FC70];
	v58 =	vmul.f32 s0, v57;
	v57 =	vsub.f32 v2, v43;
	v2 =	vmul.f32 v5, v18;
	_ =	sdelay $0x1  }
0x2fb: {  	v2 =	vadd.f32 v2, v27  }
0x2fc: {  	s12 =	simm.s32 $0xC400;
	v9 =	vmul.f32 s5, v54  }
0x2fd: {  	v11 =	vmul.f32 s5, v13;
	v13 =	vmul.f32 s5, v59;
	v5 =	vld [tilespmem:$0x1FC60];
	[tilespmem:s12+$0xF0] =	vst v2  }
0x2fe: {  	v59 =	vmul.f32 v44, v23;
	v44 =	vmul.f32 v8, v21;
	v8 =	vld [tilespmem:$0x1FC80]  }
0x2ff: {  	v54 =	vmul.f32 v47, v21;
	v52 =	vmul.f32 v46, v19;
	v47 =	vsub.f32 v10, v43  }
0x300: {  	v4 =	vmul.f32 s0, v55;
	v55 =	vsub.f32 v45, v43;
	v45 =	vsub.f32 v12, v43  }
0x301: {  	(xrf2) =	vadd.scan.msk.f32 $0xffff, v29;
	v48 =	vsub.f32 v11, v43;
	v41 =	vmul.f32 v60, v18;
	v60 =	vsub.f32 v13, v43  }
0x302: {  	v1 =	vsub.f32 v9, v43;
	(xrf2) =	vadd.scan.msk.f32 $0xffff, v30;
	v43 =	vmul.f32 v14, v22;
	v46 =	vsub.f32 v28, v3  }
0x303: {  	s21 =	sadd.s32 $0x4, s21;
	s11 =	simm.s32 $0x4;
	(xrf2) =	vadd.scan.msk.f32 $0xffff, v31;
	v2 =	vsub.f32 v15, v3;
	v5 =	vmul.f32 s0, v5;
	v42 =	vmul.f32 v8, v23  }
.LBB2_7:
0x304: {  	v31 =	vld [tilespmem:$0x1FF40]  }
0x305: {  	v30 =	vld [tilespmem:$0x1FF50]  }
0x306: {  	v29 =	vld [tilespmem:$0x1FF60]  }
0x307: {  	v18 =	vld [tilespmem:$0x1FF90]  }
0x308: {  	s0 =	smulhi.u32 $0x51EB851F, s21;
	v28 =	vld [tilespmem:$0x1FF70]  }
0x309: {  	v19 =	vld [tilespmem:$0x1FFB0];
	v4 =	vsub.f32 v4, v3;
	v7 =	vsub.f32 v7, v3  }
0x30a: {  	v27 =	vld [tilespmem:$0x1FFF0];
	v6 =	vsub.f32 v6, v3;
	v10 =	vsub.f32 v58, v3;
	s0 =	sshrl.u32 s0, $0x6  }
0x30b: {  	s19 =	sadd.s32 $0x200, s19;
	v20 =	vld [tilespmem:$0x1FFE0];
	v5 =	vsub.f32 v5, v3;
	s0 =	smul.u32 $0xFFFE7000, s0;
	v12 =	vadd.f32 v54, v25;
	v11 =	vmul.f32 v61, v30  }
0x30c: {  	v15 =	vld [tilespmem:s19+$0x80];
	v13 =	vmul.f32 v51, v29;
	v54 =	vadd.f32 v63, v18;
	v61 =	vmul.f32 v1, v26  }
0x30d: {  	s20 =	sadd.s32 $0x200, s20;
	s0 =	sshra.s32 s0, $0x2;
	v1 =	vld [tilespmem:s19+$0x90];
	v51 =	vadd.f32 v59, v24;
	v58 =	vmul.f32 v47, v31;
	v59 =	vmul.f32 v48, v30;
	v8, _, _ =	vpop (xrf2)  }
0x30e: {  	v63 =	vld [tilespmem:s19+$0xA0];
	v48 =	vmul.f32 v5, v29;
	s22 =	sadd.s32 s0, s20;
	(v2sf) =	vpush v8, $0xF;
	v8 =	vmul.f32 v56, v31  }
0x30f: {  	v5 =	vadd.f32 v41, v27;
	[tilespmem:s15+$0xFFFFFF00] =	vst v12;
	v47 =	vld [tilespmem:s22+$0xFFFFFF90];
	v56 =	vmul.f32 v60, v28;
	v60 =	vmul.f32 v2, v21  }
0x310: {  	v3, _, _ =	vpop (xrf2);
	[tilespmem:s15+$0xFFFFFF10] =	vst v54;
	v12 =	vld [tilespmem:s22+$0xFFFFFFA0];
	v2 =	vadd.f32 v53, v19;
	v54 =	vmul.f32 v4, v23;
	v53 =	vmul.f32 v7, v26  }
0x311: {  	v4 =	vadd.f32 v52, v16;
	v7 =	vld [tilespmem:s22+$0xFFFFFFB0];
	[tilespmem:s15+$0xFFFFFF70] =	vst v5;
	(v2sf) =	vpush v3, $0xF;
	v3 =	vmul.f32 v55, v21;
	v55, _, _ =	vpop (xrf2)  }
0x312: {  	v52 =	vmul.f32 v6, v31;
	v6 =	vld [tilespmem:s19+$0xB0];
	v5 =	vadd.f32 v42, v24;
	s17 =	spop (v2sf);
	(v2sf) =	vpush v55, $0xF;
	[tilespmem:s15+$0xFFFFFF30] =	vst v2  }
0x313: {  	v2 =	vadd.f32 v50, v17;
	[tilespmem:s15+$0xFFFFFF40] =	vst v4;
	v4 =	vadd.f32 v49, v20;
	v50 =	vld [tilespmem:s22+$0xFFFFFFC0]  }
0x314: {  	v43 =	vadd.f32 v43, v18;
	[tilespmem:s15+$0xFFFFFFA0] =	vst v5;
	v5 =	vld [tilespmem:s22+$0xFFFFFFF0]  }
0x315: {  	v14 =	vmul.f32 v40, v28;
	[tilespmem:s15+$0xFFFFFF60] =	vst v4;
	v4 =	vld [tilespmem:s22+$0xFFFFFFD0];
	v40 =	vadd.f32 v47, v15;
	v41 =	vadd.f32 v12, v1  }
0x316: {  	v8 =	vadd.f32 v8, v16;
	[tilespmem:s15+$0xFFFFFF50] =	vst v2;
	v2 =	vadd.f32 v44, v25;
	v1 =	vld [tilespmem:s19+$0xC0]  }
0x317: {  	v9 =	vmul.f32 v62, v26;
	[tilespmem:s15+$0xFFFFFF90] =	vst v43;
	v42 =	vadd.f32 v7, v63;
	v7 =	vld [tilespmem:s19+$0xD0];
	v12 =	vadd.f32 v41, v40  }
0x318: {  	[tilespmem:s15+$0xFFFFFF80] =	vst v2;
	v2 =	vld [tilespmem:s22+$0xFFFFFFE0];
	v15 =	vmul.f32 v40, v40;
	v63 =	vmul.f32 v41, v41  }
0x319: {  	v62 =	vmul.f32 v57, v22;
	[tilespmem:s15+$0xFFFFFFC0] =	vst v8;
	v8 =	vld [tilespmem:s22+$0x0];
	v43 =	vadd.f32 v50, v6;
	v49 =	vadd.f32 v42, v12  }
0x31a: {  	s17 =	smul.f32 $7.812500000e-03, s17;
	v6 =	vld [tilespmem:s19+$0xE0];
	v50 =	vadd.f32 v63, v15;
	v15 =	vmul.f32 v42, v42;
	v63 =	vadd.f32 v11, v17  }
0x31b: {  	[tilespmem:s15+$0xFFFFFF20] =	vst v51;
	v51 =	vmul.f32 v10, v30;
	s1 =	spop (v2sf);
	v44 =	vadd.f32 v4, v1;
	v1 =	vld [tilespmem:s19+$0xF0];
	v4 =	vadd.f32 v43, v49  }
0x31c: {  	s0 =	smul.f32 s17, s17;
	s7 =	spop (v2sf);
	v10 =	vadd.f32 v15, v50;
	v49 =	vmul.f32 v43, v43;
	[tilespmem:s15+$0xFFFFFFD0] =	vst v63;
	v50 =	vadd.f32 v13, v20;
	v63 =	vld [tilespmem:s22+$0xFFFFFE10]  }
0x31d: {  	v57 =	vmul.f32 v45, v29;
	s1 =	smul.f32 $7.812500000e-03, s1;
	v45 =	vadd.f32 v2, v7;
	v2 =	vadd.f32 v44, v4;
	v4 =	vld [tilespmem:s22+$0xFFFFFE20];
	s8 =	spop (v2sf)  }
0x31e: {  	v9 =	vadd.f32 v9, v19;
	v7 =	vadd.f32 v49, v10;
	v49 =	vld [tilespmem:s22+$0xFFFFFF10];
	s8 =	smul.f32 $7.812500000e-03, s8  }
0x31f: {  	s5 =	smul.f32 s1, s1;
	[tilespmem:s15+$0xFFFFFFE0] =	vst v50;
	v50 =	vld [tilespmem:s19+$0xFFFFFF10]  }
0x320: {  	[tilespmem:s15+$0xFFFFFFB0] =	vst v9;
	v10 =	vld [tilespmem:s22+$0xFFFFFE30];
	s23 =	spop (v2sf);
	s0 =	ssub.f32 s8, s0  }
0x321: {  	v14 =	vadd.f32 v14, v27;
	v11 =	vld [tilespmem:s22+$0xFFFFFE90];
	s8 =	smul.f32 $7.812500000e-03, s23  }
0x322: {  	v0 =	vmul.f32 v0, v23;
	v55 =	vmul.f32 v46, v22;
	v46 =	vadd.f32 v5, v6;
	v5 =	vld [tilespmem:s22+$0xFFFFFEA0];
	s26 =	spop (v2sf);
	s0 =	sadd.f32 $9.999999960e-13, s0  }
0x323: {  	v54 =	vadd.f32 v54, v24;
	v3 =	vadd.f32 v3, v25;
	v13 =	vmul.f32 v44, v44;
	[tilespmem:s15+$0xFFFFFFF0] =	vst v14;
	v14 =	vld [tilespmem:s19+$0xFFFFFF20];
	s5 =	ssub.f32 s8, s5;
	s8 =	smul.f32 $7.812500000e-03, s26  }
0x324: {  	v2 =	vadd.f32 v45, v2;
	v47 =	vadd.f32 v8, v1;
	v8 =	vld [tilespmem:s19+$0xFFFFFF00];
	s13 =	sshrl.u32 s0, $0x1;
	s26 =	smul.f32 $5.000000000e-01, s0  }
0x325: {  	v0 =	vadd.f32 v0, v24;
	[tilespmem:s12+$0xA0] =	vst v54;
	v6 =	vadd.f32 v13, v7;
	v7 =	vmul.f32 v45, v45;
	v54 =	vld [tilespmem:s19+$0xFFFFFFB0];
	s28 =	sadd.f32 $9.999999960e-13, s5;
	s5 =	ssub.s32 $0x5F3759DF, s13  }
0x326: {  	v1 =	vadd.f32 v46, v2;
	v2 =	vld [tilespmem:s22+$0xFFFFFF20];
	[tilespmem:s15+$0x0] =	vst v3;
	v3 =	vadd.f32 v62, v18;
	s13 =	smul.f32 s5, s26  }
0x327: {  	v6 =	vadd.f32 v7, v6;
	v7 =	vmul.f32 v46, v46;
	[tilespmem:s15+$0x20] =	vst v0;
	v0 =	vadd.f32 v58, v16;
	v62 =	vld [tilespmem:s19+$0xFFFFFF90]  }
0x328: {  	v58 =	vadd.f32 v53, v19;
	v53 =	vld [tilespmem:s19+$0xFFFFFF30];
	[tilespmem:s15+$0x10] =	vst v3;
	v3 =	vadd.f32 v61, v19;
	s0 =	smul.f32 s5, s13  }
0x329: {  	v4 =	vadd.f32 v4, v50;
	v6 =	vadd.f32 v7, v6;
	v7 =	vmul.f32 v47, v47;
	v61 =	vld [tilespmem:s19+$0xFFFFFF80]  }
0x32a: {  	v1 =	vadd.f32 v47, v1;
	v19 =	vld [tilespmem:$0x1FAF0];
	v8 =	vadd.f32 v63, v8;
	[tilespmem:s15+$0x30] =	vst v3;
	s0 =	ssub.f32 $1.500000000e+00, s0  }
0x32b: {  	v6 =	vadd.f32 v7, v6;
	v3 =	vadd.f32 v57, v20;
	v7 =	vld [tilespmem:s19+$0x0];
	[tilespmem:s15+$0x40] =	vst v0  }
0x32c: {  	(xrf2) =	vadd.scan.msk.f32 $0xffff, v1;
	v1 =	vadd.f32 v59, v17;
	v59 =	vmul.f32 v4, v4;
	v0 =	vadd.f32 v56, v27;
	v63 =	vld [tilespmem:s19+$0x10];
	s5 =	smul.f32 s5, s0  }
0x32d: {  	v57 =	vmul.f32 v8, v8;
	[tilespmem:s15+$0x60] =	vst v3;
	v3 =	vadd.f32 v5, v62;
	v62 =	vadd.f32 v51, v17;
	v51 =	vld [tilespmem:s22+$0xFFFFFE40]  }
0x32e: {  	(xrf2) =	vadd.scan.msk.f32 $0xffff, v6;
	v6 =	vadd.f32 v55, v18;
	[tilespmem:s15+$0x50] =	vst v1;
	v1 =	vadd.f32 v11, v61;
	v11 =	vld [tilespmem:s22+$0xFFFFFEB0];
	s26 =	smul.f32 s5, s26  }
0x32f: {  	[tilespmem:s15+$0x70] =	vst v0;
	v12 =	vadd.f32 v59, v57;
	v59 =	vadd.f32 v48, v20;
	v20 =	vld [tilespmem:$0x1FAE0]  }
0x330: {  	v5 =	vld [tilespmem:s22+$0xFFFFFF30];
	s0 =	smul.f32 s26, s5  }
0x331: {  	[tilespmem:s12+$0x90] =	vst v6;
	v6 =	vadd.f32 v52, v16;
	v16 =	vld [tilespmem:$0x1FA80]  }
0x332: {  	v10 =	vadd.f32 v10, v14;
	v14 =	vld [tilespmem:s22+$0xFFFFFF40];
	s0 =	ssub.f32 $1.500000000e+00, s0  }
0x333: {  	s25 =	smul.f32 $7.812500000e-03, s7;
	v15 =	vadd.f32 v60, v25;
	v49 =	vadd.f32 v49, v7;
	v7 =	vld [tilespmem:s19+$0xFFFFFFA0]  }
0x334: {  	[tilespmem:s12+$0xE0] =	vst v59;
	v59 =	vld [tilespmem:s22+$0xFFFFFF50];
	s0 =	smul.f32 s0, s5  }
0x335: {  	[tilespmem:s12+$0x80] =	vst v15;
	v15 =	vmul.f32 v1, v1;
	v9 =	vadd.f32 v3, v1;
	v17 =	vmov v1;
	v1 =	vld [tilespmem:$0x1FAA0]  }
0x336: {  	s7 =	smul.f32 s25, s25;
	v50 =	vadd.f32 v2, v63;
	v2 =	vld [tilespmem:s19+$0x20];
	v52 =	vmul.f32 s0, v16;
	v16 =	vmov v8  }
0x337: {  	[tilespmem:$0x1FA80] =	vst v16;
	v16 =	vld [tilespmem:$0x1FA70]  }
0x338: {  	s8 =	ssub.f32 s8, s7;
	v60 =	vmul.f32 v3, v3;
	[tilespmem:s12+$0xC0] =	vst v6;
	v6 =	vld [tilespmem:s22+$0xFFFFFEC0];
	v7 =	vadd.f32 v11, v7  }
0x339: {  	s30 =	sshrl.u32 s28, $0x1;
	s28 =	smul.f32 $5.000000000e-01, s28;
	[tilespmem:s12+$0xD0] =	vst v62;
	v61 =	vmul.f32 v49, v49;
	v24 =	vmovc v49;
	v63 =	vadd.f32 v50, v49;
	v21 =	vmov v50;
	v49 =	vld [tilespmem:s19+$0xFFFFFFF0]  }
0x33a: {  	s8 =	sadd.f32 $9.999999960e-13, s8;
	s7 =	ssub.s32 $0x5F3759DF, s30;
	v15 =	vadd.f32 v60, v15;
	[tilespmem:$0x1FAE0] =	vst v21;
	v21 =	vld [tilespmem:$0x1FB10];
	v62 =	vmul.f32 v7, v7  }
0x33b: {  	s23 =	smul.f32 s7, s28;
	v57 =	vmul.f32 v50, v50;
	v11 =	vld [tilespmem:s19+$0x30];
	v2 =	vadd.f32 v5, v2;
	v5 =	vadd.f32 v7, v9  }
0x33c: {  	s14 =	sshrl.u32 s8, $0x1;
	s30 =	smul.f32 $5.000000000e-01, s8;
	v9 =	vadd.f32 v62, v15;
	v15 =	vadd.f32 v51, v53;
	v51 =	vmul.f32 s0, v16;
	v16 =	vld [tilespmem:$0x1FAB0]  }
0x33d: {  	[tilespmem:s12+$0xB0] =	vst v58;
	s8 =	ssub.s32 $0x5F3759DF, s14;
	s13 =	smul.f32 s7, s23;
	v58, _, _ =	vpop (xrf2);
	v48 =	vadd.f32 v57, v61;
	v57 =	vld [tilespmem:s22+$0xFFFFFE50]  }
0x33e: {  	s14 =	smul.f32 s8, s30;
	(v2sf) =	vpush v58, $0xF;
	v61 =	vmul.f32 v10, v10;
	v58 =	vld [tilespmem:s22+$0xFFFFFED0]  }
0x33f: {  	s13 =	ssub.f32 $1.500000000e+00, s13;
	v6 =	vadd.f32 v6, v54;
	v54 =	vld [tilespmem:s19+$0x40];
	v13 =	vadd.f32 v2, v63;
	v63 =	vmul.f32 v2, v2  }
0x340: {  	v0 =	vadd.f32 v4, v8;
	s14 =	smul.f32 s8, s14;
	v60, _, _ =	vpop (xrf2);
	v12 =	vadd.f32 v61, v12;
	v61 =	vld [tilespmem:s22+$0xFFFFFEE0]  }
0x341: {  	s7 =	smul.f32 s7, s13;
	(v2sf) =	vpush v60, $0xF;
	v60 =	vadd.f32 v63, v48;
	v8 =	vld [tilespmem:s19+$0xFFFFFF40];
	v48 =	vmul.f32 s0, v16;
	v16 =	vmovc v4  }
0x342: {  	s23 =	ssub.f32 $1.500000000e+00, s14;
	[tilespmem:$0x1FA70] =	vst v16;
	v16 =	vld [tilespmem:$0x1FAD0]  }
0x343: {  	s28 =	smul.f32 s7, s28;
	v22 =	vmov v2;
	v2 =	vld [tilespmem:s19+$0xFFFFFF70]  }
0x344: {  	s13 =	smul.f32 s8, s23;
	v62 =	vld [tilespmem:s19+$0x50]  }
0x345: {  	v0 =	vadd.f32 v10, v0;
	s8 =	smul.f32 s28, s7;
	v4 =	vmov v10;
	v10 =	vld [tilespmem:s19+$0xFFFFFFC0]  }
0x346: {  	s30 =	smul.f32 s13, s30;
	v5 =	vadd.f32 v6, v5;
	[tilespmem:$0x1FB10] =	vst v22;
	v22 =	vld [tilespmem:$0x1FB60];
	v11 =	vadd.f32 v14, v11  }
0x347: {  	s8 =	ssub.f32 $1.500000000e+00, s8;
	v56 =	vmul.f32 s0, v32;
	v32 =	vadd.f32 v57, v8;
	v8 =	vld [tilespmem:s22+$0xFFFFFF60];
	[tilespmem:$0x1FAB0] =	vst v4;
	v53 =	vmul.f32 s0, v16;
	v16 =	vmovc v15  }
0x348: {  	v14 =	vmul.f32 v6, v6;
	s14 =	smul.f32 s30, s13;
	v4 =	vadd.f32 v15, v0;
	v0 =	vmul.f32 v15, v15;
	[tilespmem:$0x1FAD0] =	vst v16;
	v16 =	vld [tilespmem:$0x1FA90]  }
0x349: {  	v54 =	vadd.f32 v59, v54;
	v13 =	vadd.f32 v11, v13;
	s23 =	smul.f32 s8, s7;
	v55 =	vmul.f32 s0, v36;
	v36 =	vld [tilespmem:s19+$0xFFFFFF50]  }
0x34a: {  	v12 =	vadd.f32 v0, v12;
	v0 =	vmul.f32 v11, v11;
	v10 =	vadd.f32 v58, v10;
	v15 =	vld [tilespmem:s22+$0xFFFFFE60]  }
0x34b: {  	v9 =	vadd.f32 v14, v9;
	s14 =	ssub.f32 $1.500000000e+00, s14;
	v1 =	vmul.f32 s23, v1;
	v57 =	vmul.f32 s0, v39;
	v39 =	vld [tilespmem:s19+$0xFFFFFFD0]  }
0x34c: {  	v63 =	vld [tilespmem:s22+$0xFFFFFE70];
	v14 =	vadd.f32 v0, v60;
	v0 =	vmul.f32 s0, v37;
	v59 =	vmul.f32 v10, v10  }
0x34d: {  	s26 =	smul.f32 s14, s13;
	s7 =	spop (v2sf);
	v8 =	vadd.f32 v8, v62;
	v37 =	vmul.f32 v32, v32;
	v58 =	vmul.f32 s23, v16;
	v16 =	vmovc v3;
	v3 =	vld [tilespmem:$0x1FAC0]  }
0x34e: {  	v18 =	vmul.f32 s23, v38;
	s8 =	smul.f32 $7.812500000e-03, s7;
	[tilespmem:$0x1FA90] =	vst v17;
	v5 =	vadd.f32 v10, v5;
	v17 =	vmovc v7;
	v9 =	vadd.f32 v59, v9;
	v59 =	vld [tilespmem:$0x1FB20]  }
0x34f: {  	s17 =	smul.f32 s0, s17;
	v19 =	vmul.f32 s26, v19;
	v12 =	vadd.f32 v37, v12;
	v36 =	vadd.f32 v15, v36;
	v15 =	vmovc v10;
	v10 =	vld [tilespmem:s19+$0xFFFFFF60];
	[tilespmem:$0x1FAC0] =	vst v17  }
0x350: {  	s13 =	spop (v2sf);
	s14 =	smul.f32 s8, s8;
	v37 =	vmul.f32 v54, v54;
	[tilespmem:$0x1FB20] =	vst v15;
	v15 =	vmul.f32 s23, v33;
	v33 =	vadd.f32 v61, v39;
	v39 =	vld [tilespmem:s19+$0xFFFFFFE0]  }
0x351: {  	v4 =	vadd.f32 v32, v4;
	s0 =	smul.f32 $7.812500000e-03, s13;
	v17 =	vmul.f32 s23, v35;
	v35 =	vmul.f32 v8, v8;
	[tilespmem:$0x1FAA0] =	vst v16;
	v16 =	vld [tilespmem:s22+$0xFFFFFEF0]  }
0x352: {  	v13 =	vadd.f32 v54, v13;
	v7 =	vmovc v6;
	v61 =	vmul.f32 v36, v36;
	v60 =	vmul.f32 s23, v3;
	v3 =	vld [tilespmem:$0x1FB00]  }
0x353: {  	v6 =	vld [tilespmem:s22+$0xFFFFFF70];
	s0 =	ssub.f32 s0, s14;
	v4 =	vadd.f32 v36, v4;
	[tilespmem:$0x1FB00] =	vst v7;
	v7 =	vadd.f32 v37, v14;
	v37 =	vmul.f32 v33, v33  }
0x354: {  	v5 =	vadd.f32 v33, v5;
	v12 =	vadd.f32 v61, v12;
	v14 =	vmul.f32 s23, v59;
	v59 =	vld [tilespmem:s19+$0x60]  }
0x355: {  	v38 =	vld [tilespmem:s22+$0xFFFFFE80];
	v20 =	vmul.f32 s26, v20;
	s0 =	sadd.f32 $9.999999960e-13, s0;
	v9 =	vadd.f32 v37, v9;
	v37 =	vadd.f32 v63, v10  }
0x356: {  	s1 =	smul.f32 s23, s1;
	v21 =	vmul.f32 s26, v21;
	v61 =	vld [tilespmem:s22+$0xFFFFFF00];
	v7 =	vadd.f32 v35, v7;
	v35 =	vadd.f32 v16, v39  }
0x357: {  	[tilespmem:$0x1FAF0] =	vst v24;
	v50 =	vmovc v54;
	v62 =	vld [tilespmem:s19+$0x70];
	v13 =	vadd.f32 v8, v13;
	v54 =	vmul.f32 v37, v37;
	v3 =	vmul.f32 s23, v3;
	s23 =	sshrl.u32 s0, $0x1;
	s0 =	smul.f32 $5.000000000e-01, s0  }
0x358: {  	v23 =	vmovc v11;
	s25 =	smul.f32 s26, s25;
	v10 =	vld [tilespmem:s22+$0xFFFFFF80];
	v4 =	vadd.f32 v37, v4;
	v5 =	vadd.f32 v35, v5;
	v39 =	vmul.f32 v35, v35;
	s5 =	ssub.s32 $0x5F3759DF, s23  }
0x359: {  	v22 =	vmul.f32 s26, v22;
	v24 =	vmovc v8;
	v16 =	vld [tilespmem:$0x1FB30];
	[tilespmem:$0x1FB30] =	vst v23;
	v6 =	vadd.f32 v6, v59;
	v8 =	vadd.f32 v54, v12;
	s30 =	smul.f32 s5, s0  }
0x35a: {  	v23 =	vld [tilespmem:$0x1FB70];
	[tilespmem:$0x1FB70] =	vst v24;
	v24 =	vmul.f32 s26, v34;
	v9 =	vadd.f32 v39, v9;
	v39 =	vadd.f32 v38, v2  }
0x35b: {  	v38 =	vadd.f32 v61, v49;
	v12 =	vmov s25;
	v11 =	vadd.f32 v6, v13;
	s7 =	smul.f32 s5, s30  }
0x35c: {  	v63 =	vmul.f32 v6, v6;
	v25 =	vmovc v6;
	v6 =	vmov s17;
	v4 =	vadd.f32 v39, v4  }
0x35d: {  	v54 =	vld [tilespmem:$0x1FBB0];
	v34 =	vadd.f32 v10, v62;
	[tilespmem:$0x1FBB0] =	vst v25;
	v59 =	vmul.f32 v39, v39;
	v5 =	vadd.f32 v38, v5;
	s7 =	ssub.f32 $1.500000000e+00, s7  }
0x35e: {  	v61 =	vmul.f32 v38, v38;
	v62 =	vsub.f32 v52, v6;
	v25 =	vld [tilespmem:$0x1FF20];
	v0 =	vsub.f32 v0, v6;
	(xrf2) =	vadd.scan.msk.f32 $0xffff, v4  }
0x35f: {  	v23 =	vmul.f32 s26, v23;
	v2 =	vadd.f32 v63, v7;
	v11 =	vadd.f32 v34, v11;
	v4 =	vld [tilespmem:$0x1FF00];
	s5 =	smul.f32 s5, s7  }
0x360: {  	v7 =	vmov s1;
	v8 =	vadd.f32 v59, v8;
	v9 =	vadd.f32 v61, v9  }
0x361: {  	v63 =	vmul.f32 v34, v34;
	v59 =	vsub.f32 v48, v6;
	v48 =	vsub.f32 v57, v6;
	(xrf2) =	vadd.scan.msk.f32 $0xffff, v5;
	v5 =	vld [tilespmem:$0x1FF10];
	s0 =	smul.f32 s5, s0  }
0x362: {  	v61 =	vsub.f32 v15, v7;
	v57 =	vsub.f32 v20, v12;
	v13 =	vmul.f32 s26, v54  }
0x363: {  	v2 =	vadd.f32 v63, v2;
	(xrf2) =	vadd.scan.msk.f32 $0xffff, v11;
	v11 =	vsub.f32 v1, v7;
	v59 =	vmul.f32 v59, v25;
	s0 =	smul.f32 s0, s5  }
0x364: {  	v25 =	vsub.f32 v58, v7;
	v54 =	vmul.f32 v62, v4;
	v4 =	vsub.f32 v51, v6  }
0x365: {  	v49 =	vmul.f32 v0, v29;
	v62 =	vsub.f32 v55, v6;
	v51 =	vsub.f32 v17, v7;
	s0 =	ssub.f32 $1.500000000e+00, s0  }
0x366: {  	v63 =	vmul.f32 v4, v5;
	v4 =	vsub.f32 v53, v6;
	v5 =	vsub.f32 v56, v6  }
0x367: {  	[tilespmem:$0x1FB60] =	vst v50;
	v55 =	vsub.f32 v19, v12;
	v50 =	vmul.f32 v62, v30;
	v62 =	vsub.f32 v3, v7;
	s0 =	smul.f32 s0, s5  }
0x368: {  	v56 =	vsub.f32 v14, v7;
	v53 =	vmul.f32 v4, v26;
	v52 =	vmul.f32 v5, v31;
	v1, _, _ =	vpop (xrf2)  }
0x369: {  	v26 =	vsub.f32 v60, v7;
	(v2sf) =	vpush v1, $0xF;
	s1 =	smul.f32 s0, s8;
	v30 =	vmul.f32 s0, v40  }
0x36a: {  	v31 =	vmul.f32 s0, v41;
	v40 =	vsub.f32 v18, v7;
	v0 =	vmul.f32 s0, v47  }
0x36b: {  	v41 =	vmul.f32 v48, v28;
	v48 =	vsub.f32 v23, v12;
	v23 =	vld [tilespmem:$0x1FF20];
	v3 =	vmov s1  }
0x36c: {  	s11 =	sadd.s32 $0x4, s11;
	v16 =	vmul.f32 s26, v16;
	v47 =	vsub.f32 v22, v12;
	v22 =	vld [tilespmem:$0x1FF10];
	v1 =	vsub.f32 v0, v3  }
0x36d: {  	p0 =	slt.u32 s11, $0x7C;
	(xrf2) =	vadd.scan.msk.f32 $0xffff, v8;
	v8, _, _ =	vpop (xrf2);
	v4 =	vmul.f32 s0, v42;
	v7 =	vmul.f32 s0, v43;
	v0 =	vsub.f32 v21, v12;
	v21 =	vld [tilespmem:$0x1FF00]  }
.Ltmp2:
0x36e: {  	v17 =	vld [tilespmem:$0x1FFD0];
	(xrf2) =	vadd.scan.msk.f32 $0xffff, v9;
	(v2sf) =	vpush v8, $0xF;
	v6 =	vmul.f32 s0, v44;
	v60 =	vmul.f32 v1, v28;
	(pc) =	sbr.rel @p0 .LBB2_7-.Ltmp2, $4  }
0x36f: {  	(xrf2) =	vadd.scan.msk.f32 $0xffff, v2;
	v2, _, _ =	vpop (xrf2);
	v58 =	vmul.f32 s0, v45;
	v45 =	vsub.f32 v13, v12;
	v1 =	vsub.f32 v16, v12;
	v16 =	vld [tilespmem:$0x1FFC0]  }
0x370: {  	(v2sf) =	vpush v2, $0xF;
	v42 =	vmul.f32 v26, v23;
	v26 =	vld [tilespmem:$0x1FF30];
	v8 =	vadd.f32 v60, v27  }
0x371: {  	s15 =	smov.u32 s12;
	s12 =	sadd.s32 $0x200, s12;
	v5 =	vmul.f32 s0, v46;
	v2 =	vsub.f32 v30, v3;
	v60 =	vsub.f32 v24, v12;
	v24 =	vld [tilespmem:$0x1FFA0]  }
0x372: {  	s21 =	sadd.s32 $0x4, s21;
	v46 =	vsub.f32 v31, v3;
	v43 =	vmul.f32 v11, v22;
	v44 =	vmul.f32 v25, v21;
	v25 =	vld [tilespmem:$0x1FF80];
	[tilespmem:s12+$0xF0] =	vst v8  }
0x373: {  	_ = 	snop  }
0x374: {  	v27 =	vld [tilespmem:$0x1FF90];
	_ =	sdelay $0x2  }
0x375: {  	v8, _, _ =	vpop (xrf2)  }
0x376: {  	(v2sf) =	vpush v8, $0xF;
	v8, _, _ =	vpop (xrf2)  }
0x377: {  	v9 =	vadd.f32 v63, v27;
	(v2sf) =	vpush v8, $0xF;
	v8, _, _ =	vpop (xrf2)  }
0x378: {  	s0 =	spop (v2sf);
	(v2sf) =	vpush v8, $0xF;
	v8 =	vadd.f32 v54, v25  }
0x379: {  	[tilespmem:s15+$0xFFFFFF10] =	vst v9  }
0x37a: {  	[tilespmem:s15+$0xFFFFFF00] =	vst v8  }
0x37b: {  	v54 =	vld [tilespmem:$0x1FFB0];
	_ =	sdelay $0x3  }
0x37c: {  	v8 =	vadd.f32 v59, v24  }
0x37d: {  	v10 =	vadd.f32 v53, v54  }
0x37e: {  	[tilespmem:s15+$0xFFFFFF20] =	vst v8  }
0x37f: {  	v8 =	vadd.f32 v52, v16;
	[tilespmem:s15+$0xFFFFFF30] =	vst v10  }
0x380: {  	v28 =	vld [tilespmem:$0x1FF40]  }
0x381: {  	v30 =	vld [tilespmem:$0x1FF50];
	[tilespmem:s15+$0xFFFFFF40] =	vst v8  }
0x382: {  	v12 =	vadd.f32 v50, v17;
	v50 =	vld [tilespmem:$0x1FF70];
	_ =	sdelay $0x2  }
0x383: {  	s17 =	smul.f32 $7.812500000e-03, s0;
	s19 =	spop (v2sf)  }
0x384: {  	s11 =	smul.f32 $7.812500000e-03, s19;
	v29 =	vld [tilespmem:$0x1FF60]  }
0x385: {  	s1 =	smul.f32 s17, s17;
	s5 =	spop (v2sf);
	v13 =	vmul.f32 v40, v50;
	v40 =	vld [tilespmem:$0x1FFE0];
	[tilespmem:s15+$0xFFFFFF50] =	vst v12  }
0x386: {  	s7 =	smul.f32 s11, s11;
	s20 =	spop (v2sf);
	v31 =	vld [tilespmem:$0x1FFF0]  }
0x387: {  	s0 =	smul.f32 $7.812500000e-03, s20;
	s21 =	spop (v2sf)  }
0x388: {  	s8 =	smul.f32 $7.812500000e-03, s21  }
0x389: {  	v18 =	vadd.f32 v43, v27;
	s0 =	ssub.f32 s0, s1  }
0x38a: {  	s22 =	ssub.f32 s8, s7;
	v14 =	vadd.f32 v49, v40  }
0x38b: {  	s0 =	sadd.f32 $9.999999960e-13, s0;
	[tilespmem:s15+$0xFFFFFF90] =	vst v18;
	v16 =	vadd.f32 v41, v31  }
0x38c: {  	s1 =	smul.f32 $7.812500000e-03, s5;
	s5 =	sadd.f32 $9.999999960e-13, s22;
	[tilespmem:s15+$0xFFFFFF60] =	vst v14;
	v14 =	vadd.f32 v44, v25  }
0x38d: {  	v20 =	vadd.f32 v42, v24;
	s23 =	sshrl.u32 s0, $0x1;
	s0 =	smul.f32 $5.000000000e-01, s0;
	[tilespmem:s15+$0xFFFFFF70] =	vst v16  }
0x38e: {  	s7 =	ssub.s32 $0x5F3759DF, s23;
	s14 =	sshrl.u32 s5, $0x1;
	s5 =	smul.f32 $5.000000000e-01, s5;
	[tilespmem:s15+$0xFFFFFF80] =	vst v14  }
0x38f: {  	s13 =	smul.f32 s7, s0;
	s14 =	ssub.s32 $0x5F3759DF, s14;
	v18 =	vld [tilespmem:$0x1FFC0];
	[tilespmem:s15+$0xFFFFFFA0] =	vst v20  }
0x390: {  	s20 =	smul.f32 s14, s5;
	v20 =	vld [tilespmem:$0x1FFD0]  }
0x391: {  	v59 =	vmul.f32 v62, v26;
	s13 =	smul.f32 s7, s13  }
0x392: {  	v9 =	vsub.f32 v58, v3;
	v10 =	vmul.f32 v56, v28;
	s20 =	smul.f32 s14, s20  }
0x393: {  	v58 =	vsub.f32 v5, v3;
	v5 =	vadd.f32 v59, v54;
	v11 =	vmul.f32 v61, v30;
	s13 =	ssub.f32 $1.500000000e+00, s13  }
0x394: {  	v8 =	vmul.f32 v51, v29;
	s26 =	ssub.f32 $1.500000000e+00, s20;
	v10 =	vadd.f32 v10, v18  }
0x395: {  	s7 =	smul.f32 s7, s13;
	[tilespmem:s15+$0xFFFFFFB0] =	vst v5;
	v11 =	vadd.f32 v11, v20  }
0x396: {  	v12 =	vmul.f32 v55, v21;
	v8 =	vadd.f32 v8, v40;
	s13 =	smul.f32 s14, s26;
	[tilespmem:s15+$0xFFFFFFC0] =	vst v10  }
0x397: {  	v4 =	vsub.f32 v4, v3;
	v15 =	vmul.f32 v57, v22;
	v62 =	vadd.f32 v13, v31;
	[tilespmem:s15+$0xFFFFFFD0] =	vst v11  }
0x398: {  	v7 =	vsub.f32 v7, v3;
	v0 =	vmul.f32 v0, v23;
	v12 =	vadd.f32 v12, v25;
	s5 =	smul.f32 s13, s5;
	v11 =	vld [tilespmem:$0x1FFC0];
	[tilespmem:s15+$0xFFFFFFE0] =	vst v8  }
0x399: {  	v14 =	vmul.f32 v45, v29;
	s0 =	smul.f32 s7, s0;
	v10 =	vadd.f32 v15, v27;
	v8 =	vmul.f32 v9, v30;
	v9 =	vld [tilespmem:$0x1FFD0];
	[tilespmem:s15+$0xFFFFFFF0] =	vst v62  }
0x39a: {  	v6 =	vsub.f32 v6, v3;
	v2 =	vmul.f32 v2, v21;
	v1 =	vmul.f32 v1, v26;
	s5 =	smul.f32 s5, s13;
	[tilespmem:s15+$0x0] =	vst v12  }
0x39b: {  	v4 =	vmul.f32 v4, v23;
	v0 =	vadd.f32 v0, v24;
	s19 =	spop (v2sf);
	v13 =	vadd.f32 v14, v40;
	s0 =	smul.f32 s0, s7;
	v14 =	vld [tilespmem:$0x1FA80];
	[tilespmem:s15+$0x10] =	vst v10  }
0x39c: {  	v7 =	vmul.f32 v7, v26;
	v2 =	vadd.f32 v2, v25;
	s19 =	smul.f32 $7.812500000e-03, s19;
	v16 =	vmul.f32 v47, v28;
	s5 =	ssub.f32 $1.500000000e+00, s5;
	v10 =	vld [tilespmem:$0x1FA70]  }
0x39d: {  	v4 =	vadd.f32 v4, v24;
	v1 =	vadd.f32 v1, v54;
	v17 =	vmul.f32 v48, v30;
	s25 =	smul.f32 s1, s1;
	s0 =	ssub.f32 $1.500000000e+00, s0;
	v15 =	vld [tilespmem:$0x1FAB0];
	[tilespmem:s15+$0x20] =	vst v0  }
0x39e: {  	v7 =	vadd.f32 v7, v54;
	v3 =	vmul.f32 v58, v29;
	s5 =	smul.f32 s5, s13;
	v0 =	vld [tilespmem:$0x1FFC0];
	v11 =	vadd.f32 v16, v11  }
0x39f: {  	v61 =	vmul.f32 v46, v22;
	v19 =	vmul.f32 v60, v50;
	s0 =	smul.f32 s0, s7;
	v20 =	vld [tilespmem:$0x1FAD0];
	[tilespmem:s15+$0x30] =	vst v1;
	v9 =	vadd.f32 v17, v9  }
0x3a0: {  	v6 =	vmul.f32 v6, v28;
	v3 =	vadd.f32 v3, v40;
	v43 =	vmul.f32 s5, v33;
	v1 =	vld [tilespmem:$0x1FFD0];
	[tilespmem:s15+$0x40] =	vst v11  }
0x3a1: {  	s8 =	ssub.f32 s19, s25;
	v63 =	vadd.f32 v19, v31;
	s19 =	smul.f32 s0, s17;
	v44 =	vmul.f32 s5, v35;
	v11 =	vmul.f32 s0, v39;
	v39 =	vld [tilespmem:$0x1FA90];
	[tilespmem:s15+$0x50] =	vst v9  }
0x3a2: {  	v12 =	vadd.f32 v61, v27;
	v45 =	vmul.f32 s5, v38;
	v16 =	vmul.f32 s0, v32;
	v9 =	vld [tilespmem:$0x1FAA0]  }
0x3a3: {  	s8 =	sadd.f32 $9.999999960e-13, s8;
	v42 =	vmov s19;
	v17 =	vmul.f32 s0, v37;
	v14 =	vmul.f32 s0, v14;
	v41 =	vld [tilespmem:$0x1FAC0];
	[tilespmem:s15+$0x60] =	vst v13  }
0x3a4: {  	s21 =	smul.f32 s5, s11;
	v16 =	vsub.f32 v16, v42;
	v10 =	vmul.f32 s0, v10;
	v0 =	vadd.f32 v6, v0;
	v13 =	vld [tilespmem:$0x1FB00];
	[tilespmem:s15+$0x70] =	vst v63  }
0x3a5: {  	s28 =	smul.f32 $5.000000000e-01, s8;
	s8 =	sshrl.u32 s8, $0x1;
	v15 =	vmul.f32 s0, v15;
	v14 =	vsub.f32 v14, v42;
	v1 =	vadd.f32 v8, v1;
	v5 =	vld [tilespmem:$0x1FB20];
	[tilespmem:s12+$0x80] =	vst v2  }
0x3a6: {  	s8 =	ssub.s32 $0x5F3759DF, s8;
	v10 =	vsub.f32 v10, v42;
	[tilespmem:s12+$0x90] =	vst v12;
	v12 =	vsub.f32 v17, v42;
	v17 =	vmov s21  }
0x3a7: {  	s30 =	smul.f32 s8, s28;
	v15 =	vsub.f32 v15, v42;
	[tilespmem:s12+$0xA0] =	vst v4;
	v46 =	vmul.f32 v14, v21;
	v2 =	vsub.f32 v43, v17  }
0x3a8: {  	[tilespmem:s12+$0xB0] =	vst v7;
	v4 =	vsub.f32 v44, v17;
	v51 =	vsub.f32 v45, v17;
	v18 =	vmul.f32 s5, v39  }
0x3a9: {  	s7 =	smul.f32 s8, s30;
	[tilespmem:s12+$0xC0] =	vst v0;
	v7 =	vadd.f32 v46, v25;
	v9 =	vmul.f32 s5, v9;
	v19 =	vmul.f32 s5, v41  }
0x3aa: {  	[tilespmem:s12+$0xE0] =	vst v3;
	v13 =	vmul.f32 s5, v13;
	v18 =	vsub.f32 v18, v17;
	v5 =	vmul.f32 s5, v5  }
0x3ab: {  	s7 =	ssub.f32 $1.500000000e+00, s7;
	v6 =	vmul.f32 s0, v20;
	[tilespmem:s12+$0xD0] =	vst v1;
	v9 =	vsub.f32 v9, v17;
	v14 =	vsub.f32 v19, v17  }
0x3ac: {  	v47 =	vmul.f32 v10, v22;
	v10 =	vsub.f32 v13, v17;
	v5 =	vsub.f32 v5, v17;
	v17 =	vld [tilespmem:$0x1FFD0];
	[tilespmem:s12+$0xFFFFFF00] =	vst v7  }
0x3ad: {  	s20 =	smul.f32 s8, s7;
	v52 =	vmul.f32 v16, v28;
	v8 =	vmul.f32 s0, v36;
	v6 =	vsub.f32 v6, v42;
	v16 =	vld [tilespmem:$0x1FFC0]  }
0x3ae: {  	v11 =	vsub.f32 v11, v42;
	v48 =	vmul.f32 v15, v23  }
0x3af: {  	s8 =	smul.f32 s20, s28;
	v8 =	vsub.f32 v8, v42;
	v49 =	vmul.f32 v6, v26;
	v0 =	vadd.f32 v47, v27  }
0x3b0: {  	v11 =	vmul.f32 v11, v50;
	v1 =	vadd.f32 v48, v24  }
0x3b1: {  	s22 =	smul.f32 s8, s20;
	v8 =	vmul.f32 v8, v30;
	v3 =	vadd.f32 v49, v54;
	[tilespmem:s12+$0xFFFFFF10] =	vst v0  }
0x3b2: {  	v12 =	vmul.f32 v12, v29;
	v11 =	vadd.f32 v11, v31;
	v0 =	vld [tilespmem:$0x1FAF0];
	[tilespmem:s12+$0xFFFFFF20] =	vst v1;
	v7 =	vadd.f32 v52, v16  }
0x3b3: {  	s23 =	ssub.f32 $1.500000000e+00, s22;
	v2 =	vmul.f32 v2, v30;
	v4 =	vmul.f32 v4, v29;
	v1 =	vld [tilespmem:$0x1FAE0];
	[tilespmem:s12+$0xFFFFFF30] =	vst v3;
	v8 =	vadd.f32 v8, v17  }
0x3b4: {  	v12 =	vadd.f32 v12, v40;
	v13 =	vmul.f32 v18, v21;
	v9 =	vmul.f32 v9, v22;
	v3 =	vld [tilespmem:$0x1FB10];
	[tilespmem:s12+$0xFFFFFF40] =	vst v7  }
0x3b5: {  	s0 =	smul.f32 s23, s20;
	v4 =	vadd.f32 v4, v40;
	v14 =	vmul.f32 v14, v23;
	v10 =	vmul.f32 v10, v26;
	v7 =	vld [tilespmem:$0x1FB30];
	[tilespmem:s12+$0xFFFFFF50] =	vst v8  }
0x3b6: {  	v6 =	vmul.f32 v51, v50;
	v13 =	vadd.f32 v13, v25;
	v9 =	vadd.f32 v9, v27;
	v8 =	vld [tilespmem:$0x1FB60];
	[tilespmem:s12+$0xFFFFFF60] =	vst v12  }
0x3b7: {  	s1 =	smul.f32 s0, s1;
	v5 =	vmul.f32 v5, v28;
	v14 =	vadd.f32 v14, v24;
	v10 =	vadd.f32 v10, v54;
	v12 =	vld [tilespmem:$0x1FB70];
	[tilespmem:s12+$0xFFFFFF70] =	vst v11  }
0x3b8: {  	v2 =	vadd.f32 v2, v17;
	v0 =	vmul.f32 s0, v0;
	v1 =	vmul.f32 s0, v1;
	v11 =	vld [tilespmem:$0x1FBB0];
	[tilespmem:s12+$0xFFFFFF80] =	vst v13  }
0x3b9: {  	v5 =	vadd.f32 v5, v16;
	v3 =	vmul.f32 s0, v3;
	[tilespmem:s12+$0xFFFFFF90] =	vst v9;
	v9 =	vmov s1  }
0x3ba: {  	v13 =	vmul.f32 s0, v34;
	[tilespmem:s12+$0xFFFFFFA0] =	vst v14;
	v0 =	vsub.f32 v0, v9;
	v1 =	vsub.f32 v1, v9  }
0x3bb: {  	[tilespmem:s12+$0xFFFFFFB0] =	vst v10;
	v3 =	vsub.f32 v3, v9;
	v7 =	vmul.f32 s0, v7;
	v8 =	vmul.f32 s0, v8  }
0x3bc: {  	[tilespmem:s12+$0xFFFFFFC0] =	vst v5;
	v59 =	vsub.f32 v13, v9;
	v0 =	vmul.f32 v0, v21;
	v1 =	vmul.f32 v1, v22  }
0x3bd: {  	v55 =	vadd.f32 v6, v31;
	[tilespmem:s12+$0xFFFFFFD0] =	vst v2;
	v3 =	vmul.f32 v3, v23;
	v12 =	vmul.f32 s0, v12  }
0x3be: {  	[tilespmem:s12+$0xFFFFFFE0] =	vst v4;
	v53 =	vsub.f32 v7, v9;
	v62 =	vmul.f32 v59, v50;
	v0 =	vadd.f32 v0, v25  }
0x3bf: {  	[tilespmem:s12+$0xFFFFFFF0] =	vst v55;
	v11 =	vmul.f32 s0, v11;
	v56 =	vsub.f32 v8, v9;
	v1 =	vadd.f32 v1, v27  }
0x3c0: {  	v3 =	vadd.f32 v3, v24;
	v57 =	vsub.f32 v12, v9;
	v2 =	vmul.f32 v53, v26;
	[tilespmem:s12+$0x0] =	vst v0  }
0x3c1: {  	v63 =	vadd.f32 v62, v31;
	v58 =	vsub.f32 v11, v9;
	v4 =	vmul.f32 v56, v28;
	[tilespmem:s12+$0x10] =	vst v1  }
0x3c2: {  	s16 =	sadd.s32 $0x1, s16;
	[tilespmem:s12+$0x20] =	vst v3;
	v60 =	vmul.f32 v57, v30;
	v2 =	vadd.f32 v2, v54  }
0x3c3: {  	p0 =	sne.s32 s16, $0x19;
	[tilespmem:s12+$0x70] =	vst v63;
	v0 =	vmul.f32 v58, v29;
	v61 =	vadd.f32 v4, v16  }
.Ltmp3:
0x3c4: {  	[tilespmem:s12+$0x30] =	vst v2;
	v1 =	vadd.f32 v60, v17;
	(pc) =	sbr.rel @p0 .LBB2_4-.Ltmp3, $4  }
0x3c5: {  	s4 =	sadd.s32 $0x8000, s4;
	s2 =	sadd.s32 $0x100, s2;
	s6 =	sadd.s32 $0x8000, s6;
	[tilespmem:s12+$0x40] =	vst v61;
	v0 =	vadd.f32 v0, v40  }
0x3c6: {  	s3 =	sadd.s32 $0x100, s3;
	s25 =	sshll.u32 s18, $0x4;
	s26 =	rddreg [dreg:$0x6];
	[tilespmem:s12+$0x50] =	vst v1  }
0x3c7: {  	s30 =	simm.s32 $0xC100;
	s28 =	simm.s32 $0x0;
	s0 =	sadd.s32 s26, s25;
	[tilespmem:s12+$0x60] =	vst v0  }
0x3c8: {  	v15 =	vmovc v54;
	v14 =	vmov v27;
	v13 =	vmov v31;
	v11 =	vmov v50;
	[hbm4b:s0+s28] =	stream.linear.scatter [tilespmem:s30], [sflag:$0x4], $0x4000, $0x38;
	[tilespmem:$0x16680] =	vst v63  }
0x3c9: {  	s0 =	simm.s32 $0x3  }
0x3ca: {  	_ =	swait.ge [sflag:s0], $0x4000  }
0x3cb: {  	[sflag:s0] =	ssyncset.done $0x0  }
0x3cc: {  	s1 =	simm.s32 $0x4;
	[sflag:s0] =	ssyncadd.s32 $0xFFFFC000  }
0x3cd: {  	_ =	swait.ge [sflag:s1], $0x4000  }
0x3ce: {  	s2 =	rddreg [dreg:$0xd]  }
0x3cf: {  	s30 =	rddreg [dreg:$0xc];
	s2 =	sadd.s32 $0x1, s2  }
0x3d0: {  	p0 =	sne.s32 s2, s30  }
.Ltmp4:
0x3d1: {  	_ = 	snop;
	(pc) =	sbr.rel @p0 .LBB2_1-.Ltmp4, $3  }
0x3d2: {  	_ =	sdelay $0x1  }
0x3d3: {  	[sflag:s1] =	ssyncset.done $0x0  }
0x3d4: {  	[sflag:s1] =	ssyncadd.s32 $0xFFFFC000  }
0x3d5: {  	_ =	sfence.sel $0x180000  }
0x3d6: {  	[bflag:$0x0] =	sbarrier.arrive $0xFFFF  }
0x3d7: {  	_ =	strace $0x90000047  }
0x3d8: {  	s0 =	stileid.u32;
	[bflag:$0x2] =	sbarrier.arrive $0xFFFF  }
0x3d9: {  	p0 =	sne.s32 s0, $0x0;
	s0 =	rddreg [dreg:$0x7]  }
0x3da: {  	s0 =	sadd.s32 @!p0 $0x100000, s0  }
0x3db: {  	[sflag:s0] =	ssyncadd.tile.s32 @!p0 $0x1;
	_ =	shalt  }
.Lfunc_end2:
_tile_overlayer_lowered:
.L_overlay_start_2:
0x3dc: {  	(tag) =	ssettag $0x2  }
0x3dd: {  	s0 =	rddreg [dreg:$0x0];
	s2 =	stileid.u32  }
0x3de: {  	s1 =	rddreg [dreg:$0x1];
	p0 =	sne.s32 s2, $0x0  }
0x3df: {  	s3 =	rddreg [dreg:$0x2];
	[bflag:$0x3] =	sbarrier.arrive $0xFFFF;
	s2 =	simm.s32 @!p0 $0x1C07  }
0x3e0: {  	[timem:s3], [sflag:s2] =	dma.local @!p0 [hbm:s0], s1  }
0x3e1: {  	s0 =	simm.s32 @!p0 $0x7  }
0x3e2: {  	_ =	swait.ge @!p0 [sflag:s0], s1  }
0x3e3: {  	s1 =	ssub.s32 @!p0 $0x0, s1;
	[sflag:s0] =	ssyncset.done @!p0 $0x0  }
0x3e4: {  	[sflag:s0] =	ssyncadd.s32 @!p0 s1  }
0x3e5: {  	[bflag:$0x3] =	sbarrier.arrive $0xFFFF  }
0x3e6: {  	_ =	shalt  }

</sc_bundles>
